<compile_context>
chip_gen: v7x
topology: tpu7x:2x2x1
jax: 0.10.2.dev20260603
libtpu: 0.0.44.dev20260713+nightly
codegen_flags: <defaults>
</compile_context>

<pallas_src>
import functools

import jax
import jax.numpy as jnp
from jax import lax
from jax.experimental import pallas as pl
from jax.experimental.pallas import tpu as pltpu
from jax.experimental.pallas import tpu_sc as plsc

_B = 425984
_D = 32
_T = 1000000
_Q = 250000
_NW = 32
_P1_MAIN = 122
_P2_WIN = 104
_BPW = _B // _NW

_mesh = plsc.VectorSubcoreMesh(core_axis_name="core", subcore_axis_name="subcore")
_cp = pltpu.CompilerParams(use_tc_tiling_on_sc=True, needs_layout_passes=False)


def _lane_quads():
    io = lax.iota(jnp.int32, 16)
    return io >> 2, io & 3


def _transpose_window(instage, outstage, ncols):
    io = lax.iota(jnp.int32, 16)
    q_off = io >> 2
    sub = (io & 3) * 32

    def d_step(t, _):
        for u in range(2):
            d = 2 * t + u
            d_splat = jnp.broadcast_to(d, (16,)).astype(jnp.int32)
            col_vec = sub + ((d_splat + io) & 31)
            for r0 in range(0, ncols, 16):
                vals = plsc.load_gather(instage, [d_splat, r0 + io])
                plsc.store_scatter(outstage, [r0 // 4 + q_off, col_vec], vals)
        return _

    lax.fori_loop(0, _D // 2, d_step, None)


def _fused(tableT, idx):
    @pl.kernel(
        out_type=(
            jax.ShapeDtypeStruct((_D, _B), jnp.float32),
            jax.ShapeDtypeStruct((_Q, 128), jnp.float32),
        ),
        mesh=_mesh,
        compiler_params=_cp,
        scratch_types=[
            pltpu.VMEM((_D, 256), jnp.float32),
            pltpu.VMEM((_D, 256), jnp.float32),
            pltpu.VMEM((64, 128), jnp.float32),
            pltpu.VMEM((64, 128), jnp.float32),
            pltpu.VMEM((_BPW,), jnp.int32),
            pltpu.VMEM((_BPW,), jnp.int32),
            pltpu.VMEM((_BPW,), jnp.int32),
            pltpu.VMEM((128, 128), jnp.float32),
            pltpu.VMEM((128, 128), jnp.float32),
            pltpu.VMEM((_D, 128), jnp.float32),
            pltpu.VMEM((_D, 128), jnp.float32),
            pltpu.VMEM((_D, 64), jnp.float32),
            pltpu.SemaphoreType.DMA,
            pltpu.SemaphoreType.DMA,
            pltpu.SemaphoreType.DMA,
            pltpu.SemaphoreType.DMA,
            pltpu.SemaphoreType.DMA,
            pltpu.SemaphoreType.DMA,
            pltpu.SemaphoreType.DMA,
            pltpu.SemaphoreType.DMA,
            pltpu.SemaphoreType.REGULAR,
        ],
    )
    def body(t_hbm, i_hbm, o_hbm, t4_hbm,
             in0, in1, tr0, tr1, idx_all, prem_all, rot_all,
             gath0, gath1, ost0, ost1, tailst,
             sem_in0, sem_in1, sem_out0, sem_out1,
             sem_g0, sem_g1, sem_o0, sem_o1, bsem):
        wid = lax.axis_index("subcore") * 2 + lax.axis_index("core")
        ins = (in0, in1)
        trs = (tr0, tr1)
        sem_ins = (sem_in0, sem_in1)
        sem_outs = (sem_out0, sem_out1)

        def in_copy(j, b):
            c = wid + _NW * j
            return pltpu.make_async_copy(
                t_hbm.at[:, pl.ds(256 * c, 256)], ins[b], sem_ins[b])

        def out_copy(j, b):
            c = wid + _NW * j
            return pltpu.make_async_copy(
                trs[b], t4_hbm.at[pl.ds(64 * c, 64), :], sem_outs[b])

        in_copy(0, 0).start()
        in_copy(1, 1).start()

        def p1_step(k, _):
            for b in range(2):
                j = 2 * k + b
                in_copy(j, b).wait()

                @pl.when(j >= 2)
                def _():
                    out_copy(j - 2, b).wait()

                _transpose_window(ins[b], trs[b], 256)
                out_copy(j, b).start()

                @pl.when(j + 2 < _P1_MAIN)
                def _():
                    in_copy(j + 2, b).start()
            return _

        lax.fori_loop(0, _P1_MAIN // 2, p1_step, None)
        out_copy(_P1_MAIN - 2, 0).wait()
        out_copy(_P1_MAIN - 1, 1).wait()

        @pl.when(wid < 2)
        def _():
            c = 3904 + wid
            pltpu.sync_copy(t_hbm.at[:, pl.ds(256 * c, 256)], in0)
            _transpose_window(in0, tr0, 256)
            pltpu.sync_copy(tr0, t4_hbm.at[pl.ds(64 * c, 64), :])

        @pl.when(wid == 4)
        def _():
            pltpu.sync_copy(t_hbm.at[:, pl.ds(999936, 64)], tailst)
            _transpose_window(tailst, tr0, 64)
            pltpu.sync_copy(
                tr0.at[pl.ds(0, 16), :], t4_hbm.at[pl.ds(249984, 16), :])

        plsc.subcore_barrier()
        pltpu.core_barrier(bsem, core_axis_name="core")
        plsc.subcore_barrier()

        pltpu.sync_copy(i_hbm.at[pl.ds(wid * _BPW, _BPW)], idx_all)

        def idx_step(g, _):
            v = idx_all[pl.ds(16 * g, 16)]
            prem_all[pl.ds(16 * g, 16)] = (v & 3) * 32
            rot_all[pl.ds(16 * g, 16)] = v & 15
            idx_all[pl.ds(16 * g, 16)] = v >> 2
            return _

        lax.fori_loop(0, _BPW // 16, idx_step, None)

        gaths = (gath0, gath1)
        osts = (ost0, ost1)
        sem_gs = (sem_g0, sem_g1)
        sem_os = (sem_o0, sem_o1)

        def g_copy(j, b):
            return pltpu.make_async_copy(
                t4_hbm.at[idx_all.at[pl.ds(128 * j, 128)]], gaths[b], sem_gs[b])

        def o_copy(j, b):
            col = 128 * (wid * _P2_WIN + j)
            return pltpu.make_async_copy(
                osts[b], o_hbm.at[:, pl.ds(col, 128)], sem_os[b])

        g_copy(0, 0).start()
        g_copy(1, 1).start()

        dd, rr = _lane_quads()

        def p2_step(k, _):
            for b in range(2):
                j = 2 * k + b
                g_copy(j, b).wait()

                @pl.when(j >= 2)
                def _():
                    o_copy(j - 2, b).wait()

                base = 128 * j

                def i_step(t, _, b=b):
                    i0 = 4 * t
                    prem_rep = plsc.load_gather(prem_all, [base + i0 + dd])
                    rot_rep = plsc.load_gather(rot_all, [base + i0 + dd])
                    row_vec = i0 + dd
                    col_vec = jnp.broadcast_to(i0, (16,)).astype(jnp.int32) + dd
                    for d0 in range(0, _D, 4):
                        skew = prem_rep + ((d0 + rr + rot_rep) & 31)
                        vals = plsc.load_gather(gaths[b], [row_vec, skew])
                        plsc.store_scatter(osts[b], [d0 + rr, col_vec], vals)
                    return _

                lax.fori_loop(0, 32, i_step, None)
                o_copy(j, b).start()

                @pl.when(j + 2 < _P2_WIN)
                def _():
                    g_copy(j + 2, b).start()
            return _

        lax.fori_loop(0, _P2_WIN // 2, p2_step, None)
        o_copy(_P2_WIN - 2, 0).wait()
        o_copy(_P2_WIN - 1, 1).wait()

    return body(tableT, idx)


def kernel(variable_embeddings, candidate_indices):
    idx = candidate_indices.astype(jnp.int32)
    outT, _ = _fused(variable_embeddings.T, idx)
    return outT.T

# --- scband reference (transcript-rebuilt; emitter-appended) ---
"""Pipeline reference for scband-variable-tuple-encoder-19928648254213 (READ-ONLY COPY).

The authoritative reference and input builder live on the scoring server;
editing this copy changes nothing except your own understanding.
"""

import jax, jax.numpy as jnp
import numpy as np

def setup_inputs(seed: int = 0) -> dict:
    key = jax.random.key(seed)
    k1, k2 = jax.random.split(key)
    variable_embeddings = jax.random.normal(k1, (1000000, 32), dtype=jnp.float32)
    candidate_indices = jax.random.randint(k2, (425984,), 0, 1000000, dtype=jnp.int64) if jax.config.jax_enable_x64 else jax.random.randint(k2, (425984,), 0, 1000000, dtype=jnp.int32)
    return {"variable_embeddings": variable_embeddings, "candidate_indices": candidate_indices}

def reference(variable_embeddings, candidate_indices):
    # torch index_select(0, idx) == gather rows
    candidate_embeddings = jnp.take(variable_embeddings, candidate_indices, axis=0)
    return candidate_embeddings

if __name__ == "__main__":
    import jax
    _d = setup_inputs()
    print(jax.jit(kernel)(*tuple(_d.values())))

</pallas_src>

<mosaic_0001>
#map = affine_map<(d0, d1) -> (0, 0)>
#map1 = affine_map<(d0, d1) -> (0)>
module attributes {stable_mosaic.version = 14 : i64} {
  func.func @body(%arg0: i32, %arg1: i32, %arg2: memref<32x1000000xf32, #tpu.memory_space<hbm>>, %arg3: memref<425984xi32, #tpu.memory_space<hbm>>, %arg4: memref<32x425984xf32, #tpu.memory_space<hbm>>, %arg5: memref<250000x128xf32, #tpu.memory_space<hbm>>, %arg6: memref<32x256xf32, #tpu.memory_space<vmem>>, %arg7: memref<32x256xf32, #tpu.memory_space<vmem>>, %arg8: memref<64x128xf32, #tpu.memory_space<vmem>>, %arg9: memref<64x128xf32, #tpu.memory_space<vmem>>, %arg10: memref<13312xi32, #tpu.memory_space<vmem>>, %arg11: memref<13312xi32, #tpu.memory_space<vmem>>, %arg12: memref<13312xi32, #tpu.memory_space<vmem>>, %arg13: memref<128x128xf32, #tpu.memory_space<vmem>>, %arg14: memref<128x128xf32, #tpu.memory_space<vmem>>, %arg15: memref<32x128xf32, #tpu.memory_space<vmem>>, %arg16: memref<32x128xf32, #tpu.memory_space<vmem>>, %arg17: memref<32x64xf32, #tpu.memory_space<vmem>>, %arg18: memref<!tpu.dma_semaphore, #tpu.memory_space<semaphore_mem>>, %arg19: memref<!tpu.dma_semaphore, #tpu.memory_space<semaphore_mem>>, %arg20: memref<!tpu.dma_semaphore, #tpu.memory_space<semaphore_mem>>, %arg21: memref<!tpu.dma_semaphore, #tpu.memory_space<semaphore_mem>>, %arg22: memref<!tpu.dma_semaphore, #tpu.memory_space<semaphore_mem>>, %arg23: memref<!tpu.dma_semaphore, #tpu.memory_space<semaphore_mem>>, %arg24: memref<!tpu.dma_semaphore, #tpu.memory_space<semaphore_mem>>, %arg25: memref<!tpu.dma_semaphore, #tpu.memory_space<semaphore_mem>>, %arg26: memref<!tpu.semaphore, #tpu.memory_space<semaphore_mem>>) attributes {dimension_semantics = [#tpu.dimension_semantics<core_parallel>, #tpu.dimension_semantics<subcore_parallel>], iteration_bounds = array<i64: 2, 16>, scalar_prefetch = 0 : i64, scratch_operands = 21 : i64, tpu.core_type = #tpu.core_type<sc_vector_subcore>, window_params = [{transform_indices = #map}, {transform_indices = #map1}, {transform_indices = #map}, {transform_indices = #map}]} {
    %mul3A = arith.constant 2 : i32
    %mul3A_0 = arith.muli %arg1, %mul3A : i32
    %add3A = arith.addi %mul3A_0, %arg0 : i32
    %add3A_1 = arith.constant 0 : i32
    %add3A_2 = arith.addi %add3A, %add3A_1 : i32
    %mul3A_3 = arith.constant 256 : i32
    %mul3A_4 = arith.muli %mul3A_3, %add3A_2 : i32
    %dma_start3A = arith.constant 0 : i32
    %dma_start3A_5 = tpu.memref_slice %arg2[%dma_start3A, %mul3A_4] : memref<32x1000000xf32, #tpu.memory_space<hbm>> -> memref<32x256xf32, #tpu.memory_space<hbm>>
    %dma_start3A_6 = arith.constant 0 : i32
    %dma_start3A_7 = tpu.memref_slice %arg2[%dma_start3A_6, %mul3A_4] : memref<32x1000000xf32, #tpu.memory_space<hbm>> -> memref<32x256xf32, #tpu.memory_space<hbm>>
    tpu.enqueue_dma source(%dma_start3A_7 : memref<32x256xf32, #tpu.memory_space<hbm>>) target(%arg6 : memref<32x256xf32, #tpu.memory_space<vmem>>) target_semaphore(%arg18 : memref<!tpu.dma_semaphore, #tpu.memory_space<semaphore_mem>>)
    %add3A_8 = arith.constant 32 : i32
    %add3A_9 = arith.addi %add3A, %add3A_8 : i32
    %mul3A_10 = arith.constant 256 : i32
    %mul3A_11 = arith.muli %mul3A_10, %add3A_9 : i32
    %dma_start3A_12 = arith.constant 0 : i32
    %dma_start3A_13 = tpu.memref_slice %arg2[%dma_start3A_12, %mul3A_11] : memref<32x1000000xf32, #tpu.memory_space<hbm>> -> memref<32x256xf32, #tpu.memory_space<hbm>>
    %dma_start3A_14 = arith.constant 0 : i32
    %dma_start3A_15 = tpu.memref_slice %arg2[%dma_start3A_14, %mul3A_11] : memref<32x1000000xf32, #tpu.memory_space<hbm>> -> memref<32x256xf32, #tpu.memory_space<hbm>>
    tpu.enqueue_dma source(%dma_start3A_15 : memref<32x256xf32, #tpu.memory_space<hbm>>) target(%arg7 : memref<32x256xf32, #tpu.memory_space<vmem>>) target_semaphore(%arg19 : memref<!tpu.dma_semaphore, #tpu.memory_space<semaphore_mem>>)
    %scan3A = arith.constant 0 : i32
    %scan3A_16 = arith.constant 61 : i32
    %scan3A_17 = arith.addi %scan3A, %scan3A_16 : i32
    %scan3A_18 = arith.constant 1 : i32
    scf.for %scan3A_98 = %scan3A to %scan3A_17 step %scan3A_18  : i32 {
      %mul3A_99 = arith.constant 2 : i32
      %mul3A_100 = arith.muli %mul3A_99, %scan3A_98 : i32
      %add3A_101 = arith.constant 0 : i32
      %add3A_102 = arith.addi %mul3A_100, %add3A_101 : i32
      %mul3A_103 = arith.constant 32 : i32
      %mul3A_104 = arith.muli %mul3A_103, %add3A_102 : i32
      %add3A_105 = arith.addi %add3A, %mul3A_104 : i32
      %mul3A_106 = arith.constant 256 : i32
      %mul3A_107 = arith.muli %mul3A_106, %add3A_105 : i32
      %dma_wait3A_108 = arith.constant 0 : i32
      %dma_wait3A_109 = tpu.memref_slice %arg2[%dma_wait3A_108, %mul3A_107] : memref<32x1000000xf32, #tpu.memory_space<hbm>> -> memref<32x256xf32, #tpu.memory_space<hbm>>
      %dma_wait3A_110 = arith.constant 0 : i32
      %dma_wait3A_111 = tpu.memref_slice %arg2[%dma_wait3A_110, %mul3A_107] : memref<32x1000000xf32, #tpu.memory_space<hbm>> -> memref<32x256xf32, #tpu.memory_space<hbm>>
      tpu.wait_dma2 semaphore(%arg18 : memref<!tpu.dma_semaphore, #tpu.memory_space<semaphore_mem>>) src(%dma_wait3A_111 : memref<32x256xf32, #tpu.memory_space<hbm>>) dst(%arg6 : memref<32x256xf32, #tpu.memory_space<vmem>>)
      %ge3A = arith.constant 2 : i32
      %ge3A_112 = arith.cmpi sge, %add3A_102, %ge3A : i32
      %convert_element_type3A_113 = arith.extui %ge3A_112 : i1 to i32
      %cond3A_114 = arith.constant 0 : i32
      %cond3A_115 = arith.cmpi ne, %convert_element_type3A_113, %cond3A_114 : i32
      scf.if %cond3A_115 {
        %sub3A = arith.constant 2 : i32
        %sub3A_196 = arith.subi %add3A_102, %sub3A : i32
        %mul3A_197 = arith.constant 32 : i32
        %mul3A_198 = arith.muli %mul3A_197, %sub3A_196 : i32
        %add3A_199 = arith.addi %add3A, %mul3A_198 : i32
        %mul3A_200 = arith.constant 64 : i32
        %mul3A_201 = arith.muli %mul3A_200, %add3A_199 : i32
        %dma_wait3A_202 = arith.constant 0 : i32
        %dma_wait3A_203 = tpu.memref_slice %arg5[%mul3A_201, %dma_wait3A_202] : memref<250000x128xf32, #tpu.memory_space<hbm>> -> memref<64x128xf32, #tpu.memory_space<hbm>>
        %dma_wait3A_204 = arith.constant 0 : i32
        %dma_wait3A_205 = tpu.memref_slice %arg5[%mul3A_201, %dma_wait3A_204] : memref<250000x128xf32, #tpu.memory_space<hbm>> -> memref<64x128xf32, #tpu.memory_space<hbm>>
        tpu.wait_dma2 semaphore(%arg20 : memref<!tpu.dma_semaphore, #tpu.memory_space<semaphore_mem>>) src(%arg8 : memref<64x128xf32, #tpu.memory_space<vmem>>) dst(%dma_wait3A_205 : memref<64x128xf32, #tpu.memory_space<hbm>>)
      } else {
      }
      %iota3A_116 = tpu.iota {dimensions = array<i32: 0>} : vector<16xi32>
      %shift_right_arithmetic3A_117 = arith.constant 2 : i32
      %shift_right_arithmetic3A_118 = vector.broadcast %shift_right_arithmetic3A_117 : i32 to vector<16xi32>
      %shift_right_arithmetic3A_119 = arith.shrsi %iota3A_116, %shift_right_arithmetic3A_118 : vector<16xi32>
      %and3A_120 = arith.constant 3 : i32
      %and3A_121 = vector.broadcast %and3A_120 : i32 to vector<16xi32>
      %and3A_122 = arith.andi %iota3A_116, %and3A_121 : vector<16xi32>
      %mul3A_123 = arith.constant 32 : i32
      %mul3A_124 = vector.broadcast %mul3A_123 : i32 to vector<16xi32>
      %mul3A_125 = arith.muli %and3A_122, %mul3A_124 : vector<16xi32>
      %scan3A_126 = arith.constant 0 : i32
      %scan3A_127 = arith.constant 16 : i32
      %scan3A_128 = arith.addi %scan3A_126, %scan3A_127 : i32
      %scan3A_129 = arith.constant 1 : i32
      scf.for %scan3A_196 = %scan3A_126 to %scan3A_128 step %scan3A_129  : i32 {
        %mul3A_197 = arith.constant 2 : i32
        %mul3A_198 = arith.muli %mul3A_197, %scan3A_196 : i32
        %add3A_199 = arith.constant 0 : i32
        %add3A_200 = arith.addi %mul3A_198, %add3A_199 : i32
        %broadcast_in_dim3A = vector.broadcast %add3A_200 : i32 to vector<16xi32>
        %add3A_201 = arith.addi %broadcast_in_dim3A, %iota3A_116 : vector<16xi32>
        %and3A_202 = arith.constant 31 : i32
        %and3A_203 = vector.broadcast %and3A_202 : i32 to vector<16xi32>
        %and3A_204 = arith.andi %add3A_201, %and3A_203 : vector<16xi32>
        %add3A_205 = arith.addi %mul3A_125, %and3A_204 : vector<16xi32>
        %add3A_206 = arith.constant 0 : i32
        %add3A_207 = vector.broadcast %add3A_206 : i32 to vector<16xi32>
        %add3A_208 = arith.addi %add3A_207, %iota3A_116 : vector<16xi32>
        %gather3A = tpu.vector_load_idx %arg6[%broadcast_in_dim3A, %add3A_208] : memref<32x256xf32, #tpu.memory_space<vmem>>[vector<16xi32>, vector<16xi32>], vector<16xf32>,
        %add3A_209 = arith.constant 0 : i32
        %add3A_210 = vector.broadcast %add3A_209 : i32 to vector<16xi32>
        %add3A_211 = arith.addi %add3A_210, %shift_right_arithmetic3A_119 : vector<16xi32>
        tpu.vector_store_idx %arg8[%add3A_211, %add3A_205], %gather3A : memref<64x128xf32, #tpu.memory_space<vmem>>[vector<16xi32>, vector<16xi32>], vector<16xf32>,
        %add3A_212 = arith.constant 16 : i32
        %add3A_213 = vector.broadcast %add3A_212 : i32 to vector<16xi32>
        %add3A_214 = arith.addi %add3A_213, %iota3A_116 : vector<16xi32>
        %gather3A_215 = tpu.vector_load_idx %arg6[%broadcast_in_dim3A, %add3A_214] : memref<32x256xf32, #tpu.memory_space<vmem>>[vector<16xi32>, vector<16xi32>], vector<16xf32>,
        %add3A_216 = arith.constant 4 : i32
        %add3A_217 = vector.broadcast %add3A_216 : i32 to vector<16xi32>
        %add3A_218 = arith.addi %add3A_217, %shift_right_arithmetic3A_119 : vector<16xi32>
        tpu.vector_store_idx %arg8[%add3A_218, %add3A_205], %gather3A_215 : memref<64x128xf32, #tpu.memory_space<vmem>>[vector<16xi32>, vector<16xi32>], vector<16xf32>,
        %add3A_219 = arith.constant 32 : i32
        %add3A_220 = vector.broadcast %add3A_219 : i32 to vector<16xi32>
        %add3A_221 = arith.addi %add3A_220, %iota3A_116 : vector<16xi32>
        %gather3A_222 = tpu.vector_load_idx %arg6[%broadcast_in_dim3A, %add3A_221] : memref<32x256xf32, #tpu.memory_space<vmem>>[vector<16xi32>, vector<16xi32>], vector<16xf32>,
        %add3A_223 = arith.constant 8 : i32
        %add3A_224 = vector.broadcast %add3A_223 : i32 to vector<16xi32>
        %add3A_225 = arith.addi %add3A_224, %shift_right_arithmetic3A_119 : vector<16xi32>
        tpu.vector_store_idx %arg8[%add3A_225, %add3A_205], %gather3A_222 : memref<64x128xf32, #tpu.memory_space<vmem>>[vector<16xi32>, vector<16xi32>], vector<16xf32>,
        %add3A_226 = arith.constant 48 : i32
        %add3A_227 = vector.broadcast %add3A_226 : i32 to vector<16xi32>
        %add3A_228 = arith.addi %add3A_227, %iota3A_116 : vector<16xi32>
        %gather3A_229 = tpu.vector_load_idx %arg6[%broadcast_in_dim3A, %add3A_228] : memref<32x256xf32, #tpu.memory_space<vmem>>[vector<16xi32>, vector<16xi32>], vector<16xf32>,
        %add3A_230 = arith.constant 12 : i32
        %add3A_231 = vector.broadcast %add3A_230 : i32 to vector<16xi32>
        %add3A_232 = arith.addi %add3A_231, %shift_right_arithmetic3A_119 : vector<16xi32>
        tpu.vector_store_idx %arg8[%add3A_232, %add3A_205], %gather3A_229 : memref<64x128xf32, #tpu.memory_space<vmem>>[vector<16xi32>, vector<16xi32>], vector<16xf32>,
        %add3A_233 = arith.constant 64 : i32
        %add3A_234 = vector.broadcast %add3A_233 : i32 to vector<16xi32>
        %add3A_235 = arith.addi %add3A_234, %iota3A_116 : vector<16xi32>
        %gather3A_236 = tpu.vector_load_idx %arg6[%broadcast_in_dim3A, %add3A_235] : memref<32x256xf32, #tpu.memory_space<vmem>>[vector<16xi32>, vector<16xi32>], vector<16xf32>,
        %add3A_237 = arith.constant 16 : i32
        %add3A_238 = vector.broadcast %add3A_237 : i32 to vector<16xi32>
        %add3A_239 = arith.addi %add3A_238, %shift_right_arithmetic3A_119 : vector<16xi32>
        tpu.vector_store_idx %arg8[%add3A_239, %add3A_205], %gather3A_236 : memref<64x128xf32, #tpu.memory_space<vmem>>[vector<16xi32>, vector<16xi32>], vector<16xf32>,
        %add3A_240 = arith.constant 80 : i32
        %add3A_241 = vector.broadcast %add3A_240 : i32 to vector<16xi32>
        %add3A_242 = arith.addi %add3A_241, %iota3A_116 : vector<16xi32>
        %gather3A_243 = tpu.vector_load_idx %arg6[%broadcast_in_dim3A, %add3A_242] : memref<32x256xf32, #tpu.memory_space<vmem>>[vector<16xi32>, vector<16xi32>], vector<16xf32>,
        %add3A_244 = arith.constant 20 : i32
        %add3A_245 = vector.broadcast %add3A_244 : i32 to vector<16xi32>
        %add3A_246 = arith.addi %add3A_245, %shift_right_arithmetic3A_119 : vector<16xi32>
        tpu.vector_store_idx %arg8[%add3A_246, %add3A_205], %gather3A_243 : memref<64x128xf32, #tpu.memory_space<vmem>>[vector<16xi32>, vector<16xi32>], vector<16xf32>,
        %add3A_247 = arith.constant 96 : i32
        %add3A_248 = vector.broadcast %add3A_247 : i32 to vector<16xi32>
        %add3A_249 = arith.addi %add3A_248, %iota3A_116 : vector<16xi32>
        %gather3A_250 = tpu.vector_load_idx %arg6[%broadcast_in_dim3A, %add3A_249] : memref<32x256xf32, #tpu.memory_space<vmem>>[vector<16xi32>, vector<16xi32>], vector<16xf32>,
        %add3A_251 = arith.constant 24 : i32
        %add3A_252 = vector.broadcast %add3A_251 : i32 to vector<16xi32>
        %add3A_253 = arith.addi %add3A_252, %shift_right_arithmetic3A_119 : vector<16xi32>
        tpu.vector_store_idx %arg8[%add3A_253, %add3A_205], %gather3A_250 : memref<64x128xf32, #tpu.memory_space<vmem>>[vector<16xi32>, vector<16xi32>], vector<16xf32>,
        %add3A_254 = arith.constant 112 : i32
        %add3A_255 = vector.broadcast %add3A_254 : i32 to vector<16xi32>
        %add3A_256 = arith.addi %add3A_255, %iota3A_116 : vector<16xi32>
        %gather3A_257 = tpu.vector_load_idx %arg6[%broadcast_in_dim3A, %add3A_256] : memref<32x256xf32, #tpu.memory_space<vmem>>[vector<16xi32>, vector<16xi32>], vector<16xf32>,
        %add3A_258 = arith.constant 28 : i32
        %add3A_259 = vector.broadcast %add3A_258 : i32 to vector<16xi32>
        %add3A_260 = arith.addi %add3A_259, %shift_right_arithmetic3A_119 : vector<16xi32>
        tpu.vector_store_idx %arg8[%add3A_260, %add3A_205], %gather3A_257 : memref<64x128xf32, #tpu.memory_space<vmem>>[vector<16xi32>, vector<16xi32>], vector<16xf32>,
        %add3A_261 = arith.constant 128 : i32
        %add3A_262 = vector.broadcast %add3A_261 : i32 to vector<16xi32>
        %add3A_263 = arith.addi %add3A_262, %iota3A_116 : vector<16xi32>
        %gather3A_264 = tpu.vector_load_idx %arg6[%broadcast_in_dim3A, %add3A_263] : memref<32x256xf32, #tpu.memory_space<vmem>>[vector<16xi32>, vector<16xi32>], vector<16xf32>,
        %add3A_265 = arith.constant 32 : i32
        %add3A_266 = vector.broadcast %add3A_265 : i32 to vector<16xi32>
        %add3A_267 = arith.addi %add3A_266, %shift_right_arithmetic3A_119 : vector<16xi32>
        tpu.vector_store_idx %arg8[%add3A_267, %add3A_205], %gather3A_264 : memref<64x128xf32, #tpu.memory_space<vmem>>[vector<16xi32>, vector<16xi32>], vector<16xf32>,
        %add3A_268 = arith.constant 144 : i32
        %add3A_269 = vector.broadcast %add3A_268 : i32 to vector<16xi32>
        %add3A_270 = arith.addi %add3A_269, %iota3A_116 : vector<16xi32>
        %gather3A_271 = tpu.vector_load_idx %arg6[%broadcast_in_dim3A, %add3A_270] : memref<32x256xf32, #tpu.memory_space<vmem>>[vector<16xi32>, vector<16xi32>], vector<16xf32>,
        %add3A_272 = arith.constant 36 : i32
        %add3A_273 = vector.broadcast %add3A_272 : i32 to vector<16xi32>
        %add3A_274 = arith.addi %add3A_273, %shift_right_arithmetic3A_119 : vector<16xi32>
        tpu.vector_store_idx %arg8[%add3A_274, %add3A_205], %gather3A_271 : memref<64x128xf32, #tpu.memory_space<vmem>>[vector<16xi32>, vector<16xi32>], vector<16xf32>,
        %add3A_275 = arith.constant 160 : i32
        %add3A_276 = vector.broadcast %add3A_275 : i32 to vector<16xi32>
        %add3A_277 = arith.addi %add3A_276, %iota3A_116 : vector<16xi32>
        %gather3A_278 = tpu.vector_load_idx %arg6[%broadcast_in_dim3A, %add3A_277] : memref<32x256xf32, #tpu.memory_space<vmem>>[vector<16xi32>, vector<16xi32>], vector<16xf32>,
        %add3A_279 = arith.constant 40 : i32
        %add3A_280 = vector.broadcast %add3A_279 : i32 to vector<16xi32>
        %add3A_281 = arith.addi %add3A_280, %shift_right_arithmetic3A_119 : vector<16xi32>
        tpu.vector_store_idx %arg8[%add3A_281, %add3A_205], %gather3A_278 : memref<64x128xf32, #tpu.memory_space<vmem>>[vector<16xi32>, vector<16xi32>], vector<16xf32>,
        %add3A_282 = arith.constant 176 : i32
        %add3A_283 = vector.broadcast %add3A_282 : i32 to vector<16xi32>
        %add3A_284 = arith.addi %add3A_283, %iota3A_116 : vector<16xi32>
        %gather3A_285 = tpu.vector_load_idx %arg6[%broadcast_in_dim3A, %add3A_284] : memref<32x256xf32, #tpu.memory_space<vmem>>[vector<16xi32>, vector<16xi32>], vector<16xf32>,
        %add3A_286 = arith.constant 44 : i32
        %add3A_287 = vector.broadcast %add3A_286 : i32 to vector<16xi32>
        %add3A_288 = arith.addi %add3A_287, %shift_right_arithmetic3A_119 : vector<16xi32>
        tpu.vector_store_idx %arg8[%add3A_288, %add3A_205], %gather3A_285 : memref<64x128xf32, #tpu.memory_space<vmem>>[vector<16xi32>, vector<16xi32>], vector<16xf32>,
        %add3A_289 = arith.constant 192 : i32
        %add3A_290 = vector.broadcast %add3A_289 : i32 to vector<16xi32>
        %add3A_291 = arith.addi %add3A_290, %iota3A_116 : vector<16xi32>
        %gather3A_292 = tpu.vector_load_idx %arg6[%broadcast_in_dim3A, %add3A_291] : memref<32x256xf32, #tpu.memory_space<vmem>>[vector<16xi32>, vector<16xi32>], vector<16xf32>,
        %add3A_293 = arith.constant 48 : i32
        %add3A_294 = vector.broadcast %add3A_293 : i32 to vector<16xi32>
        %add3A_295 = arith.addi %add3A_294, %shift_right_arithmetic3A_119 : vector<16xi32>
        tpu.vector_store_idx %arg8[%add3A_295, %add3A_205], %gather3A_292 : memref<64x128xf32, #tpu.memory_space<vmem>>[vector<16xi32>, vector<16xi32>], vector<16xf32>,
        %add3A_296 = arith.constant 208 : i32
        %add3A_297 = vector.broadcast %add3A_296 : i32 to vector<16xi32>
        %add3A_298 = arith.addi %add3A_297, %iota3A_116 : vector<16xi32>
        %gather3A_299 = tpu.vector_load_idx %arg6[%broadcast_in_dim3A, %add3A_298] : memref<32x256xf32, #tpu.memory_space<vmem>>[vector<16xi32>, vector<16xi32>], vector<16xf32>,
        %add3A_300 = arith.constant 52 : i32
        %add3A_301 = vector.broadcast %add3A_300 : i32 to vector<16xi32>
        %add3A_302 = arith.addi %add3A_301, %shift_right_arithmetic3A_119 : vector<16xi32>
        tpu.vector_store_idx %arg8[%add3A_302, %add3A_205], %gather3A_299 : memref<64x128xf32, #tpu.memory_space<vmem>>[vector<16xi32>, vector<16xi32>], vector<16xf32>,
        %add3A_303 = arith.constant 224 : i32
        %add3A_304 = vector.broadcast %add3A_303 : i32 to vector<16xi32>
        %add3A_305 = arith.addi %add3A_304, %iota3A_116 : vector<16xi32>
        %gather3A_306 = tpu.vector_load_idx %arg6[%broadcast_in_dim3A, %add3A_305] : memref<32x256xf32, #tpu.memory_space<vmem>>[vector<16xi32>, vector<16xi32>], vector<16xf32>,
        %add3A_307 = arith.constant 56 : i32
        %add3A_308 = vector.broadcast %add3A_307 : i32 to vector<16xi32>
        %add3A_309 = arith.addi %add3A_308, %shift_right_arithmetic3A_119 : vector<16xi32>
        tpu.vector_store_idx %arg8[%add3A_309, %add3A_205], %gather3A_306 : memref<64x128xf32, #tpu.memory_space<vmem>>[vector<16xi32>, vector<16xi32>], vector<16xf32>,
        %add3A_310 = arith.constant 240 : i32
        %add3A_311 = vector.broadcast %add3A_310 : i32 to vector<16xi32>
        %add3A_312 = arith.addi %add3A_311, %iota3A_116 : vector<16xi32>
        %gather3A_313 = tpu.vector_load_idx %arg6[%broadcast_in_dim3A, %add3A_312] : memref<32x256xf32, #tpu.memory_space<vmem>>[vector<16xi32>, vector<16xi32>], vector<16xf32>,
        %add3A_314 = arith.constant 60 : i32
        %add3A_315 = vector.broadcast %add3A_314 : i32 to vector<16xi32>
        %add3A_316 = arith.addi %add3A_315, %shift_right_arithmetic3A_119 : vector<16xi32>
        tpu.vector_store_idx %arg8[%add3A_316, %add3A_205], %gather3A_313 : memref<64x128xf32, #tpu.memory_space<vmem>>[vector<16xi32>, vector<16xi32>], vector<16xf32>,
        %mul3A_317 = arith.constant 2 : i32
        %mul3A_318 = arith.muli %mul3A_317, %scan3A_196 : i32
        %add3A_319 = arith.constant 1 : i32
        %add3A_320 = arith.addi %mul3A_318, %add3A_319 : i32
        %broadcast_in_dim3A_321 = vector.broadcast %add3A_320 : i32 to vector<16xi32>
        %add3A_322 = arith.addi %broadcast_in_dim3A_321, %iota3A_116 : vector<16xi32>
        %and3A_323 = arith.constant 31 : i32
        %and3A_324 = vector.broadcast %and3A_323 : i32 to vector<16xi32>
        %and3A_325 = arith.andi %add3A_322, %and3A_324 : vector<16xi32>
        %add3A_326 = arith.addi %mul3A_125, %and3A_325 : vector<16xi32>
        %add3A_327 = arith.constant 0 : i32
        %add3A_328 = vector.broadcast %add3A_327 : i32 to vector<16xi32>
        %add3A_329 = arith.addi %add3A_328, %iota3A_116 : vector<16xi32>
        %gather3A_330 = tpu.vector_load_idx %arg6[%broadcast_in_dim3A_321, %add3A_329] : memref<32x256xf32, #tpu.memory_space<vmem>>[vector<16xi32>, vector<16xi32>], vector<16xf32>,
        %add3A_331 = arith.constant 0 : i32
        %add3A_332 = vector.broadcast %add3A_331 : i32 to vector<16xi32>
        %add3A_333 = arith.addi %add3A_332, %shift_right_arithmetic3A_119 : vector<16xi32>
        tpu.vector_store_idx %arg8[%add3A_333, %add3A_326], %gather3A_330 : memref<64x128xf32, #tpu.memory_space<vmem>>[vector<16xi32>, vector<16xi32>], vector<16xf32>,
        %add3A_334 = arith.constant 16 : i32
        %add3A_335 = vector.broadcast %add3A_334 : i32 to vector<16xi32>
        %add3A_336 = arith.addi %add3A_335, %iota3A_116 : vector<16xi32>
        %gather3A_337 = tpu.vector_load_idx %arg6[%broadcast_in_dim3A_321, %add3A_336] : memref<32x256xf32, #tpu.memory_space<vmem>>[vector<16xi32>, vector<16xi32>], vector<16xf32>,
        %add3A_338 = arith.constant 4 : i32
        %add3A_339 = vector.broadcast %add3A_338 : i32 to vector<16xi32>
        %add3A_340 = arith.addi %add3A_339, %shift_right_arithmetic3A_119 : vector<16xi32>
        tpu.vector_store_idx %arg8[%add3A_340, %add3A_326], %gather3A_337 : memref<64x128xf32, #tpu.memory_space<vmem>>[vector<16xi32>, vector<16xi32>], vector<16xf32>,
        %add3A_341 = arith.constant 32 : i32
        %add3A_342 = vector.broadcast %add3A_341 : i32 to vector<16xi32>
        %add3A_343 = arith.addi %add3A_342, %iota3A_116 : vector<16xi32>
        %gather3A_344 = tpu.vector_load_idx %arg6[%broadcast_in_dim3A_321, %add3A_343] : memref<32x256xf32, #tpu.memory_space<vmem>>[vector<16xi32>, vector<16xi32>], vector<16xf32>,
        %add3A_345 = arith.constant 8 : i32
        %add3A_346 = vector.broadcast %add3A_345 : i32 to vector<16xi32>
        %add3A_347 = arith.addi %add3A_346, %shift_right_arithmetic3A_119 : vector<16xi32>
        tpu.vector_store_idx %arg8[%add3A_347, %add3A_326], %gather3A_344 : memref<64x128xf32, #tpu.memory_space<vmem>>[vector<16xi32>, vector<16xi32>], vector<16xf32>,
        %add3A_348 = arith.constant 48 : i32
        %add3A_349 = vector.broadcast %add3A_348 : i32 to vector<16xi32>
        %add3A_350 = arith.addi %add3A_349, %iota3A_116 : vector<16xi32>
        %gather3A_351 = tpu.vector_load_idx %arg6[%broadcast_in_dim3A_321, %add3A_350] : memref<32x256xf32, #tpu.memory_space<vmem>>[vector<16xi32>, vector<16xi32>], vector<16xf32>,
        %add3A_352 = arith.constant 12 : i32
        %add3A_353 = vector.broadcast %add3A_352 : i32 to vector<16xi32>
        %add3A_354 = arith.addi %add3A_353, %shift_right_arithmetic3A_119 : vector<16xi32>
        tpu.vector_store_idx %arg8[%add3A_354, %add3A_326], %gather3A_351 : memref<64x128xf32, #tpu.memory_space<vmem>>[vector<16xi32>, vector<16xi32>], vector<16xf32>,
        %add3A_355 = arith.constant 64 : i32
        %add3A_356 = vector.broadcast %add3A_355 : i32 to vector<16xi32>
        %add3A_357 = arith.addi %add3A_356, %iota3A_116 : vector<16xi32>
        %gather3A_358 = tpu.vector_load_idx %arg6[%broadcast_in_dim3A_321, %add3A_357] : memref<32x256xf32, #tpu.memory_space<vmem>>[vector<16xi32>, vector<16xi32>], vector<16xf32>,
        %add3A_359 = arith.constant 16 : i32
        %add3A_360 = vector.broadcast %add3A_359 : i32 to vector<16xi32>
        %add3A_361 = arith.addi %add3A_360, %shift_right_arithmetic3A_119 : vector<16xi32>
        tpu.vector_store_idx %arg8[%add3A_361, %add3A_326], %gather3A_358 : memref<64x128xf32, #tpu.memory_space<vmem>>[vector<16xi32>, vector<16xi32>], vector<16xf32>,
        %add3A_362 = arith.constant 80 : i32
        %add3A_363 = vector.broadcast %add3A_362 : i32 to vector<16xi32>
        %add3A_364 = arith.addi %add3A_363, %iota3A_116 : vector<16xi32>
        %gather3A_365 = tpu.vector_load_idx %arg6[%broadcast_in_dim3A_321, %add3A_364] : memref<32x256xf32, #tpu.memory_space<vmem>>[vector<16xi32>, vector<16xi32>], vector<16xf32>,
        %add3A_366 = arith.constant 20 : i32
        %add3A_367 = vector.broadcast %add3A_366 : i32 to vector<16xi32>
        %add3A_368 = arith.addi %add3A_367, %shift_right_arithmetic3A_119 : vector<16xi32>
        tpu.vector_store_idx %arg8[%add3A_368, %add3A_326], %gather3A_365 : memref<64x128xf32, #tpu.memory_space<vmem>>[vector<16xi32>, vector<16xi32>], vector<16xf32>,
        %add3A_369 = arith.constant 96 : i32
        %add3A_370 = vector.broadcast %add3A_369 : i32 to vector<16xi32>
        %add3A_371 = arith.addi %add3A_370, %iota3A_116 : vector<16xi32>
        %gather3A_372 = tpu.vector_load_idx %arg6[%broadcast_in_dim3A_321, %add3A_371] : memref<32x256xf32, #tpu.memory_space<vmem>>[vector<16xi32>, vector<16xi32>], vector<16xf32>,
        %add3A_373 = arith.constant 24 : i32
        %add3A_374 = vector.broadcast %add3A_373 : i32 to vector<16xi32>
        %add3A_375 = arith.addi %add3A_374, %shift_right_arithmetic3A_119 : vector<16xi32>
        tpu.vector_store_idx %arg8[%add3A_375, %add3A_326], %gather3A_372 : memref<64x128xf32, #tpu.memory_space<vmem>>[vector<16xi32>, vector<16xi32>], vector<16xf32>,
        %add3A_376 = arith.constant 112 : i32
        %add3A_377 = vector.broadcast %add3A_376 : i32 to vector<16xi32>
        %add3A_378 = arith.addi %add3A_377, %iota3A_116 : vector<16xi32>
        %gather3A_379 = tpu.vector_load_idx %arg6[%broadcast_in_dim3A_321, %add3A_378] : memref<32x256xf32, #tpu.memory_space<vmem>>[vector<16xi32>, vector<16xi32>], vector<16xf32>,
        %add3A_380 = arith.constant 28 : i32
        %add3A_381 = vector.broadcast %add3A_380 : i32 to vector<16xi32>
        %add3A_382 = arith.addi %add3A_381, %shift_right_arithmetic3A_119 : vector<16xi32>
        tpu.vector_store_idx %arg8[%add3A_382, %add3A_326], %gather3A_379 : memref<64x128xf32, #tpu.memory_space<vmem>>[vector<16xi32>, vector<16xi32>], vector<16xf32>,
        %add3A_383 = arith.constant 128 : i32
        %add3A_384 = vector.broadcast %add3A_383 : i32 to vector<16xi32>
        %add3A_385 = arith.addi %add3A_384, %iota3A_116 : vector<16xi32>
        %gather3A_386 = tpu.vector_load_idx %arg6[%broadcast_in_dim3A_321, %add3A_385] : memref<32x256xf32, #tpu.memory_space<vmem>>[vector<16xi32>, vector<16xi32>], vector<16xf32>,
        %add3A_387 = arith.constant 32 : i32
        %add3A_388 = vector.broadcast %add3A_387 : i32 to vector<16xi32>
        %add3A_389 = arith.addi %add3A_388, %shift_right_arithmetic3A_119 : vector<16xi32>
        tpu.vector_store_idx %arg8[%add3A_389, %add3A_326], %gather3A_386 : memref<64x128xf32, #tpu.memory_space<vmem>>[vector<16xi32>, vector<16xi32>], vector<16xf32>,
        %add3A_390 = arith.constant 144 : i32
        %add3A_391 = vector.broadcast %add3A_390 : i32 to vector<16xi32>
        %add3A_392 = arith.addi %add3A_391, %iota3A_116 : vector<16xi32>
        %gather3A_393 = tpu.vector_load_idx %arg6[%broadcast_in_dim3A_321, %add3A_392] : memref<32x256xf32, #tpu.memory_space<vmem>>[vector<16xi32>, vector<16xi32>], vector<16xf32>,
        %add3A_394 = arith.constant 36 : i32
        %add3A_395 = vector.broadcast %add3A_394 : i32 to vector<16xi32>
        %add3A_396 = arith.addi %add3A_395, %shift_right_arithmetic3A_119 : vector<16xi32>
        tpu.vector_store_idx %arg8[%add3A_396, %add3A_326], %gather3A_393 : memref<64x128xf32, #tpu.memory_space<vmem>>[vector<16xi32>, vector<16xi32>], vector<16xf32>,
        %add3A_397 = arith.constant 160 : i32
        %add3A_398 = vector.broadcast %add3A_397 : i32 to vector<16xi32>
        %add3A_399 = arith.addi %add3A_398, %iota3A_116 : vector<16xi32>
        %gather3A_400 = tpu.vector_load_idx %arg6[%broadcast_in_dim3A_321, %add3A_399] : memref<32x256xf32, #tpu.memory_space<vmem>>[vector<16xi32>, vector<16xi32>], vector<16xf32>,
        %add3A_401 = arith.constant 40 : i32
        %add3A_402 = vector.broadcast %add3A_401 : i32 to vector<16xi32>
        %add3A_403 = arith.addi %add3A_402, %shift_right_arithmetic3A_119 : vector<16xi32>
        tpu.vector_store_idx %arg8[%add3A_403, %add3A_326], %gather3A_400 : memref<64x128xf32, #tpu.memory_space<vmem>>[vector<16xi32>, vector<16xi32>], vector<16xf32>,
        %add3A_404 = arith.constant 176 : i32
        %add3A_405 = vector.broadcast %add3A_404 : i32 to vector<16xi32>
        %add3A_406 = arith.addi %add3A_405, %iota3A_116 : vector<16xi32>
        %gather3A_407 = tpu.vector_load_idx %arg6[%broadcast_in_dim3A_321, %add3A_406] : memref<32x256xf32, #tpu.memory_space<vmem>>[vector<16xi32>, vector<16xi32>], vector<16xf32>,
        %add3A_408 = arith.constant 44 : i32
        %add3A_409 = vector.broadcast %add3A_408 : i32 to vector<16xi32>
        %add3A_410 = arith.addi %add3A_409, %shift_right_arithmetic3A_119 : vector<16xi32>
        tpu.vector_store_idx %arg8[%add3A_410, %add3A_326], %gather3A_407 : memref<64x128xf32, #tpu.memory_space<vmem>>[vector<16xi32>, vector<16xi32>], vector<16xf32>,
        %add3A_411 = arith.constant 192 : i32
        %add3A_412 = vector.broadcast %add3A_411 : i32 to vector<16xi32>
        %add3A_413 = arith.addi %add3A_412, %iota3A_116 : vector<16xi32>
        %gather3A_414 = tpu.vector_load_idx %arg6[%broadcast_in_dim3A_321, %add3A_413] : memref<32x256xf32, #tpu.memory_space<vmem>>[vector<16xi32>, vector<16xi32>], vector<16xf32>,
        %add3A_415 = arith.constant 48 : i32
        %add3A_416 = vector.broadcast %add3A_415 : i32 to vector<16xi32>
        %add3A_417 = arith.addi %add3A_416, %shift_right_arithmetic3A_119 : vector<16xi32>
        tpu.vector_store_idx %arg8[%add3A_417, %add3A_326], %gather3A_414 : memref<64x128xf32, #tpu.memory_space<vmem>>[vector<16xi32>, vector<16xi32>], vector<16xf32>,
        %add3A_418 = arith.constant 208 : i32
        %add3A_419 = vector.broadcast %add3A_418 : i32 to vector<16xi32>
        %add3A_420 = arith.addi %add3A_419, %iota3A_116 : vector<16xi32>
        %gather3A_421 = tpu.vector_load_idx %arg6[%broadcast_in_dim3A_321, %add3A_420] : memref<32x256xf32, #tpu.memory_space<vmem>>[vector<16xi32>, vector<16xi32>], vector<16xf32>,
        %add3A_422 = arith.constant 52 : i32
        %add3A_423 = vector.broadcast %add3A_422 : i32 to vector<16xi32>
        %add3A_424 = arith.addi %add3A_423, %shift_right_arithmetic3A_119 : vector<16xi32>
        tpu.vector_store_idx %arg8[%add3A_424, %add3A_326], %gather3A_421 : memref<64x128xf32, #tpu.memory_space<vmem>>[vector<16xi32>, vector<16xi32>], vector<16xf32>,
        %add3A_425 = arith.constant 224 : i32
        %add3A_426 = vector.broadcast %add3A_425 : i32 to vector<16xi32>
        %add3A_427 = arith.addi %add3A_426, %iota3A_116 : vector<16xi32>
        %gather3A_428 = tpu.vector_load_idx %arg6[%broadcast_in_dim3A_321, %add3A_427] : memref<32x256xf32, #tpu.memory_space<vmem>>[vector<16xi32>, vector<16xi32>], vector<16xf32>,
        %add3A_429 = arith.constant 56 : i32
        %add3A_430 = vector.broadcast %add3A_429 : i32 to vector<16xi32>
        %add3A_431 = arith.addi %add3A_430, %shift_right_arithmetic3A_119 : vector<16xi32>
        tpu.vector_store_idx %arg8[%add3A_431, %add3A_326], %gather3A_428 : memref<64x128xf32, #tpu.memory_space<vmem>>[vector<16xi32>, vector<16xi32>], vector<16xf32>,
        %add3A_432 = arith.constant 240 : i32
        %add3A_433 = vector.broadcast %add3A_432 : i32 to vector<16xi32>
        %add3A_434 = arith.addi %add3A_433, %iota3A_116 : vector<16xi32>
        %gather3A_435 = tpu.vector_load_idx %arg6[%broadcast_in_dim3A_321, %add3A_434] : memref<32x256xf32, #tpu.memory_space<vmem>>[vector<16xi32>, vector<16xi32>], vector<16xf32>,
        %add3A_436 = arith.constant 60 : i32
        %add3A_437 = vector.broadcast %add3A_436 : i32 to vector<16xi32>
        %add3A_438 = arith.addi %add3A_437, %shift_right_arithmetic3A_119 : vector<16xi32>
        tpu.vector_store_idx %arg8[%add3A_438, %add3A_326], %gather3A_435 : memref<64x128xf32, #tpu.memory_space<vmem>>[vector<16xi32>, vector<16xi32>], vector<16xf32>,
      }
      %scan3A_130 = arith.constant 16 : i32
      %mul3A_131 = arith.constant 32 : i32
      %mul3A_132 = arith.muli %mul3A_131, %add3A_102 : i32
      %add3A_133 = arith.addi %add3A, %mul3A_132 : i32
      %mul3A_134 = arith.constant 64 : i32
      %mul3A_135 = arith.muli %mul3A_134, %add3A_133 : i32
      %dma_start3A_136 = arith.constant 0 : i32
      %dma_start3A_137 = tpu.memref_slice %arg5[%mul3A_135, %dma_start3A_136] : memref<250000x128xf32, #tpu.memory_space<hbm>> -> memref<64x128xf32, #tpu.memory_space<hbm>>
      %dma_start3A_138 = arith.constant 0 : i32
      %dma_start3A_139 = tpu.memref_slice %arg5[%mul3A_135, %dma_start3A_138] : memref<250000x128xf32, #tpu.memory_space<hbm>> -> memref<64x128xf32, #tpu.memory_space<hbm>>
      tpu.enqueue_dma source(%arg8 : memref<64x128xf32, #tpu.memory_space<vmem>>) target(%dma_start3A_139 : memref<64x128xf32, #tpu.memory_space<hbm>>) target_semaphore(%arg20 : memref<!tpu.dma_semaphore, #tpu.memory_space<semaphore_mem>>)
      %add3A_140 = arith.constant 2 : i32
      %add3A_141 = arith.addi %add3A_102, %add3A_140 : i32
      %lt3A_142 = arith.constant 122 : i32
      %lt3A_143 = arith.cmpi slt, %add3A_141, %lt3A_142 : i32
      %convert_element_type3A_144 = arith.extui %lt3A_143 : i1 to i32
      %cond3A_145 = arith.constant 0 : i32
      %cond3A_146 = arith.cmpi ne, %convert_element_type3A_144, %cond3A_145 : i32
      scf.if %cond3A_146 {
        %add3A_196 = arith.constant 2 : i32
        %add3A_197 = arith.addi %add3A_102, %add3A_196 : i32
        %mul3A_198 = arith.constant 32 : i32
        %mul3A_199 = arith.muli %mul3A_198, %add3A_197 : i32
        %add3A_200 = arith.addi %add3A, %mul3A_199 : i32
        %mul3A_201 = arith.constant 256 : i32
        %mul3A_202 = arith.muli %mul3A_201, %add3A_200 : i32
        %dma_start3A_203 = arith.constant 0 : i32
        %dma_start3A_204 = tpu.memref_slice %arg2[%dma_start3A_203, %mul3A_202] : memref<32x1000000xf32, #tpu.memory_space<hbm>> -> memref<32x256xf32, #tpu.memory_space<hbm>>
        %dma_start3A_205 = arith.constant 0 : i32
        %dma_start3A_206 = tpu.memref_slice %arg2[%dma_start3A_205, %mul3A_202] : memref<32x1000000xf32, #tpu.memory_space<hbm>> -> memref<32x256xf32, #tpu.memory_space<hbm>>
        tpu.enqueue_dma source(%dma_start3A_206 : memref<32x256xf32, #tpu.memory_space<hbm>>) target(%arg6 : memref<32x256xf32, #tpu.memory_space<vmem>>) target_semaphore(%arg18 : memref<!tpu.dma_semaphore, #tpu.memory_space<semaphore_mem>>)
      } else {
      }
      %mul3A_147 = arith.constant 2 : i32
      %mul3A_148 = arith.muli %mul3A_147, %scan3A_98 : i32
      %add3A_149 = arith.constant 1 : i32
      %add3A_150 = arith.addi %mul3A_148, %add3A_149 : i32
      %mul3A_151 = arith.constant 32 : i32
      %mul3A_152 = arith.muli %mul3A_151, %add3A_150 : i32
      %add3A_153 = arith.addi %add3A, %mul3A_152 : i32
      %mul3A_154 = arith.constant 256 : i32
      %mul3A_155 = arith.muli %mul3A_154, %add3A_153 : i32
      %dma_wait3A_156 = arith.constant 0 : i32
      %dma_wait3A_157 = tpu.memref_slice %arg2[%dma_wait3A_156, %mul3A_155] : memref<32x1000000xf32, #tpu.memory_space<hbm>> -> memref<32x256xf32, #tpu.memory_space<hbm>>
      %dma_wait3A_158 = arith.constant 0 : i32
      %dma_wait3A_159 = tpu.memref_slice %arg2[%dma_wait3A_158, %mul3A_155] : memref<32x1000000xf32, #tpu.memory_space<hbm>> -> memref<32x256xf32, #tpu.memory_space<hbm>>
      tpu.wait_dma2 semaphore(%arg19 : memref<!tpu.dma_semaphore, #tpu.memory_space<semaphore_mem>>) src(%dma_wait3A_159 : memref<32x256xf32, #tpu.memory_space<hbm>>) dst(%arg7 : memref<32x256xf32, #tpu.memory_space<vmem>>)
      %ge3A_160 = arith.constant 2 : i32
      %ge3A_161 = arith.cmpi sge, %add3A_150, %ge3A_160 : i32
      %convert_element_type3A_162 = arith.extui %ge3A_161 : i1 to i32
      %cond3A_163 = arith.constant 0 : i32
      %cond3A_164 = arith.cmpi ne, %convert_element_type3A_162, %cond3A_163 : i32
      scf.if %cond3A_164 {
        %sub3A = arith.constant 2 : i32
        %sub3A_196 = arith.subi %add3A_150, %sub3A : i32
        %mul3A_197 = arith.constant 32 : i32
        %mul3A_198 = arith.muli %mul3A_197, %sub3A_196 : i32
        %add3A_199 = arith.addi %add3A, %mul3A_198 : i32
        %mul3A_200 = arith.constant 64 : i32
        %mul3A_201 = arith.muli %mul3A_200, %add3A_199 : i32
        %dma_wait3A_202 = arith.constant 0 : i32
        %dma_wait3A_203 = tpu.memref_slice %arg5[%mul3A_201, %dma_wait3A_202] : memref<250000x128xf32, #tpu.memory_space<hbm>> -> memref<64x128xf32, #tpu.memory_space<hbm>>
        %dma_wait3A_204 = arith.constant 0 : i32
        %dma_wait3A_205 = tpu.memref_slice %arg5[%mul3A_201, %dma_wait3A_204] : memref<250000x128xf32, #tpu.memory_space<hbm>> -> memref<64x128xf32, #tpu.memory_space<hbm>>
        tpu.wait_dma2 semaphore(%arg21 : memref<!tpu.dma_semaphore, #tpu.memory_space<semaphore_mem>>) src(%arg9 : memref<64x128xf32, #tpu.memory_space<vmem>>) dst(%dma_wait3A_205 : memref<64x128xf32, #tpu.memory_space<hbm>>)
      } else {
      }
      %iota3A_165 = tpu.iota {dimensions = array<i32: 0>} : vector<16xi32>
      %shift_right_arithmetic3A_166 = arith.constant 2 : i32
      %shift_right_arithmetic3A_167 = vector.broadcast %shift_right_arithmetic3A_166 : i32 to vector<16xi32>
      %shift_right_arithmetic3A_168 = arith.shrsi %iota3A_165, %shift_right_arithmetic3A_167 : vector<16xi32>
      %and3A_169 = arith.constant 3 : i32
      %and3A_170 = vector.broadcast %and3A_169 : i32 to vector<16xi32>
      %and3A_171 = arith.andi %iota3A_165, %and3A_170 : vector<16xi32>
      %mul3A_172 = arith.constant 32 : i32
      %mul3A_173 = vector.broadcast %mul3A_172 : i32 to vector<16xi32>
      %mul3A_174 = arith.muli %and3A_171, %mul3A_173 : vector<16xi32>
      %scan3A_175 = arith.constant 0 : i32
      %scan3A_176 = arith.constant 16 : i32
      %scan3A_177 = arith.addi %scan3A_175, %scan3A_176 : i32
      %scan3A_178 = arith.constant 1 : i32
      scf.for %scan3A_196 = %scan3A_175 to %scan3A_177 step %scan3A_178  : i32 {
        %mul3A_197 = arith.constant 2 : i32
        %mul3A_198 = arith.muli %mul3A_197, %scan3A_196 : i32
        %add3A_199 = arith.constant 0 : i32
        %add3A_200 = arith.addi %mul3A_198, %add3A_199 : i32
        %broadcast_in_dim3A = vector.broadcast %add3A_200 : i32 to vector<16xi32>
        %add3A_201 = arith.addi %broadcast_in_dim3A, %iota3A_165 : vector<16xi32>
        %and3A_202 = arith.constant 31 : i32
        %and3A_203 = vector.broadcast %and3A_202 : i32 to vector<16xi32>
        %and3A_204 = arith.andi %add3A_201, %and3A_203 : vector<16xi32>
        %add3A_205 = arith.addi %mul3A_174, %and3A_204 : vector<16xi32>
        %add3A_206 = arith.constant 0 : i32
        %add3A_207 = vector.broadcast %add3A_206 : i32 to vector<16xi32>
        %add3A_208 = arith.addi %add3A_207, %iota3A_165 : vector<16xi32>
        %gather3A = tpu.vector_load_idx %arg7[%broadcast_in_dim3A, %add3A_208] : memref<32x256xf32, #tpu.memory_space<vmem>>[vector<16xi32>, vector<16xi32>], vector<16xf32>,
        %add3A_209 = arith.constant 0 : i32
        %add3A_210 = vector.broadcast %add3A_209 : i32 to vector<16xi32>
        %add3A_211 = arith.addi %add3A_210, %shift_right_arithmetic3A_168 : vector<16xi32>
        tpu.vector_store_idx %arg9[%add3A_211, %add3A_205], %gather3A : memref<64x128xf32, #tpu.memory_space<vmem>>[vector<16xi32>, vector<16xi32>], vector<16xf32>,
        %add3A_212 = arith.constant 16 : i32
        %add3A_213 = vector.broadcast %add3A_212 : i32 to vector<16xi32>
        %add3A_214 = arith.addi %add3A_213, %iota3A_165 : vector<16xi32>
        %gather3A_215 = tpu.vector_load_idx %arg7[%broadcast_in_dim3A, %add3A_214] : memref<32x256xf32, #tpu.memory_space<vmem>>[vector<16xi32>, vector<16xi32>], vector<16xf32>,
        %add3A_216 = arith.constant 4 : i32
        %add3A_217 = vector.broadcast %add3A_216 : i32 to vector<16xi32>
        %add3A_218 = arith.addi %add3A_217, %shift_right_arithmetic3A_168 : vector<16xi32>
        tpu.vector_store_idx %arg9[%add3A_218, %add3A_205], %gather3A_215 : memref<64x128xf32, #tpu.memory_space<vmem>>[vector<16xi32>, vector<16xi32>], vector<16xf32>,
        %add3A_219 = arith.constant 32 : i32
        %add3A_220 = vector.broadcast %add3A_219 : i32 to vector<16xi32>
        %add3A_221 = arith.addi %add3A_220, %iota3A_165 : vector<16xi32>
        %gather3A_222 = tpu.vector_load_idx %arg7[%broadcast_in_dim3A, %add3A_221] : memref<32x256xf32, #tpu.memory_space<vmem>>[vector<16xi32>, vector<16xi32>], vector<16xf32>,
        %add3A_223 = arith.constant 8 : i32
        %add3A_224 = vector.broadcast %add3A_223 : i32 to vector<16xi32>
        %add3A_225 = arith.addi %add3A_224, %shift_right_arithmetic3A_168 : vector<16xi32>
        tpu.vector_store_idx %arg9[%add3A_225, %add3A_205], %gather3A_222 : memref<64x128xf32, #tpu.memory_space<vmem>>[vector<16xi32>, vector<16xi32>], vector<16xf32>,
        %add3A_226 = arith.constant 48 : i32
        %add3A_227 = vector.broadcast %add3A_226 : i32 to vector<16xi32>
        %add3A_228 = arith.addi %add3A_227, %iota3A_165 : vector<16xi32>
        %gather3A_229 = tpu.vector_load_idx %arg7[%broadcast_in_dim3A, %add3A_228] : memref<32x256xf32, #tpu.memory_space<vmem>>[vector<16xi32>, vector<16xi32>], vector<16xf32>,
        %add3A_230 = arith.constant 12 : i32
        %add3A_231 = vector.broadcast %add3A_230 : i32 to vector<16xi32>
        %add3A_232 = arith.addi %add3A_231, %shift_right_arithmetic3A_168 : vector<16xi32>
        tpu.vector_store_idx %arg9[%add3A_232, %add3A_205], %gather3A_229 : memref<64x128xf32, #tpu.memory_space<vmem>>[vector<16xi32>, vector<16xi32>], vector<16xf32>,
        %add3A_233 = arith.constant 64 : i32
        %add3A_234 = vector.broadcast %add3A_233 : i32 to vector<16xi32>
        %add3A_235 = arith.addi %add3A_234, %iota3A_165 : vector<16xi32>
        %gather3A_236 = tpu.vector_load_idx %arg7[%broadcast_in_dim3A, %add3A_235] : memref<32x256xf32, #tpu.memory_space<vmem>>[vector<16xi32>, vector<16xi32>], vector<16xf32>,
        %add3A_237 = arith.constant 16 : i32
        %add3A_238 = vector.broadcast %add3A_237 : i32 to vector<16xi32>
        %add3A_239 = arith.addi %add3A_238, %shift_right_arithmetic3A_168 : vector<16xi32>
        tpu.vector_store_idx %arg9[%add3A_239, %add3A_205], %gather3A_236 : memref<64x128xf32, #tpu.memory_space<vmem>>[vector<16xi32>, vector<16xi32>], vector<16xf32>,
        %add3A_240 = arith.constant 80 : i32
        %add3A_241 = vector.broadcast %add3A_240 : i32 to vector<16xi32>
        %add3A_242 = arith.addi %add3A_241, %iota3A_165 : vector<16xi32>
        %gather3A_243 = tpu.vector_load_idx %arg7[%broadcast_in_dim3A, %add3A_242] : memref<32x256xf32, #tpu.memory_space<vmem>>[vector<16xi32>, vector<16xi32>], vector<16xf32>,
        %add3A_244 = arith.constant 20 : i32
        %add3A_245 = vector.broadcast %add3A_244 : i32 to vector<16xi32>
        %add3A_246 = arith.addi %add3A_245, %shift_right_arithmetic3A_168 : vector<16xi32>
        tpu.vector_store_idx %arg9[%add3A_246, %add3A_205], %gather3A_243 : memref<64x128xf32, #tpu.memory_space<vmem>>[vector<16xi32>, vector<16xi32>], vector<16xf32>,
        %add3A_247 = arith.constant 96 : i32
        %add3A_248 = vector.broadcast %add3A_247 : i32 to vector<16xi32>
        %add3A_249 = arith.addi %add3A_248, %iota3A_165 : vector<16xi32>
        %gather3A_250 = tpu.vector_load_idx %arg7[%broadcast_in_dim3A, %add3A_249] : memref<32x256xf32, #tpu.memory_space<vmem>>[vector<16xi32>, vector<16xi32>], vector<16xf32>,
        %add3A_251 = arith.constant 24 : i32
        %add3A_252 = vector.broadcast %add3A_251 : i32 to vector<16xi32>
        %add3A_253 = arith.addi %add3A_252, %shift_right_arithmetic3A_168 : vector<16xi32>
        tpu.vector_store_idx %arg9[%add3A_253, %add3A_205], %gather3A_250 : memref<64x128xf32, #tpu.memory_space<vmem>>[vector<16xi32>, vector<16xi32>], vector<16xf32>,
        %add3A_254 = arith.constant 112 : i32
        %add3A_255 = vector.broadcast %add3A_254 : i32 to vector<16xi32>
        %add3A_256 = arith.addi %add3A_255, %iota3A_165 : vector<16xi32>
        %gather3A_257 = tpu.vector_load_idx %arg7[%broadcast_in_dim3A, %add3A_256] : memref<32x256xf32, #tpu.memory_space<vmem>>[vector<16xi32>, vector<16xi32>], vector<16xf32>,
        %add3A_258 = arith.constant 28 : i32
        %add3A_259 = vector.broadcast %add3A_258 : i32 to vector<16xi32>
        %add3A_260 = arith.addi %add3A_259, %shift_right_arithmetic3A_168 : vector<16xi32>
        tpu.vector_store_idx %arg9[%add3A_260, %add3A_205], %gather3A_257 : memref<64x128xf32, #tpu.memory_space<vmem>>[vector<16xi32>, vector<16xi32>], vector<16xf32>,
        %add3A_261 = arith.constant 128 : i32
        %add3A_262 = vector.broadcast %add3A_261 : i32 to vector<16xi32>
        %add3A_263 = arith.addi %add3A_262, %iota3A_165 : vector<16xi32>
        %gather3A_264 = tpu.vector_load_idx %arg7[%broadcast_in_dim3A, %add3A_263] : memref<32x256xf32, #tpu.memory_space<vmem>>[vector<16xi32>, vector<16xi32>], vector<16xf32>,
        %add3A_265 = arith.constant 32 : i32
        %add3A_266 = vector.broadcast %add3A_265 : i32 to vector<16xi32>
        %add3A_267 = arith.addi %add3A_266, %shift_right_arithmetic3A_168 : vector<16xi32>
        tpu.vector_store_idx %arg9[%add3A_267, %add3A_205], %gather3A_264 : memref<64x128xf32, #tpu.memory_space<vmem>>[vector<16xi32>, vector<16xi32>], vector<16xf32>,
        %add3A_268 = arith.constant 144 : i32
        %add3A_269 = vector.broadcast %add3A_268 : i32 to vector<16xi32>
        %add3A_270 = arith.addi %add3A_269, %iota3A_165 : vector<16xi32>
        %gather3A_271 = tpu.vector_load_idx %arg7[%broadcast_in_dim3A, %add3A_270] : memref<32x256xf32, #tpu.memory_space<vmem>>[vector<16xi32>, vector<16xi32>], vector<16xf32>,
        %add3A_272 = arith.constant 36 : i32
        %add3A_273 = vector.broadcast %add3A_272 : i32 to vector<16xi32>
        %add3A_274 = arith.addi %add3A_273, %shift_right_arithmetic3A_168 : vector<16xi32>
        tpu.vector_store_idx %arg9[%add3A_274, %add3A_205], %gather3A_271 : memref<64x128xf32, #tpu.memory_space<vmem>>[vector<16xi32>, vector<16xi32>], vector<16xf32>,
        %add3A_275 = arith.constant 160 : i32
        %add3A_276 = vector.broadcast %add3A_275 : i32 to vector<16xi32>
        %add3A_277 = arith.addi %add3A_276, %iota3A_165 : vector<16xi32>
        %gather3A_278 = tpu.vector_load_idx %arg7[%broadcast_in_dim3A, %add3A_277] : memref<32x256xf32, #tpu.memory_space<vmem>>[vector<16xi32>, vector<16xi32>], vector<16xf32>,
        %add3A_279 = arith.constant 40 : i32
        %add3A_280 = vector.broadcast %add3A_279 : i32 to vector<16xi32>
        %add3A_281 = arith.addi %add3A_280, %shift_right_arithmetic3A_168 : vector<16xi32>
        tpu.vector_store_idx %arg9[%add3A_281, %add3A_205], %gather3A_278 : memref<64x128xf32, #tpu.memory_space<vmem>>[vector<16xi32>, vector<16xi32>], vector<16xf32>,
        %add3A_282 = arith.constant 176 : i32
        %add3A_283 = vector.broadcast %add3A_282 : i32 to vector<16xi32>
        %add3A_284 = arith.addi %add3A_283, %iota3A_165 : vector<16xi32>
        %gather3A_285 = tpu.vector_load_idx %arg7[%broadcast_in_dim3A, %add3A_284] : memref<32x256xf32, #tpu.memory_space<vmem>>[vector<16xi32>, vector<16xi32>], vector<16xf32>,
        %add3A_286 = arith.constant 44 : i32
        %add3A_287 = vector.broadcast %add3A_286 : i32 to vector<16xi32>
        %add3A_288 = arith.addi %add3A_287, %shift_right_arithmetic3A_168 : vector<16xi32>
        tpu.vector_store_idx %arg9[%add3A_288, %add3A_205], %gather3A_285 : memref<64x128xf32, #tpu.memory_space<vmem>>[vector<16xi32>, vector<16xi32>], vector<16xf32>,
        %add3A_289 = arith.constant 192 : i32
        %add3A_290 = vector.broadcast %add3A_289 : i32 to vector<16xi32>
        %add3A_291 = arith.addi %add3A_290, %iota3A_165 : vector<16xi32>
        %gather3A_292 = tpu.vector_load_idx %arg7[%broadcast_in_dim3A, %add3A_291] : memref<32x256xf32, #tpu.memory_space<vmem>>[vector<16xi32>, vector<16xi32>], vector<16xf32>,
        %add3A_293 = arith.constant 48 : i32
        %add3A_294 = vector.broadcast %add3A_293 : i32 to vector<16xi32>
        %add3A_295 = arith.addi %add3A_294, %shift_right_arithmetic3A_168 : vector<16xi32>
        tpu.vector_store_idx %arg9[%add3A_295, %add3A_205], %gather3A_292 : memref<64x128xf32, #tpu.memory_space<vmem>>[vector<16xi32>, vector<16xi32>], vector<16xf32>,
        %add3A_296 = arith.constant 208 : i32
        %add3A_297 = vector.broadcast %add3A_296 : i32 to vector<16xi32>
        %add3A_298 = arith.addi %add3A_297, %iota3A_165 : vector<16xi32>
        %gather3A_299 = tpu.vector_load_idx %arg7[%broadcast_in_dim3A, %add3A_298] : memref<32x256xf32, #tpu.memory_space<vmem>>[vector<16xi32>, vector<16xi32>], vector<16xf32>,
        %add3A_300 = arith.constant 52 : i32
        %add3A_301 = vector.broadcast %add3A_300 : i32 to vector<16xi32>
        %add3A_302 = arith.addi %add3A_301, %shift_right_arithmetic3A_168 : vector<16xi32>
        tpu.vector_store_idx %arg9[%add3A_302, %add3A_205], %gather3A_299 : memref<64x128xf32, #tpu.memory_space<vmem>>[vector<16xi32>, vector<16xi32>], vector<16xf32>,
        %add3A_303 = arith.constant 224 : i32
        %add3A_304 = vector.broadcast %add3A_303 : i32 to vector<16xi32>
        %add3A_305 = arith.addi %add3A_304, %iota3A_165 : vector<16xi32>
        %gather3A_306 = tpu.vector_load_idx %arg7[%broadcast_in_dim3A, %add3A_305] : memref<32x256xf32, #tpu.memory_space<vmem>>[vector<16xi32>, vector<16xi32>], vector<16xf32>,
        %add3A_307 = arith.constant 56 : i32
        %add3A_308 = vector.broadcast %add3A_307 : i32 to vector<16xi32>
        %add3A_309 = arith.addi %add3A_308, %shift_right_arithmetic3A_168 : vector<16xi32>
        tpu.vector_store_idx %arg9[%add3A_309, %add3A_205], %gather3A_306 : memref<64x128xf32, #tpu.memory_space<vmem>>[vector<16xi32>, vector<16xi32>], vector<16xf32>,
        %add3A_310 = arith.constant 240 : i32
        %add3A_311 = vector.broadcast %add3A_310 : i32 to vector<16xi32>
        %add3A_312 = arith.addi %add3A_311, %iota3A_165 : vector<16xi32>
        %gather3A_313 = tpu.vector_load_idx %arg7[%broadcast_in_dim3A, %add3A_312] : memref<32x256xf32, #tpu.memory_space<vmem>>[vector<16xi32>, vector<16xi32>], vector<16xf32>,
        %add3A_314 = arith.constant 60 : i32
        %add3A_315 = vector.broadcast %add3A_314 : i32 to vector<16xi32>
        %add3A_316 = arith.addi %add3A_315, %shift_right_arithmetic3A_168 : vector<16xi32>
        tpu.vector_store_idx %arg9[%add3A_316, %add3A_205], %gather3A_313 : memref<64x128xf32, #tpu.memory_space<vmem>>[vector<16xi32>, vector<16xi32>], vector<16xf32>,
        %mul3A_317 = arith.constant 2 : i32
        %mul3A_318 = arith.muli %mul3A_317, %scan3A_196 : i32
        %add3A_319 = arith.constant 1 : i32
        %add3A_320 = arith.addi %mul3A_318, %add3A_319 : i32
        %broadcast_in_dim3A_321 = vector.broadcast %add3A_320 : i32 to vector<16xi32>
        %add3A_322 = arith.addi %broadcast_in_dim3A_321, %iota3A_165 : vector<16xi32>
        %and3A_323 = arith.constant 31 : i32
        %and3A_324 = vector.broadcast %and3A_323 : i32 to vector<16xi32>
        %and3A_325 = arith.andi %add3A_322, %and3A_324 : vector<16xi32>
        %add3A_326 = arith.addi %mul3A_174, %and3A_325 : vector<16xi32>
        %add3A_327 = arith.constant 0 : i32
        %add3A_328 = vector.broadcast %add3A_327 : i32 to vector<16xi32>
        %add3A_329 = arith.addi %add3A_328, %iota3A_165 : vector<16xi32>
        %gather3A_330 = tpu.vector_load_idx %arg7[%broadcast_in_dim3A_321, %add3A_329] : memref<32x256xf32, #tpu.memory_space<vmem>>[vector<16xi32>, vector<16xi32>], vector<16xf32>,
        %add3A_331 = arith.constant 0 : i32
        %add3A_332 = vector.broadcast %add3A_331 : i32 to vector<16xi32>
        %add3A_333 = arith.addi %add3A_332, %shift_right_arithmetic3A_168 : vector<16xi32>
        tpu.vector_store_idx %arg9[%add3A_333, %add3A_326], %gather3A_330 : memref<64x128xf32, #tpu.memory_space<vmem>>[vector<16xi32>, vector<16xi32>], vector<16xf32>,
        %add3A_334 = arith.constant 16 : i32
        %add3A_335 = vector.broadcast %add3A_334 : i32 to vector<16xi32>
        %add3A_336 = arith.addi %add3A_335, %iota3A_165 : vector<16xi32>
        %gather3A_337 = tpu.vector_load_idx %arg7[%broadcast_in_dim3A_321, %add3A_336] : memref<32x256xf32, #tpu.memory_space<vmem>>[vector<16xi32>, vector<16xi32>], vector<16xf32>,
        %add3A_338 = arith.constant 4 : i32
        %add3A_339 = vector.broadcast %add3A_338 : i32 to vector<16xi32>
        %add3A_340 = arith.addi %add3A_339, %shift_right_arithmetic3A_168 : vector<16xi32>
        tpu.vector_store_idx %arg9[%add3A_340, %add3A_326], %gather3A_337 : memref<64x128xf32, #tpu.memory_space<vmem>>[vector<16xi32>, vector<16xi32>], vector<16xf32>,
        %add3A_341 = arith.constant 32 : i32
        %add3A_342 = vector.broadcast %add3A_341 : i32 to vector<16xi32>
        %add3A_343 = arith.addi %add3A_342, %iota3A_165 : vector<16xi32>
        %gather3A_344 = tpu.vector_load_idx %arg7[%broadcast_in_dim3A_321, %add3A_343] : memref<32x256xf32, #tpu.memory_space<vmem>>[vector<16xi32>, vector<16xi32>], vector<16xf32>,
        %add3A_345 = arith.constant 8 : i32
        %add3A_346 = vector.broadcast %add3A_345 : i32 to vector<16xi32>
        %add3A_347 = arith.addi %add3A_346, %shift_right_arithmetic3A_168 : vector<16xi32>
        tpu.vector_store_idx %arg9[%add3A_347, %add3A_326], %gather3A_344 : memref<64x128xf32, #tpu.memory_space<vmem>>[vector<16xi32>, vector<16xi32>], vector<16xf32>,
        %add3A_348 = arith.constant 48 : i32
        %add3A_349 = vector.broadcast %add3A_348 : i32 to vector<16xi32>
        %add3A_350 = arith.addi %add3A_349, %iota3A_165 : vector<16xi32>
        %gather3A_351 = tpu.vector_load_idx %arg7[%broadcast_in_dim3A_321, %add3A_350] : memref<32x256xf32, #tpu.memory_space<vmem>>[vector<16xi32>, vector<16xi32>], vector<16xf32>,
        %add3A_352 = arith.constant 12 : i32
        %add3A_353 = vector.broadcast %add3A_352 : i32 to vector<16xi32>
        %add3A_354 = arith.addi %add3A_353, %shift_right_arithmetic3A_168 : vector<16xi32>
        tpu.vector_store_idx %arg9[%add3A_354, %add3A_326], %gather3A_351 : memref<64x128xf32, #tpu.memory_space<vmem>>[vector<16xi32>, vector<16xi32>], vector<16xf32>,
        %add3A_355 = arith.constant 64 : i32
        %add3A_356 = vector.broadcast %add3A_355 : i32 to vector<16xi32>
        %add3A_357 = arith.addi %add3A_356, %iota3A_165 : vector<16xi32>
        %gather3A_358 = tpu.vector_load_idx %arg7[%broadcast_in_dim3A_321, %add3A_357] : memref<32x256xf32, #tpu.memory_space<vmem>>[vector<16xi32>, vector<16xi32>], vector<16xf32>,
        %add3A_359 = arith.constant 16 : i32
        %add3A_360 = vector.broadcast %add3A_359 : i32 to vector<16xi32>
        %add3A_361 = arith.addi %add3A_360, %shift_right_arithmetic3A_168 : vector<16xi32>
        tpu.vector_store_idx %arg9[%add3A_361, %add3A_326], %gather3A_358 : memref<64x128xf32, #tpu.memory_space<vmem>>[vector<16xi32>, vector<16xi32>], vector<16xf32>,
        %add3A_362 = arith.constant 80 : i32
        %add3A_363 = vector.broadcast %add3A_362 : i32 to vector<16xi32>
        %add3A_364 = arith.addi %add3A_363, %iota3A_165 : vector<16xi32>
        %gather3A_365 = tpu.vector_load_idx %arg7[%broadcast_in_dim3A_321, %add3A_364] : memref<32x256xf32, #tpu.memory_space<vmem>>[vector<16xi32>, vector<16xi32>], vector<16xf32>,
        %add3A_366 = arith.constant 20 : i32
        %add3A_367 = vector.broadcast %add3A_366 : i32 to vector<16xi32>
        %add3A_368 = arith.addi %add3A_367, %shift_right_arithmetic3A_168 : vector<16xi32>
        tpu.vector_store_idx %arg9[%add3A_368, %add3A_326], %gather3A_365 : memref<64x128xf32, #tpu.memory_space<vmem>>[vector<16xi32>, vector<16xi32>], vector<16xf32>,
        %add3A_369 = arith.constant 96 : i32
        %add3A_370 = vector.broadcast %add3A_369 : i32 to vector<16xi32>
        %add3A_371 = arith.addi %add3A_370, %iota3A_165 : vector<16xi32>
        %gather3A_372 = tpu.vector_load_idx %arg7[%broadcast_in_dim3A_321, %add3A_371] : memref<32x256xf32, #tpu.memory_space<vmem>>[vector<16xi32>, vector<16xi32>], vector<16xf32>,
        %add3A_373 = arith.constant 24 : i32
        %add3A_374 = vector.broadcast %add3A_373 : i32 to vector<16xi32>
        %add3A_375 = arith.addi %add3A_374, %shift_right_arithmetic3A_168 : vector<16xi32>
        tpu.vector_store_idx %arg9[%add3A_375, %add3A_326], %gather3A_372 : memref<64x128xf32, #tpu.memory_space<vmem>>[vector<16xi32>, vector<16xi32>], vector<16xf32>,
        %add3A_376 = arith.constant 112 : i32
        %add3A_377 = vector.broadcast %add3A_376 : i32 to vector<16xi32>
        %add3A_378 = arith.addi %add3A_377, %iota3A_165 : vector<16xi32>
        %gather3A_379 = tpu.vector_load_idx %arg7[%broadcast_in_dim3A_321, %add3A_378] : memref<32x256xf32, #tpu.memory_space<vmem>>[vector<16xi32>, vector<16xi32>], vector<16xf32>,
        %add3A_380 = arith.constant 28 : i32
        %add3A_381 = vector.broadcast %add3A_380 : i32 to vector<16xi32>
        %add3A_382 = arith.addi %add3A_381, %shift_right_arithmetic3A_168 : vector<16xi32>
        tpu.vector_store_idx %arg9[%add3A_382, %add3A_326], %gather3A_379 : memref<64x128xf32, #tpu.memory_space<vmem>>[vector<16xi32>, vector<16xi32>], vector<16xf32>,
        %add3A_383 = arith.constant 128 : i32
        %add3A_384 = vector.broadcast %add3A_383 : i32 to vector<16xi32>
        %add3A_385 = arith.addi %add3A_384, %iota3A_165 : vector<16xi32>
        %gather3A_386 = tpu.vector_load_idx %arg7[%broadcast_in_dim3A_321, %add3A_385] : memref<32x256xf32, #tpu.memory_space<vmem>>[vector<16xi32>, vector<16xi32>], vector<16xf32>,
        %add3A_387 = arith.constant 32 : i32
        %add3A_388 = vector.broadcast %add3A_387 : i32 to vector<16xi32>
        %add3A_389 = arith.addi %add3A_388, %shift_right_arithmetic3A_168 : vector<16xi32>
        tpu.vector_store_idx %arg9[%add3A_389, %add3A_326], %gather3A_386 : memref<64x128xf32, #tpu.memory_space<vmem>>[vector<16xi32>, vector<16xi32>], vector<16xf32>,
        %add3A_390 = arith.constant 144 : i32
        %add3A_391 = vector.broadcast %add3A_390 : i32 to vector<16xi32>
        %add3A_392 = arith.addi %add3A_391, %iota3A_165 : vector<16xi32>
        %gather3A_393 = tpu.vector_load_idx %arg7[%broadcast_in_dim3A_321, %add3A_392] : memref<32x256xf32, #tpu.memory_space<vmem>>[vector<16xi32>, vector<16xi32>], vector<16xf32>,
        %add3A_394 = arith.constant 36 : i32
        %add3A_395 = vector.broadcast %add3A_394 : i32 to vector<16xi32>
        %add3A_396 = arith.addi %add3A_395, %shift_right_arithmetic3A_168 : vector<16xi32>
        tpu.vector_store_idx %arg9[%add3A_396, %add3A_326], %gather3A_393 : memref<64x128xf32, #tpu.memory_space<vmem>>[vector<16xi32>, vector<16xi32>], vector<16xf32>,
        %add3A_397 = arith.constant 160 : i32
        %add3A_398 = vector.broadcast %add3A_397 : i32 to vector<16xi32>
        %add3A_399 = arith.addi %add3A_398, %iota3A_165 : vector<16xi32>
        %gather3A_400 = tpu.vector_load_idx %arg7[%broadcast_in_dim3A_321, %add3A_399] : memref<32x256xf32, #tpu.memory_space<vmem>>[vector<16xi32>, vector<16xi32>], vector<16xf32>,
        %add3A_401 = arith.constant 40 : i32
        %add3A_402 = vector.broadcast %add3A_401 : i32 to vector<16xi32>
        %add3A_403 = arith.addi %add3A_402, %shift_right_arithmetic3A_168 : vector<16xi32>
        tpu.vector_store_idx %arg9[%add3A_403, %add3A_326], %gather3A_400 : memref<64x128xf32, #tpu.memory_space<vmem>>[vector<16xi32>, vector<16xi32>], vector<16xf32>,
        %add3A_404 = arith.constant 176 : i32
        %add3A_405 = vector.broadcast %add3A_404 : i32 to vector<16xi32>
        %add3A_406 = arith.addi %add3A_405, %iota3A_165 : vector<16xi32>
        %gather3A_407 = tpu.vector_load_idx %arg7[%broadcast_in_dim3A_321, %add3A_406] : memref<32x256xf32, #tpu.memory_space<vmem>>[vector<16xi32>, vector<16xi32>], vector<16xf32>,
        %add3A_408 = arith.constant 44 : i32
        %add3A_409 = vector.broadcast %add3A_408 : i32 to vector<16xi32>
        %add3A_410 = arith.addi %add3A_409, %shift_right_arithmetic3A_168 : vector<16xi32>
        tpu.vector_store_idx %arg9[%add3A_410, %add3A_326], %gather3A_407 : memref<64x128xf32, #tpu.memory_space<vmem>>[vector<16xi32>, vector<16xi32>], vector<16xf32>,
        %add3A_411 = arith.constant 192 : i32
        %add3A_412 = vector.broadcast %add3A_411 : i32 to vector<16xi32>
        %add3A_413 = arith.addi %add3A_412, %iota3A_165 : vector<16xi32>
        %gather3A_414 = tpu.vector_load_idx %arg7[%broadcast_in_dim3A_321, %add3A_413] : memref<32x256xf32, #tpu.memory_space<vmem>>[vector<16xi32>, vector<16xi32>], vector<16xf32>,
        %add3A_415 = arith.constant 48 : i32
        %add3A_416 = vector.broadcast %add3A_415 : i32 to vector<16xi32>
        %add3A_417 = arith.addi %add3A_416, %shift_right_arithmetic3A_168 : vector<16xi32>
        tpu.vector_store_idx %arg9[%add3A_417, %add3A_326], %gather3A_414 : memref<64x128xf32, #tpu.memory_space<vmem>>[vector<16xi32>, vector<16xi32>], vector<16xf32>,
        %add3A_418 = arith.constant 208 : i32
        %add3A_419 = vector.broadcast %add3A_418 : i32 to vector<16xi32>
        %add3A_420 = arith.addi %add3A_419, %iota3A_165 : vector<16xi32>
        %gather3A_421 = tpu.vector_load_idx %arg7[%broadcast_in_dim3A_321, %add3A_420] : memref<32x256xf32, #tpu.memory_space<vmem>>[vector<16xi32>, vector<16xi32>], vector<16xf32>,
        %add3A_422 = arith.constant 52 : i32
        %add3A_423 = vector.broadcast %add3A_422 : i32 to vector<16xi32>
        %add3A_424 = arith.addi %add3A_423, %shift_right_arithmetic3A_168 : vector<16xi32>
        tpu.vector_store_idx %arg9[%add3A_424, %add3A_326], %gather3A_421 : memref<64x128xf32, #tpu.memory_space<vmem>>[vector<16xi32>, vector<16xi32>], vector<16xf32>,
        %add3A_425 = arith.constant 224 : i32
        %add3A_426 = vector.broadcast %add3A_425 : i32 to vector<16xi32>
        %add3A_427 = arith.addi %add3A_426, %iota3A_165 : vector<16xi32>
        %gather3A_428 = tpu.vector_load_idx %arg7[%broadcast_in_dim3A_321, %add3A_427] : memref<32x256xf32, #tpu.memory_space<vmem>>[vector<16xi32>, vector<16xi32>], vector<16xf32>,
        %add3A_429 = arith.constant 56 : i32
        %add3A_430 = vector.broadcast %add3A_429 : i32 to vector<16xi32>
        %add3A_431 = arith.addi %add3A_430, %shift_right_arithmetic3A_168 : vector<16xi32>
        tpu.vector_store_idx %arg9[%add3A_431, %add3A_326], %gather3A_428 : memref<64x128xf32, #tpu.memory_space<vmem>>[vector<16xi32>, vector<16xi32>], vector<16xf32>,
        %add3A_432 = arith.constant 240 : i32
        %add3A_433 = vector.broadcast %add3A_432 : i32 to vector<16xi32>
        %add3A_434 = arith.addi %add3A_433, %iota3A_165 : vector<16xi32>
        %gather3A_435 = tpu.vector_load_idx %arg7[%broadcast_in_dim3A_321, %add3A_434] : memref<32x256xf32, #tpu.memory_space<vmem>>[vector<16xi32>, vector<16xi32>], vector<16xf32>,
        %add3A_436 = arith.constant 60 : i32
        %add3A_437 = vector.broadcast %add3A_436 : i32 to vector<16xi32>
        %add3A_438 = arith.addi %add3A_437, %shift_right_arithmetic3A_168 : vector<16xi32>
        tpu.vector_store_idx %arg9[%add3A_438, %add3A_326], %gather3A_435 : memref<64x128xf32, #tpu.memory_space<vmem>>[vector<16xi32>, vector<16xi32>], vector<16xf32>,
      }
      %scan3A_179 = arith.constant 16 : i32
      %mul3A_180 = arith.constant 32 : i32
      %mul3A_181 = arith.muli %mul3A_180, %add3A_150 : i32
      %add3A_182 = arith.addi %add3A, %mul3A_181 : i32
      %mul3A_183 = arith.constant 64 : i32
      %mul3A_184 = arith.muli %mul3A_183, %add3A_182 : i32
      %dma_start3A_185 = arith.constant 0 : i32
      %dma_start3A_186 = tpu.memref_slice %arg5[%mul3A_184, %dma_start3A_185] : memref<250000x128xf32, #tpu.memory_space<hbm>> -> memref<64x128xf32, #tpu.memory_space<hbm>>
      %dma_start3A_187 = arith.constant 0 : i32
      %dma_start3A_188 = tpu.memref_slice %arg5[%mul3A_184, %dma_start3A_187] : memref<250000x128xf32, #tpu.memory_space<hbm>> -> memref<64x128xf32, #tpu.memory_space<hbm>>
      tpu.enqueue_dma source(%arg9 : memref<64x128xf32, #tpu.memory_space<vmem>>) target(%dma_start3A_188 : memref<64x128xf32, #tpu.memory_space<hbm>>) target_semaphore(%arg21 : memref<!tpu.dma_semaphore, #tpu.memory_space<semaphore_mem>>)
      %add3A_189 = arith.constant 2 : i32
      %add3A_190 = arith.addi %add3A_150, %add3A_189 : i32
      %lt3A_191 = arith.constant 122 : i32
      %lt3A_192 = arith.cmpi slt, %add3A_190, %lt3A_191 : i32
      %convert_element_type3A_193 = arith.extui %lt3A_192 : i1 to i32
      %cond3A_194 = arith.constant 0 : i32
      %cond3A_195 = arith.cmpi ne, %convert_element_type3A_193, %cond3A_194 : i32
      scf.if %cond3A_195 {
        %add3A_196 = arith.constant 2 : i32
        %add3A_197 = arith.addi %add3A_150, %add3A_196 : i32
        %mul3A_198 = arith.constant 32 : i32
        %mul3A_199 = arith.muli %mul3A_198, %add3A_197 : i32
        %add3A_200 = arith.addi %add3A, %mul3A_199 : i32
        %mul3A_201 = arith.constant 256 : i32
        %mul3A_202 = arith.muli %mul3A_201, %add3A_200 : i32
        %dma_start3A_203 = arith.constant 0 : i32
        %dma_start3A_204 = tpu.memref_slice %arg2[%dma_start3A_203, %mul3A_202] : memref<32x1000000xf32, #tpu.memory_space<hbm>> -> memref<32x256xf32, #tpu.memory_space<hbm>>
        %dma_start3A_205 = arith.constant 0 : i32
        %dma_start3A_206 = tpu.memref_slice %arg2[%dma_start3A_205, %mul3A_202] : memref<32x1000000xf32, #tpu.memory_space<hbm>> -> memref<32x256xf32, #tpu.memory_space<hbm>>
        tpu.enqueue_dma source(%dma_start3A_206 : memref<32x256xf32, #tpu.memory_space<hbm>>) target(%arg7 : memref<32x256xf32, #tpu.memory_space<vmem>>) target_semaphore(%arg19 : memref<!tpu.dma_semaphore, #tpu.memory_space<semaphore_mem>>)
      } else {
      }
    }
    %scan3A_19 = arith.constant 61 : i32
    %add3A_20 = arith.constant 3840 : i32
    %add3A_21 = arith.addi %add3A, %add3A_20 : i32
    %mul3A_22 = arith.constant 64 : i32
    %mul3A_23 = arith.muli %mul3A_22, %add3A_21 : i32
    %dma_wait3A = arith.constant 0 : i32
    %dma_wait3A_24 = tpu.memref_slice %arg5[%mul3A_23, %dma_wait3A] : memref<250000x128xf32, #tpu.memory_space<hbm>> -> memref<64x128xf32, #tpu.memory_space<hbm>>
    %dma_wait3A_25 = arith.constant 0 : i32
    %dma_wait3A_26 = tpu.memref_slice %arg5[%mul3A_23, %dma_wait3A_25] : memref<250000x128xf32, #tpu.memory_space<hbm>> -> memref<64x128xf32, #tpu.memory_space<hbm>>
    tpu.wait_dma2 semaphore(%arg20 : memref<!tpu.dma_semaphore, #tpu.memory_space<semaphore_mem>>) src(%arg8 : memref<64x128xf32, #tpu.memory_space<vmem>>) dst(%dma_wait3A_26 : memref<64x128xf32, #tpu.memory_space<hbm>>)
    %add3A_27 = arith.constant 3872 : i32
    %add3A_28 = arith.addi %add3A, %add3A_27 : i32
    %mul3A_29 = arith.constant 64 : i32
    %mul3A_30 = arith.muli %mul3A_29, %add3A_28 : i32
    %dma_wait3A_31 = arith.constant 0 : i32
    %dma_wait3A_32 = tpu.memref_slice %arg5[%mul3A_30, %dma_wait3A_31] : memref<250000x128xf32, #tpu.memory_space<hbm>> -> memref<64x128xf32, #tpu.memory_space<hbm>>
    %dma_wait3A_33 = arith.constant 0 : i32
    %dma_wait3A_34 = tpu.memref_slice %arg5[%mul3A_30, %dma_wait3A_33] : memref<250000x128xf32, #tpu.memory_space<hbm>> -> memref<64x128xf32, #tpu.memory_space<hbm>>
    tpu.wait_dma2 semaphore(%arg21 : memref<!tpu.dma_semaphore, #tpu.memory_space<semaphore_mem>>) src(%arg9 : memref<64x128xf32, #tpu.memory_space<vmem>>) dst(%dma_wait3A_34 : memref<64x128xf32, #tpu.memory_space<hbm>>)
    %lt3A = arith.constant 2 : i32
    %lt3A_35 = arith.cmpi slt, %add3A, %lt3A : i32
    %convert_element_type3A = arith.extui %lt3A_35 : i1 to i32
    %cond3A = arith.constant 0 : i32
    %cond3A_36 = arith.cmpi ne, %convert_element_type3A, %cond3A : i32
    scf.if %cond3A_36 {
      %add3A_98 = arith.constant 3904 : i32
      %add3A_99 = arith.addi %add3A_98, %add3A : i32
      %mul3A_100 = arith.constant 256 : i32
      %mul3A_101 = arith.muli %mul3A_100, %add3A_99 : i32
      "tpu.region"() ({
        %run_scoped3A = tpu.sem_alloc : memref<!tpu.dma_semaphore, #tpu.memory_space<semaphore_mem>>
        %dma_start3A_119 = arith.constant 0 : i32
        %dma_start3A_120 = tpu.memref_slice %arg2[%dma_start3A_119, %mul3A_101] : memref<32x1000000xf32, #tpu.memory_space<hbm>> -> memref<32x256xf32, #tpu.memory_space<hbm>>
        %dma_start3A_121 = arith.constant 0 : i32
        %dma_start3A_122 = tpu.memref_slice %arg2[%dma_start3A_121, %mul3A_101] : memref<32x1000000xf32, #tpu.memory_space<hbm>> -> memref<32x256xf32, #tpu.memory_space<hbm>>
        tpu.enqueue_dma source(%dma_start3A_122 : memref<32x256xf32, #tpu.memory_space<hbm>>) target(%arg6 : memref<32x256xf32, #tpu.memory_space<vmem>>) target_semaphore(%run_scoped3A : memref<!tpu.dma_semaphore, #tpu.memory_space<semaphore_mem>>)
        %dma_wait3A_123 = arith.constant 0 : i32
        %dma_wait3A_124 = tpu.memref_slice %arg2[%dma_wait3A_123, %mul3A_101] : memref<32x1000000xf32, #tpu.memory_space<hbm>> -> memref<32x256xf32, #tpu.memory_space<hbm>>
        %dma_wait3A_125 = arith.constant 0 : i32
        %dma_wait3A_126 = tpu.memref_slice %arg2[%dma_wait3A_125, %mul3A_101] : memref<32x1000000xf32, #tpu.memory_space<hbm>> -> memref<32x256xf32, #tpu.memory_space<hbm>>
        tpu.wait_dma2 semaphore(%run_scoped3A : memref<!tpu.dma_semaphore, #tpu.memory_space<semaphore_mem>>) src(%dma_wait3A_126 : memref<32x256xf32, #tpu.memory_space<hbm>>) dst(%arg6 : memref<32x256xf32, #tpu.memory_space<vmem>>)
        tpu.yield
      }) : () -> ()
      %iota3A_102 = tpu.iota {dimensions = array<i32: 0>} : vector<16xi32>
      %shift_right_arithmetic3A_103 = arith.constant 2 : i32
      %shift_right_arithmetic3A_104 = vector.broadcast %shift_right_arithmetic3A_103 : i32 to vector<16xi32>
      %shift_right_arithmetic3A_105 = arith.shrsi %iota3A_102, %shift_right_arithmetic3A_104 : vector<16xi32>
      %and3A_106 = arith.constant 3 : i32
      %and3A_107 = vector.broadcast %and3A_106 : i32 to vector<16xi32>
      %and3A_108 = arith.andi %iota3A_102, %and3A_107 : vector<16xi32>
      %mul3A_109 = arith.constant 32 : i32
      %mul3A_110 = vector.broadcast %mul3A_109 : i32 to vector<16xi32>
      %mul3A_111 = arith.muli %and3A_108, %mul3A_110 : vector<16xi32>
      %scan3A_112 = arith.constant 0 : i32
      %scan3A_113 = arith.constant 16 : i32
      %scan3A_114 = arith.addi %scan3A_112, %scan3A_113 : i32
      %scan3A_115 = arith.constant 1 : i32
      scf.for %scan3A_119 = %scan3A_112 to %scan3A_114 step %scan3A_115  : i32 {
        %mul3A_120 = arith.constant 2 : i32
        %mul3A_121 = arith.muli %mul3A_120, %scan3A_119 : i32
        %add3A_122 = arith.constant 0 : i32
        %add3A_123 = arith.addi %mul3A_121, %add3A_122 : i32
        %broadcast_in_dim3A = vector.broadcast %add3A_123 : i32 to vector<16xi32>
        %add3A_124 = arith.addi %broadcast_in_dim3A, %iota3A_102 : vector<16xi32>
        %and3A_125 = arith.constant 31 : i32
        %and3A_126 = vector.broadcast %and3A_125 : i32 to vector<16xi32>
        %and3A_127 = arith.andi %add3A_124, %and3A_126 : vector<16xi32>
        %add3A_128 = arith.addi %mul3A_111, %and3A_127 : vector<16xi32>
        %add3A_129 = arith.constant 0 : i32
        %add3A_130 = vector.broadcast %add3A_129 : i32 to vector<16xi32>
        %add3A_131 = arith.addi %add3A_130, %iota3A_102 : vector<16xi32>
        %gather3A = tpu.vector_load_idx %arg6[%broadcast_in_dim3A, %add3A_131] : memref<32x256xf32, #tpu.memory_space<vmem>>[vector<16xi32>, vector<16xi32>], vector<16xf32>,
        %add3A_132 = arith.constant 0 : i32
        %add3A_133 = vector.broadcast %add3A_132 : i32 to vector<16xi32>
        %add3A_134 = arith.addi %add3A_133, %shift_right_arithmetic3A_105 : vector<16xi32>
        tpu.vector_store_idx %arg8[%add3A_134, %add3A_128], %gather3A : memref<64x128xf32, #tpu.memory_space<vmem>>[vector<16xi32>, vector<16xi32>], vector<16xf32>,
        %add3A_135 = arith.constant 16 : i32
        %add3A_136 = vector.broadcast %add3A_135 : i32 to vector<16xi32>
        %add3A_137 = arith.addi %add3A_136, %iota3A_102 : vector<16xi32>
        %gather3A_138 = tpu.vector_load_idx %arg6[%broadcast_in_dim3A, %add3A_137] : memref<32x256xf32, #tpu.memory_space<vmem>>[vector<16xi32>, vector<16xi32>], vector<16xf32>,
        %add3A_139 = arith.constant 4 : i32
        %add3A_140 = vector.broadcast %add3A_139 : i32 to vector<16xi32>
        %add3A_141 = arith.addi %add3A_140, %shift_right_arithmetic3A_105 : vector<16xi32>
        tpu.vector_store_idx %arg8[%add3A_141, %add3A_128], %gather3A_138 : memref<64x128xf32, #tpu.memory_space<vmem>>[vector<16xi32>, vector<16xi32>], vector<16xf32>,
        %add3A_142 = arith.constant 32 : i32
        %add3A_143 = vector.broadcast %add3A_142 : i32 to vector<16xi32>
        %add3A_144 = arith.addi %add3A_143, %iota3A_102 : vector<16xi32>
        %gather3A_145 = tpu.vector_load_idx %arg6[%broadcast_in_dim3A, %add3A_144] : memref<32x256xf32, #tpu.memory_space<vmem>>[vector<16xi32>, vector<16xi32>], vector<16xf32>,
        %add3A_146 = arith.constant 8 : i32
        %add3A_147 = vector.broadcast %add3A_146 : i32 to vector<16xi32>
        %add3A_148 = arith.addi %add3A_147, %shift_right_arithmetic3A_105 : vector<16xi32>
        tpu.vector_store_idx %arg8[%add3A_148, %add3A_128], %gather3A_145 : memref<64x128xf32, #tpu.memory_space<vmem>>[vector<16xi32>, vector<16xi32>], vector<16xf32>,
        %add3A_149 = arith.constant 48 : i32
        %add3A_150 = vector.broadcast %add3A_149 : i32 to vector<16xi32>
        %add3A_151 = arith.addi %add3A_150, %iota3A_102 : vector<16xi32>
        %gather3A_152 = tpu.vector_load_idx %arg6[%broadcast_in_dim3A, %add3A_151] : memref<32x256xf32, #tpu.memory_space<vmem>>[vector<16xi32>, vector<16xi32>], vector<16xf32>,
        %add3A_153 = arith.constant 12 : i32
        %add3A_154 = vector.broadcast %add3A_153 : i32 to vector<16xi32>
        %add3A_155 = arith.addi %add3A_154, %shift_right_arithmetic3A_105 : vector<16xi32>
        tpu.vector_store_idx %arg8[%add3A_155, %add3A_128], %gather3A_152 : memref<64x128xf32, #tpu.memory_space<vmem>>[vector<16xi32>, vector<16xi32>], vector<16xf32>,
        %add3A_156 = arith.constant 64 : i32
        %add3A_157 = vector.broadcast %add3A_156 : i32 to vector<16xi32>
        %add3A_158 = arith.addi %add3A_157, %iota3A_102 : vector<16xi32>
        %gather3A_159 = tpu.vector_load_idx %arg6[%broadcast_in_dim3A, %add3A_158] : memref<32x256xf32, #tpu.memory_space<vmem>>[vector<16xi32>, vector<16xi32>], vector<16xf32>,
        %add3A_160 = arith.constant 16 : i32
        %add3A_161 = vector.broadcast %add3A_160 : i32 to vector<16xi32>
        %add3A_162 = arith.addi %add3A_161, %shift_right_arithmetic3A_105 : vector<16xi32>
        tpu.vector_store_idx %arg8[%add3A_162, %add3A_128], %gather3A_159 : memref<64x128xf32, #tpu.memory_space<vmem>>[vector<16xi32>, vector<16xi32>], vector<16xf32>,
        %add3A_163 = arith.constant 80 : i32
        %add3A_164 = vector.broadcast %add3A_163 : i32 to vector<16xi32>
        %add3A_165 = arith.addi %add3A_164, %iota3A_102 : vector<16xi32>
        %gather3A_166 = tpu.vector_load_idx %arg6[%broadcast_in_dim3A, %add3A_165] : memref<32x256xf32, #tpu.memory_space<vmem>>[vector<16xi32>, vector<16xi32>], vector<16xf32>,
        %add3A_167 = arith.constant 20 : i32
        %add3A_168 = vector.broadcast %add3A_167 : i32 to vector<16xi32>
        %add3A_169 = arith.addi %add3A_168, %shift_right_arithmetic3A_105 : vector<16xi32>
        tpu.vector_store_idx %arg8[%add3A_169, %add3A_128], %gather3A_166 : memref<64x128xf32, #tpu.memory_space<vmem>>[vector<16xi32>, vector<16xi32>], vector<16xf32>,
        %add3A_170 = arith.constant 96 : i32
        %add3A_171 = vector.broadcast %add3A_170 : i32 to vector<16xi32>
        %add3A_172 = arith.addi %add3A_171, %iota3A_102 : vector<16xi32>
        %gather3A_173 = tpu.vector_load_idx %arg6[%broadcast_in_dim3A, %add3A_172] : memref<32x256xf32, #tpu.memory_space<vmem>>[vector<16xi32>, vector<16xi32>], vector<16xf32>,
        %add3A_174 = arith.constant 24 : i32
        %add3A_175 = vector.broadcast %add3A_174 : i32 to vector<16xi32>
        %add3A_176 = arith.addi %add3A_175, %shift_right_arithmetic3A_105 : vector<16xi32>
        tpu.vector_store_idx %arg8[%add3A_176, %add3A_128], %gather3A_173 : memref<64x128xf32, #tpu.memory_space<vmem>>[vector<16xi32>, vector<16xi32>], vector<16xf32>,
        %add3A_177 = arith.constant 112 : i32
        %add3A_178 = vector.broadcast %add3A_177 : i32 to vector<16xi32>
        %add3A_179 = arith.addi %add3A_178, %iota3A_102 : vector<16xi32>
        %gather3A_180 = tpu.vector_load_idx %arg6[%broadcast_in_dim3A, %add3A_179] : memref<32x256xf32, #tpu.memory_space<vmem>>[vector<16xi32>, vector<16xi32>], vector<16xf32>,
        %add3A_181 = arith.constant 28 : i32
        %add3A_182 = vector.broadcast %add3A_181 : i32 to vector<16xi32>
        %add3A_183 = arith.addi %add3A_182, %shift_right_arithmetic3A_105 : vector<16xi32>
        tpu.vector_store_idx %arg8[%add3A_183, %add3A_128], %gather3A_180 : memref<64x128xf32, #tpu.memory_space<vmem>>[vector<16xi32>, vector<16xi32>], vector<16xf32>,
        %add3A_184 = arith.constant 128 : i32
        %add3A_185 = vector.broadcast %add3A_184 : i32 to vector<16xi32>
        %add3A_186 = arith.addi %add3A_185, %iota3A_102 : vector<16xi32>
        %gather3A_187 = tpu.vector_load_idx %arg6[%broadcast_in_dim3A, %add3A_186] : memref<32x256xf32, #tpu.memory_space<vmem>>[vector<16xi32>, vector<16xi32>], vector<16xf32>,
        %add3A_188 = arith.constant 32 : i32
        %add3A_189 = vector.broadcast %add3A_188 : i32 to vector<16xi32>
        %add3A_190 = arith.addi %add3A_189, %shift_right_arithmetic3A_105 : vector<16xi32>
        tpu.vector_store_idx %arg8[%add3A_190, %add3A_128], %gather3A_187 : memref<64x128xf32, #tpu.memory_space<vmem>>[vector<16xi32>, vector<16xi32>], vector<16xf32>,
        %add3A_191 = arith.constant 144 : i32
        %add3A_192 = vector.broadcast %add3A_191 : i32 to vector<16xi32>
        %add3A_193 = arith.addi %add3A_192, %iota3A_102 : vector<16xi32>
        %gather3A_194 = tpu.vector_load_idx %arg6[%broadcast_in_dim3A, %add3A_193] : memref<32x256xf32, #tpu.memory_space<vmem>>[vector<16xi32>, vector<16xi32>], vector<16xf32>,
        %add3A_195 = arith.constant 36 : i32
        %add3A_196 = vector.broadcast %add3A_195 : i32 to vector<16xi32>
        %add3A_197 = arith.addi %add3A_196, %shift_right_arithmetic3A_105 : vector<16xi32>
        tpu.vector_store_idx %arg8[%add3A_197, %add3A_128], %gather3A_194 : memref<64x128xf32, #tpu.memory_space<vmem>>[vector<16xi32>, vector<16xi32>], vector<16xf32>,
        %add3A_198 = arith.constant 160 : i32
        %add3A_199 = vector.broadcast %add3A_198 : i32 to vector<16xi32>
        %add3A_200 = arith.addi %add3A_199, %iota3A_102 : vector<16xi32>
        %gather3A_201 = tpu.vector_load_idx %arg6[%broadcast_in_dim3A, %add3A_200] : memref<32x256xf32, #tpu.memory_space<vmem>>[vector<16xi32>, vector<16xi32>], vector<16xf32>,
        %add3A_202 = arith.constant 40 : i32
        %add3A_203 = vector.broadcast %add3A_202 : i32 to vector<16xi32>
        %add3A_204 = arith.addi %add3A_203, %shift_right_arithmetic3A_105 : vector<16xi32>
        tpu.vector_store_idx %arg8[%add3A_204, %add3A_128], %gather3A_201 : memref<64x128xf32, #tpu.memory_space<vmem>>[vector<16xi32>, vector<16xi32>], vector<16xf32>,
        %add3A_205 = arith.constant 176 : i32
        %add3A_206 = vector.broadcast %add3A_205 : i32 to vector<16xi32>
        %add3A_207 = arith.addi %add3A_206, %iota3A_102 : vector<16xi32>
        %gather3A_208 = tpu.vector_load_idx %arg6[%broadcast_in_dim3A, %add3A_207] : memref<32x256xf32, #tpu.memory_space<vmem>>[vector<16xi32>, vector<16xi32>], vector<16xf32>,
        %add3A_209 = arith.constant 44 : i32
        %add3A_210 = vector.broadcast %add3A_209 : i32 to vector<16xi32>
        %add3A_211 = arith.addi %add3A_210, %shift_right_arithmetic3A_105 : vector<16xi32>
        tpu.vector_store_idx %arg8[%add3A_211, %add3A_128], %gather3A_208 : memref<64x128xf32, #tpu.memory_space<vmem>>[vector<16xi32>, vector<16xi32>], vector<16xf32>,
        %add3A_212 = arith.constant 192 : i32
        %add3A_213 = vector.broadcast %add3A_212 : i32 to vector<16xi32>
        %add3A_214 = arith.addi %add3A_213, %iota3A_102 : vector<16xi32>
        %gather3A_215 = tpu.vector_load_idx %arg6[%broadcast_in_dim3A, %add3A_214] : memref<32x256xf32, #tpu.memory_space<vmem>>[vector<16xi32>, vector<16xi32>], vector<16xf32>,
        %add3A_216 = arith.constant 48 : i32
        %add3A_217 = vector.broadcast %add3A_216 : i32 to vector<16xi32>
        %add3A_218 = arith.addi %add3A_217, %shift_right_arithmetic3A_105 : vector<16xi32>
        tpu.vector_store_idx %arg8[%add3A_218, %add3A_128], %gather3A_215 : memref<64x128xf32, #tpu.memory_space<vmem>>[vector<16xi32>, vector<16xi32>], vector<16xf32>,
        %add3A_219 = arith.constant 208 : i32
        %add3A_220 = vector.broadcast %add3A_219 : i32 to vector<16xi32>
        %add3A_221 = arith.addi %add3A_220, %iota3A_102 : vector<16xi32>
        %gather3A_222 = tpu.vector_load_idx %arg6[%broadcast_in_dim3A, %add3A_221] : memref<32x256xf32, #tpu.memory_space<vmem>>[vector<16xi32>, vector<16xi32>], vector<16xf32>,
        %add3A_223 = arith.constant 52 : i32
        %add3A_224 = vector.broadcast %add3A_223 : i32 to vector<16xi32>
        %add3A_225 = arith.addi %add3A_224, %shift_right_arithmetic3A_105 : vector<16xi32>
        tpu.vector_store_idx %arg8[%add3A_225, %add3A_128], %gather3A_222 : memref<64x128xf32, #tpu.memory_space<vmem>>[vector<16xi32>, vector<16xi32>], vector<16xf32>,
        %add3A_226 = arith.constant 224 : i32
        %add3A_227 = vector.broadcast %add3A_226 : i32 to vector<16xi32>
        %add3A_228 = arith.addi %add3A_227, %iota3A_102 : vector<16xi32>
        %gather3A_229 = tpu.vector_load_idx %arg6[%broadcast_in_dim3A, %add3A_228] : memref<32x256xf32, #tpu.memory_space<vmem>>[vector<16xi32>, vector<16xi32>], vector<16xf32>,
        %add3A_230 = arith.constant 56 : i32
        %add3A_231 = vector.broadcast %add3A_230 : i32 to vector<16xi32>
        %add3A_232 = arith.addi %add3A_231, %shift_right_arithmetic3A_105 : vector<16xi32>
        tpu.vector_store_idx %arg8[%add3A_232, %add3A_128], %gather3A_229 : memref<64x128xf32, #tpu.memory_space<vmem>>[vector<16xi32>, vector<16xi32>], vector<16xf32>,
        %add3A_233 = arith.constant 240 : i32
        %add3A_234 = vector.broadcast %add3A_233 : i32 to vector<16xi32>
        %add3A_235 = arith.addi %add3A_234, %iota3A_102 : vector<16xi32>
        %gather3A_236 = tpu.vector_load_idx %arg6[%broadcast_in_dim3A, %add3A_235] : memref<32x256xf32, #tpu.memory_space<vmem>>[vector<16xi32>, vector<16xi32>], vector<16xf32>,
        %add3A_237 = arith.constant 60 : i32
        %add3A_238 = vector.broadcast %add3A_237 : i32 to vector<16xi32>
        %add3A_239 = arith.addi %add3A_238, %shift_right_arithmetic3A_105 : vector<16xi32>
        tpu.vector_store_idx %arg8[%add3A_239, %add3A_128], %gather3A_236 : memref<64x128xf32, #tpu.memory_space<vmem>>[vector<16xi32>, vector<16xi32>], vector<16xf32>,
        %mul3A_240 = arith.constant 2 : i32
        %mul3A_241 = arith.muli %mul3A_240, %scan3A_119 : i32
        %add3A_242 = arith.constant 1 : i32
        %add3A_243 = arith.addi %mul3A_241, %add3A_242 : i32
        %broadcast_in_dim3A_244 = vector.broadcast %add3A_243 : i32 to vector<16xi32>
        %add3A_245 = arith.addi %broadcast_in_dim3A_244, %iota3A_102 : vector<16xi32>
        %and3A_246 = arith.constant 31 : i32
        %and3A_247 = vector.broadcast %and3A_246 : i32 to vector<16xi32>
        %and3A_248 = arith.andi %add3A_245, %and3A_247 : vector<16xi32>
        %add3A_249 = arith.addi %mul3A_111, %and3A_248 : vector<16xi32>
        %add3A_250 = arith.constant 0 : i32
        %add3A_251 = vector.broadcast %add3A_250 : i32 to vector<16xi32>
        %add3A_252 = arith.addi %add3A_251, %iota3A_102 : vector<16xi32>
        %gather3A_253 = tpu.vector_load_idx %arg6[%broadcast_in_dim3A_244, %add3A_252] : memref<32x256xf32, #tpu.memory_space<vmem>>[vector<16xi32>, vector<16xi32>], vector<16xf32>,
        %add3A_254 = arith.constant 0 : i32
        %add3A_255 = vector.broadcast %add3A_254 : i32 to vector<16xi32>
        %add3A_256 = arith.addi %add3A_255, %shift_right_arithmetic3A_105 : vector<16xi32>
        tpu.vector_store_idx %arg8[%add3A_256, %add3A_249], %gather3A_253 : memref<64x128xf32, #tpu.memory_space<vmem>>[vector<16xi32>, vector<16xi32>], vector<16xf32>,
        %add3A_257 = arith.constant 16 : i32
        %add3A_258 = vector.broadcast %add3A_257 : i32 to vector<16xi32>
        %add3A_259 = arith.addi %add3A_258, %iota3A_102 : vector<16xi32>
        %gather3A_260 = tpu.vector_load_idx %arg6[%broadcast_in_dim3A_244, %add3A_259] : memref<32x256xf32, #tpu.memory_space<vmem>>[vector<16xi32>, vector<16xi32>], vector<16xf32>,
        %add3A_261 = arith.constant 4 : i32
        %add3A_262 = vector.broadcast %add3A_261 : i32 to vector<16xi32>
        %add3A_263 = arith.addi %add3A_262, %shift_right_arithmetic3A_105 : vector<16xi32>
        tpu.vector_store_idx %arg8[%add3A_263, %add3A_249], %gather3A_260 : memref<64x128xf32, #tpu.memory_space<vmem>>[vector<16xi32>, vector<16xi32>], vector<16xf32>,
        %add3A_264 = arith.constant 32 : i32
        %add3A_265 = vector.broadcast %add3A_264 : i32 to vector<16xi32>
        %add3A_266 = arith.addi %add3A_265, %iota3A_102 : vector<16xi32>
        %gather3A_267 = tpu.vector_load_idx %arg6[%broadcast_in_dim3A_244, %add3A_266] : memref<32x256xf32, #tpu.memory_space<vmem>>[vector<16xi32>, vector<16xi32>], vector<16xf32>,
        %add3A_268 = arith.constant 8 : i32
        %add3A_269 = vector.broadcast %add3A_268 : i32 to vector<16xi32>
        %add3A_270 = arith.addi %add3A_269, %shift_right_arithmetic3A_105 : vector<16xi32>
        tpu.vector_store_idx %arg8[%add3A_270, %add3A_249], %gather3A_267 : memref<64x128xf32, #tpu.memory_space<vmem>>[vector<16xi32>, vector<16xi32>], vector<16xf32>,
        %add3A_271 = arith.constant 48 : i32
        %add3A_272 = vector.broadcast %add3A_271 : i32 to vector<16xi32>
        %add3A_273 = arith.addi %add3A_272, %iota3A_102 : vector<16xi32>
        %gather3A_274 = tpu.vector_load_idx %arg6[%broadcast_in_dim3A_244, %add3A_273] : memref<32x256xf32, #tpu.memory_space<vmem>>[vector<16xi32>, vector<16xi32>], vector<16xf32>,
        %add3A_275 = arith.constant 12 : i32
        %add3A_276 = vector.broadcast %add3A_275 : i32 to vector<16xi32>
        %add3A_277 = arith.addi %add3A_276, %shift_right_arithmetic3A_105 : vector<16xi32>
        tpu.vector_store_idx %arg8[%add3A_277, %add3A_249], %gather3A_274 : memref<64x128xf32, #tpu.memory_space<vmem>>[vector<16xi32>, vector<16xi32>], vector<16xf32>,
        %add3A_278 = arith.constant 64 : i32
        %add3A_279 = vector.broadcast %add3A_278 : i32 to vector<16xi32>
        %add3A_280 = arith.addi %add3A_279, %iota3A_102 : vector<16xi32>
        %gather3A_281 = tpu.vector_load_idx %arg6[%broadcast_in_dim3A_244, %add3A_280] : memref<32x256xf32, #tpu.memory_space<vmem>>[vector<16xi32>, vector<16xi32>], vector<16xf32>,
        %add3A_282 = arith.constant 16 : i32
        %add3A_283 = vector.broadcast %add3A_282 : i32 to vector<16xi32>
        %add3A_284 = arith.addi %add3A_283, %shift_right_arithmetic3A_105 : vector<16xi32>
        tpu.vector_store_idx %arg8[%add3A_284, %add3A_249], %gather3A_281 : memref<64x128xf32, #tpu.memory_space<vmem>>[vector<16xi32>, vector<16xi32>], vector<16xf32>,
        %add3A_285 = arith.constant 80 : i32
        %add3A_286 = vector.broadcast %add3A_285 : i32 to vector<16xi32>
        %add3A_287 = arith.addi %add3A_286, %iota3A_102 : vector<16xi32>
        %gather3A_288 = tpu.vector_load_idx %arg6[%broadcast_in_dim3A_244, %add3A_287] : memref<32x256xf32, #tpu.memory_space<vmem>>[vector<16xi32>, vector<16xi32>], vector<16xf32>,
        %add3A_289 = arith.constant 20 : i32
        %add3A_290 = vector.broadcast %add3A_289 : i32 to vector<16xi32>
        %add3A_291 = arith.addi %add3A_290, %shift_right_arithmetic3A_105 : vector<16xi32>
        tpu.vector_store_idx %arg8[%add3A_291, %add3A_249], %gather3A_288 : memref<64x128xf32, #tpu.memory_space<vmem>>[vector<16xi32>, vector<16xi32>], vector<16xf32>,
        %add3A_292 = arith.constant 96 : i32
        %add3A_293 = vector.broadcast %add3A_292 : i32 to vector<16xi32>
        %add3A_294 = arith.addi %add3A_293, %iota3A_102 : vector<16xi32>
        %gather3A_295 = tpu.vector_load_idx %arg6[%broadcast_in_dim3A_244, %add3A_294] : memref<32x256xf32, #tpu.memory_space<vmem>>[vector<16xi32>, vector<16xi32>], vector<16xf32>,
        %add3A_296 = arith.constant 24 : i32
        %add3A_297 = vector.broadcast %add3A_296 : i32 to vector<16xi32>
        %add3A_298 = arith.addi %add3A_297, %shift_right_arithmetic3A_105 : vector<16xi32>
        tpu.vector_store_idx %arg8[%add3A_298, %add3A_249], %gather3A_295 : memref<64x128xf32, #tpu.memory_space<vmem>>[vector<16xi32>, vector<16xi32>], vector<16xf32>,
        %add3A_299 = arith.constant 112 : i32
        %add3A_300 = vector.broadcast %add3A_299 : i32 to vector<16xi32>
        %add3A_301 = arith.addi %add3A_300, %iota3A_102 : vector<16xi32>
        %gather3A_302 = tpu.vector_load_idx %arg6[%broadcast_in_dim3A_244, %add3A_301] : memref<32x256xf32, #tpu.memory_space<vmem>>[vector<16xi32>, vector<16xi32>], vector<16xf32>,
        %add3A_303 = arith.constant 28 : i32
        %add3A_304 = vector.broadcast %add3A_303 : i32 to vector<16xi32>
        %add3A_305 = arith.addi %add3A_304, %shift_right_arithmetic3A_105 : vector<16xi32>
        tpu.vector_store_idx %arg8[%add3A_305, %add3A_249], %gather3A_302 : memref<64x128xf32, #tpu.memory_space<vmem>>[vector<16xi32>, vector<16xi32>], vector<16xf32>,
        %add3A_306 = arith.constant 128 : i32
        %add3A_307 = vector.broadcast %add3A_306 : i32 to vector<16xi32>
        %add3A_308 = arith.addi %add3A_307, %iota3A_102 : vector<16xi32>
        %gather3A_309 = tpu.vector_load_idx %arg6[%broadcast_in_dim3A_244, %add3A_308] : memref<32x256xf32, #tpu.memory_space<vmem>>[vector<16xi32>, vector<16xi32>], vector<16xf32>,
        %add3A_310 = arith.constant 32 : i32
        %add3A_311 = vector.broadcast %add3A_310 : i32 to vector<16xi32>
        %add3A_312 = arith.addi %add3A_311, %shift_right_arithmetic3A_105 : vector<16xi32>
        tpu.vector_store_idx %arg8[%add3A_312, %add3A_249], %gather3A_309 : memref<64x128xf32, #tpu.memory_space<vmem>>[vector<16xi32>, vector<16xi32>], vector<16xf32>,
        %add3A_313 = arith.constant 144 : i32
        %add3A_314 = vector.broadcast %add3A_313 : i32 to vector<16xi32>
        %add3A_315 = arith.addi %add3A_314, %iota3A_102 : vector<16xi32>
        %gather3A_316 = tpu.vector_load_idx %arg6[%broadcast_in_dim3A_244, %add3A_315] : memref<32x256xf32, #tpu.memory_space<vmem>>[vector<16xi32>, vector<16xi32>], vector<16xf32>,
        %add3A_317 = arith.constant 36 : i32
        %add3A_318 = vector.broadcast %add3A_317 : i32 to vector<16xi32>
        %add3A_319 = arith.addi %add3A_318, %shift_right_arithmetic3A_105 : vector<16xi32>
        tpu.vector_store_idx %arg8[%add3A_319, %add3A_249], %gather3A_316 : memref<64x128xf32, #tpu.memory_space<vmem>>[vector<16xi32>, vector<16xi32>], vector<16xf32>,
        %add3A_320 = arith.constant 160 : i32
        %add3A_321 = vector.broadcast %add3A_320 : i32 to vector<16xi32>
        %add3A_322 = arith.addi %add3A_321, %iota3A_102 : vector<16xi32>
        %gather3A_323 = tpu.vector_load_idx %arg6[%broadcast_in_dim3A_244, %add3A_322] : memref<32x256xf32, #tpu.memory_space<vmem>>[vector<16xi32>, vector<16xi32>], vector<16xf32>,
        %add3A_324 = arith.constant 40 : i32
        %add3A_325 = vector.broadcast %add3A_324 : i32 to vector<16xi32>
        %add3A_326 = arith.addi %add3A_325, %shift_right_arithmetic3A_105 : vector<16xi32>
        tpu.vector_store_idx %arg8[%add3A_326, %add3A_249], %gather3A_323 : memref<64x128xf32, #tpu.memory_space<vmem>>[vector<16xi32>, vector<16xi32>], vector<16xf32>,
        %add3A_327 = arith.constant 176 : i32
        %add3A_328 = vector.broadcast %add3A_327 : i32 to vector<16xi32>
        %add3A_329 = arith.addi %add3A_328, %iota3A_102 : vector<16xi32>
        %gather3A_330 = tpu.vector_load_idx %arg6[%broadcast_in_dim3A_244, %add3A_329] : memref<32x256xf32, #tpu.memory_space<vmem>>[vector<16xi32>, vector<16xi32>], vector<16xf32>,
        %add3A_331 = arith.constant 44 : i32
        %add3A_332 = vector.broadcast %add3A_331 : i32 to vector<16xi32>
        %add3A_333 = arith.addi %add3A_332, %shift_right_arithmetic3A_105 : vector<16xi32>
        tpu.vector_store_idx %arg8[%add3A_333, %add3A_249], %gather3A_330 : memref<64x128xf32, #tpu.memory_space<vmem>>[vector<16xi32>, vector<16xi32>], vector<16xf32>,
        %add3A_334 = arith.constant 192 : i32
        %add3A_335 = vector.broadcast %add3A_334 : i32 to vector<16xi32>
        %add3A_336 = arith.addi %add3A_335, %iota3A_102 : vector<16xi32>
        %gather3A_337 = tpu.vector_load_idx %arg6[%broadcast_in_dim3A_244, %add3A_336] : memref<32x256xf32, #tpu.memory_space<vmem>>[vector<16xi32>, vector<16xi32>], vector<16xf32>,
        %add3A_338 = arith.constant 48 : i32
        %add3A_339 = vector.broadcast %add3A_338 : i32 to vector<16xi32>
        %add3A_340 = arith.addi %add3A_339, %shift_right_arithmetic3A_105 : vector<16xi32>
        tpu.vector_store_idx %arg8[%add3A_340, %add3A_249], %gather3A_337 : memref<64x128xf32, #tpu.memory_space<vmem>>[vector<16xi32>, vector<16xi32>], vector<16xf32>,
        %add3A_341 = arith.constant 208 : i32
        %add3A_342 = vector.broadcast %add3A_341 : i32 to vector<16xi32>
        %add3A_343 = arith.addi %add3A_342, %iota3A_102 : vector<16xi32>
        %gather3A_344 = tpu.vector_load_idx %arg6[%broadcast_in_dim3A_244, %add3A_343] : memref<32x256xf32, #tpu.memory_space<vmem>>[vector<16xi32>, vector<16xi32>], vector<16xf32>,
        %add3A_345 = arith.constant 52 : i32
        %add3A_346 = vector.broadcast %add3A_345 : i32 to vector<16xi32>
        %add3A_347 = arith.addi %add3A_346, %shift_right_arithmetic3A_105 : vector<16xi32>
        tpu.vector_store_idx %arg8[%add3A_347, %add3A_249], %gather3A_344 : memref<64x128xf32, #tpu.memory_space<vmem>>[vector<16xi32>, vector<16xi32>], vector<16xf32>,
        %add3A_348 = arith.constant 224 : i32
        %add3A_349 = vector.broadcast %add3A_348 : i32 to vector<16xi32>
        %add3A_350 = arith.addi %add3A_349, %iota3A_102 : vector<16xi32>
        %gather3A_351 = tpu.vector_load_idx %arg6[%broadcast_in_dim3A_244, %add3A_350] : memref<32x256xf32, #tpu.memory_space<vmem>>[vector<16xi32>, vector<16xi32>], vector<16xf32>,
        %add3A_352 = arith.constant 56 : i32
        %add3A_353 = vector.broadcast %add3A_352 : i32 to vector<16xi32>
        %add3A_354 = arith.addi %add3A_353, %shift_right_arithmetic3A_105 : vector<16xi32>
        tpu.vector_store_idx %arg8[%add3A_354, %add3A_249], %gather3A_351 : memref<64x128xf32, #tpu.memory_space<vmem>>[vector<16xi32>, vector<16xi32>], vector<16xf32>,
        %add3A_355 = arith.constant 240 : i32
        %add3A_356 = vector.broadcast %add3A_355 : i32 to vector<16xi32>
        %add3A_357 = arith.addi %add3A_356, %iota3A_102 : vector<16xi32>
        %gather3A_358 = tpu.vector_load_idx %arg6[%broadcast_in_dim3A_244, %add3A_357] : memref<32x256xf32, #tpu.memory_space<vmem>>[vector<16xi32>, vector<16xi32>], vector<16xf32>,
        %add3A_359 = arith.constant 60 : i32
        %add3A_360 = vector.broadcast %add3A_359 : i32 to vector<16xi32>
        %add3A_361 = arith.addi %add3A_360, %shift_right_arithmetic3A_105 : vector<16xi32>
        tpu.vector_store_idx %arg8[%add3A_361, %add3A_249], %gather3A_358 : memref<64x128xf32, #tpu.memory_space<vmem>>[vector<16xi32>, vector<16xi32>], vector<16xf32>,
      }
      %scan3A_116 = arith.constant 16 : i32
      %mul3A_117 = arith.constant 64 : i32
      %mul3A_118 = arith.muli %mul3A_117, %add3A_99 : i32
      "tpu.region"() ({
        %run_scoped3A = tpu.sem_alloc : memref<!tpu.dma_semaphore, #tpu.memory_space<semaphore_mem>>
        %dma_start3A_119 = arith.constant 0 : i32
        %dma_start3A_120 = tpu.memref_slice %arg5[%mul3A_118, %dma_start3A_119] : memref<250000x128xf32, #tpu.memory_space<hbm>> -> memref<64x128xf32, #tpu.memory_space<hbm>>
        %dma_start3A_121 = arith.constant 0 : i32
        %dma_start3A_122 = tpu.memref_slice %arg5[%mul3A_118, %dma_start3A_121] : memref<250000x128xf32, #tpu.memory_space<hbm>> -> memref<64x128xf32, #tpu.memory_space<hbm>>
        tpu.enqueue_dma source(%arg8 : memref<64x128xf32, #tpu.memory_space<vmem>>) target(%dma_start3A_122 : memref<64x128xf32, #tpu.memory_space<hbm>>) target_semaphore(%run_scoped3A : memref<!tpu.dma_semaphore, #tpu.memory_space<semaphore_mem>>)
        %dma_wait3A_123 = arith.constant 0 : i32
        %dma_wait3A_124 = tpu.memref_slice %arg5[%mul3A_118, %dma_wait3A_123] : memref<250000x128xf32, #tpu.memory_space<hbm>> -> memref<64x128xf32, #tpu.memory_space<hbm>>
        %dma_wait3A_125 = arith.constant 0 : i32
        %dma_wait3A_126 = tpu.memref_slice %arg5[%mul3A_118, %dma_wait3A_125] : memref<250000x128xf32, #tpu.memory_space<hbm>> -> memref<64x128xf32, #tpu.memory_space<hbm>>
        tpu.wait_dma2 semaphore(%run_scoped3A : memref<!tpu.dma_semaphore, #tpu.memory_space<semaphore_mem>>) src(%arg8 : memref<64x128xf32, #tpu.memory_space<vmem>>) dst(%dma_wait3A_126 : memref<64x128xf32, #tpu.memory_space<hbm>>)
        tpu.yield
      }) : () -> ()
    } else {
    }
    %eq3A = arith.constant 4 : i32
    %eq3A_37 = arith.cmpi eq, %add3A, %eq3A : i32
    %convert_element_type3A_38 = arith.extui %eq3A_37 : i1 to i32
    %cond3A_39 = arith.constant 0 : i32
    %cond3A_40 = arith.cmpi ne, %convert_element_type3A_38, %cond3A_39 : i32
    scf.if %cond3A_40 {
      "tpu.region"() ({
        %run_scoped3A = tpu.sem_alloc : memref<!tpu.dma_semaphore, #tpu.memory_space<semaphore_mem>>
        %dma_start3A_113 = arith.constant 0 : i32
        %dma_start3A_114 = arith.constant 999936 : i32
        %dma_start3A_115 = tpu.memref_slice %arg2[%dma_start3A_113, %dma_start3A_114] : memref<32x1000000xf32, #tpu.memory_space<hbm>> -> memref<32x64xf32, #tpu.memory_space<hbm>>
        %dma_start3A_116 = arith.constant 0 : i32
        %dma_start3A_117 = arith.constant 999936 : i32
        %dma_start3A_118 = tpu.memref_slice %arg2[%dma_start3A_116, %dma_start3A_117] : memref<32x1000000xf32, #tpu.memory_space<hbm>> -> memref<32x64xf32, #tpu.memory_space<hbm>>
        tpu.enqueue_dma source(%dma_start3A_118 : memref<32x64xf32, #tpu.memory_space<hbm>>) target(%arg17 : memref<32x64xf32, #tpu.memory_space<vmem>>) target_semaphore(%run_scoped3A : memref<!tpu.dma_semaphore, #tpu.memory_space<semaphore_mem>>)
        %dma_wait3A_119 = arith.constant 0 : i32
        %dma_wait3A_120 = arith.constant 999936 : i32
        %dma_wait3A_121 = tpu.memref_slice %arg2[%dma_wait3A_119, %dma_wait3A_120] : memref<32x1000000xf32, #tpu.memory_space<hbm>> -> memref<32x64xf32, #tpu.memory_space<hbm>>
        %dma_wait3A_122 = arith.constant 0 : i32
        %dma_wait3A_123 = arith.constant 999936 : i32
        %dma_wait3A_124 = tpu.memref_slice %arg2[%dma_wait3A_122, %dma_wait3A_123] : memref<32x1000000xf32, #tpu.memory_space<hbm>> -> memref<32x64xf32, #tpu.memory_space<hbm>>
        tpu.wait_dma2 semaphore(%run_scoped3A : memref<!tpu.dma_semaphore, #tpu.memory_space<semaphore_mem>>) src(%dma_wait3A_124 : memref<32x64xf32, #tpu.memory_space<hbm>>) dst(%arg17 : memref<32x64xf32, #tpu.memory_space<vmem>>)
        tpu.yield
      }) : () -> ()
      %iota3A_98 = tpu.iota {dimensions = array<i32: 0>} : vector<16xi32>
      %shift_right_arithmetic3A_99 = arith.constant 2 : i32
      %shift_right_arithmetic3A_100 = vector.broadcast %shift_right_arithmetic3A_99 : i32 to vector<16xi32>
      %shift_right_arithmetic3A_101 = arith.shrsi %iota3A_98, %shift_right_arithmetic3A_100 : vector<16xi32>
      %and3A_102 = arith.constant 3 : i32
      %and3A_103 = vector.broadcast %and3A_102 : i32 to vector<16xi32>
      %and3A_104 = arith.andi %iota3A_98, %and3A_103 : vector<16xi32>
      %mul3A_105 = arith.constant 32 : i32
      %mul3A_106 = vector.broadcast %mul3A_105 : i32 to vector<16xi32>
      %mul3A_107 = arith.muli %and3A_104, %mul3A_106 : vector<16xi32>
      %scan3A_108 = arith.constant 0 : i32
      %scan3A_109 = arith.constant 16 : i32
      %scan3A_110 = arith.addi %scan3A_108, %scan3A_109 : i32
      %scan3A_111 = arith.constant 1 : i32
      scf.for %scan3A_113 = %scan3A_108 to %scan3A_110 step %scan3A_111  : i32 {
        %mul3A_114 = arith.constant 2 : i32
        %mul3A_115 = arith.muli %mul3A_114, %scan3A_113 : i32
        %add3A_116 = arith.constant 0 : i32
        %add3A_117 = arith.addi %mul3A_115, %add3A_116 : i32
        %broadcast_in_dim3A = vector.broadcast %add3A_117 : i32 to vector<16xi32>
        %add3A_118 = arith.addi %broadcast_in_dim3A, %iota3A_98 : vector<16xi32>
        %and3A_119 = arith.constant 31 : i32
        %and3A_120 = vector.broadcast %and3A_119 : i32 to vector<16xi32>
        %and3A_121 = arith.andi %add3A_118, %and3A_120 : vector<16xi32>
        %add3A_122 = arith.addi %mul3A_107, %and3A_121 : vector<16xi32>
        %add3A_123 = arith.constant 0 : i32
        %add3A_124 = vector.broadcast %add3A_123 : i32 to vector<16xi32>
        %add3A_125 = arith.addi %add3A_124, %iota3A_98 : vector<16xi32>
        %gather3A = tpu.vector_load_idx %arg17[%broadcast_in_dim3A, %add3A_125] : memref<32x64xf32, #tpu.memory_space<vmem>>[vector<16xi32>, vector<16xi32>], vector<16xf32>,
        %add3A_126 = arith.constant 0 : i32
        %add3A_127 = vector.broadcast %add3A_126 : i32 to vector<16xi32>
        %add3A_128 = arith.addi %add3A_127, %shift_right_arithmetic3A_101 : vector<16xi32>
        tpu.vector_store_idx %arg8[%add3A_128, %add3A_122], %gather3A : memref<64x128xf32, #tpu.memory_space<vmem>>[vector<16xi32>, vector<16xi32>], vector<16xf32>,
        %add3A_129 = arith.constant 16 : i32
        %add3A_130 = vector.broadcast %add3A_129 : i32 to vector<16xi32>
        %add3A_131 = arith.addi %add3A_130, %iota3A_98 : vector<16xi32>
        %gather3A_132 = tpu.vector_load_idx %arg17[%broadcast_in_dim3A, %add3A_131] : memref<32x64xf32, #tpu.memory_space<vmem>>[vector<16xi32>, vector<16xi32>], vector<16xf32>,
        %add3A_133 = arith.constant 4 : i32
        %add3A_134 = vector.broadcast %add3A_133 : i32 to vector<16xi32>
        %add3A_135 = arith.addi %add3A_134, %shift_right_arithmetic3A_101 : vector<16xi32>
        tpu.vector_store_idx %arg8[%add3A_135, %add3A_122], %gather3A_132 : memref<64x128xf32, #tpu.memory_space<vmem>>[vector<16xi32>, vector<16xi32>], vector<16xf32>,
        %add3A_136 = arith.constant 32 : i32
        %add3A_137 = vector.broadcast %add3A_136 : i32 to vector<16xi32>
        %add3A_138 = arith.addi %add3A_137, %iota3A_98 : vector<16xi32>
        %gather3A_139 = tpu.vector_load_idx %arg17[%broadcast_in_dim3A, %add3A_138] : memref<32x64xf32, #tpu.memory_space<vmem>>[vector<16xi32>, vector<16xi32>], vector<16xf32>,
        %add3A_140 = arith.constant 8 : i32
        %add3A_141 = vector.broadcast %add3A_140 : i32 to vector<16xi32>
        %add3A_142 = arith.addi %add3A_141, %shift_right_arithmetic3A_101 : vector<16xi32>
        tpu.vector_store_idx %arg8[%add3A_142, %add3A_122], %gather3A_139 : memref<64x128xf32, #tpu.memory_space<vmem>>[vector<16xi32>, vector<16xi32>], vector<16xf32>,
        %add3A_143 = arith.constant 48 : i32
        %add3A_144 = vector.broadcast %add3A_143 : i32 to vector<16xi32>
        %add3A_145 = arith.addi %add3A_144, %iota3A_98 : vector<16xi32>
        %gather3A_146 = tpu.vector_load_idx %arg17[%broadcast_in_dim3A, %add3A_145] : memref<32x64xf32, #tpu.memory_space<vmem>>[vector<16xi32>, vector<16xi32>], vector<16xf32>,
        %add3A_147 = arith.constant 12 : i32
        %add3A_148 = vector.broadcast %add3A_147 : i32 to vector<16xi32>
        %add3A_149 = arith.addi %add3A_148, %shift_right_arithmetic3A_101 : vector<16xi32>
        tpu.vector_store_idx %arg8[%add3A_149, %add3A_122], %gather3A_146 : memref<64x128xf32, #tpu.memory_space<vmem>>[vector<16xi32>, vector<16xi32>], vector<16xf32>,
        %mul3A_150 = arith.constant 2 : i32
        %mul3A_151 = arith.muli %mul3A_150, %scan3A_113 : i32
        %add3A_152 = arith.constant 1 : i32
        %add3A_153 = arith.addi %mul3A_151, %add3A_152 : i32
        %broadcast_in_dim3A_154 = vector.broadcast %add3A_153 : i32 to vector<16xi32>
        %add3A_155 = arith.addi %broadcast_in_dim3A_154, %iota3A_98 : vector<16xi32>
        %and3A_156 = arith.constant 31 : i32
        %and3A_157 = vector.broadcast %and3A_156 : i32 to vector<16xi32>
        %and3A_158 = arith.andi %add3A_155, %and3A_157 : vector<16xi32>
        %add3A_159 = arith.addi %mul3A_107, %and3A_158 : vector<16xi32>
        %add3A_160 = arith.constant 0 : i32
        %add3A_161 = vector.broadcast %add3A_160 : i32 to vector<16xi32>
        %add3A_162 = arith.addi %add3A_161, %iota3A_98 : vector<16xi32>
        %gather3A_163 = tpu.vector_load_idx %arg17[%broadcast_in_dim3A_154, %add3A_162] : memref<32x64xf32, #tpu.memory_space<vmem>>[vector<16xi32>, vector<16xi32>], vector<16xf32>,
        %add3A_164 = arith.constant 0 : i32
        %add3A_165 = vector.broadcast %add3A_164 : i32 to vector<16xi32>
        %add3A_166 = arith.addi %add3A_165, %shift_right_arithmetic3A_101 : vector<16xi32>
        tpu.vector_store_idx %arg8[%add3A_166, %add3A_159], %gather3A_163 : memref<64x128xf32, #tpu.memory_space<vmem>>[vector<16xi32>, vector<16xi32>], vector<16xf32>,
        %add3A_167 = arith.constant 16 : i32
        %add3A_168 = vector.broadcast %add3A_167 : i32 to vector<16xi32>
        %add3A_169 = arith.addi %add3A_168, %iota3A_98 : vector<16xi32>
        %gather3A_170 = tpu.vector_load_idx %arg17[%broadcast_in_dim3A_154, %add3A_169] : memref<32x64xf32, #tpu.memory_space<vmem>>[vector<16xi32>, vector<16xi32>], vector<16xf32>,
        %add3A_171 = arith.constant 4 : i32
        %add3A_172 = vector.broadcast %add3A_171 : i32 to vector<16xi32>
        %add3A_173 = arith.addi %add3A_172, %shift_right_arithmetic3A_101 : vector<16xi32>
        tpu.vector_store_idx %arg8[%add3A_173, %add3A_159], %gather3A_170 : memref<64x128xf32, #tpu.memory_space<vmem>>[vector<16xi32>, vector<16xi32>], vector<16xf32>,
        %add3A_174 = arith.constant 32 : i32
        %add3A_175 = vector.broadcast %add3A_174 : i32 to vector<16xi32>
        %add3A_176 = arith.addi %add3A_175, %iota3A_98 : vector<16xi32>
        %gather3A_177 = tpu.vector_load_idx %arg17[%broadcast_in_dim3A_154, %add3A_176] : memref<32x64xf32, #tpu.memory_space<vmem>>[vector<16xi32>, vector<16xi32>], vector<16xf32>,
        %add3A_178 = arith.constant 8 : i32
        %add3A_179 = vector.broadcast %add3A_178 : i32 to vector<16xi32>
        %add3A_180 = arith.addi %add3A_179, %shift_right_arithmetic3A_101 : vector<16xi32>
        tpu.vector_store_idx %arg8[%add3A_180, %add3A_159], %gather3A_177 : memref<64x128xf32, #tpu.memory_space<vmem>>[vector<16xi32>, vector<16xi32>], vector<16xf32>,
        %add3A_181 = arith.constant 48 : i32
        %add3A_182 = vector.broadcast %add3A_181 : i32 to vector<16xi32>
        %add3A_183 = arith.addi %add3A_182, %iota3A_98 : vector<16xi32>
        %gather3A_184 = tpu.vector_load_idx %arg17[%broadcast_in_dim3A_154, %add3A_183] : memref<32x64xf32, #tpu.memory_space<vmem>>[vector<16xi32>, vector<16xi32>], vector<16xf32>,
        %add3A_185 = arith.constant 12 : i32
        %add3A_186 = vector.broadcast %add3A_185 : i32 to vector<16xi32>
        %add3A_187 = arith.addi %add3A_186, %shift_right_arithmetic3A_101 : vector<16xi32>
        tpu.vector_store_idx %arg8[%add3A_187, %add3A_159], %gather3A_184 : memref<64x128xf32, #tpu.memory_space<vmem>>[vector<16xi32>, vector<16xi32>], vector<16xf32>,
      }
      %scan3A_112 = arith.constant 16 : i32
      "tpu.region"() ({
        %run_scoped3A = tpu.sem_alloc : memref<!tpu.dma_semaphore, #tpu.memory_space<semaphore_mem>>
        %dma_start3A_113 = arith.constant 0 : i32
        %dma_start3A_114 = arith.constant 0 : i32
        %dma_start3A_115 = tpu.memref_slice %arg8[%dma_start3A_113, %dma_start3A_114] : memref<64x128xf32, #tpu.memory_space<vmem>> -> memref<16x128xf32, #tpu.memory_space<vmem>>
        %dma_start3A_116 = arith.constant 249984 : i32
        %dma_start3A_117 = arith.constant 0 : i32
        %dma_start3A_118 = tpu.memref_slice %arg5[%dma_start3A_116, %dma_start3A_117] : memref<250000x128xf32, #tpu.memory_space<hbm>> -> memref<16x128xf32, #tpu.memory_space<hbm>>
        %dma_start3A_119 = arith.constant 249984 : i32
        %dma_start3A_120 = arith.constant 0 : i32
        %dma_start3A_121 = tpu.memref_slice %arg5[%dma_start3A_119, %dma_start3A_120] : memref<250000x128xf32, #tpu.memory_space<hbm>> -> memref<16x128xf32, #tpu.memory_space<hbm>>
        %dma_start3A_122 = arith.constant 0 : i32
        %dma_start3A_123 = arith.constant 0 : i32
        %dma_start3A_124 = tpu.memref_slice %arg8[%dma_start3A_122, %dma_start3A_123] : memref<64x128xf32, #tpu.memory_space<vmem>> -> memref<16x128xf32, #tpu.memory_space<vmem>>
        tpu.enqueue_dma source(%dma_start3A_124 : memref<16x128xf32, #tpu.memory_space<vmem>>) target(%dma_start3A_121 : memref<16x128xf32, #tpu.memory_space<hbm>>) target_semaphore(%run_scoped3A : memref<!tpu.dma_semaphore, #tpu.memory_space<semaphore_mem>>)
        %dma_wait3A_125 = arith.constant 0 : i32
        %dma_wait3A_126 = arith.constant 0 : i32
        %dma_wait3A_127 = tpu.memref_slice %arg8[%dma_wait3A_125, %dma_wait3A_126] : memref<64x128xf32, #tpu.memory_space<vmem>> -> memref<16x128xf32, #tpu.memory_space<vmem>>
        %dma_wait3A_128 = arith.constant 249984 : i32
        %dma_wait3A_129 = arith.constant 0 : i32
        %dma_wait3A_130 = tpu.memref_slice %arg5[%dma_wait3A_128, %dma_wait3A_129] : memref<250000x128xf32, #tpu.memory_space<hbm>> -> memref<16x128xf32, #tpu.memory_space<hbm>>
        %dma_wait3A_131 = arith.constant 249984 : i32
        %dma_wait3A_132 = arith.constant 0 : i32
        %dma_wait3A_133 = tpu.memref_slice %arg5[%dma_wait3A_131, %dma_wait3A_132] : memref<250000x128xf32, #tpu.memory_space<hbm>> -> memref<16x128xf32, #tpu.memory_space<hbm>>
        %dma_wait3A_134 = arith.constant 0 : i32
        %dma_wait3A_135 = arith.constant 0 : i32
        %dma_wait3A_136 = tpu.memref_slice %arg8[%dma_wait3A_134, %dma_wait3A_135] : memref<64x128xf32, #tpu.memory_space<vmem>> -> memref<16x128xf32, #tpu.memory_space<vmem>>
        tpu.wait_dma2 semaphore(%run_scoped3A : memref<!tpu.dma_semaphore, #tpu.memory_space<semaphore_mem>>) src(%dma_wait3A_136 : memref<16x128xf32, #tpu.memory_space<vmem>>) dst(%dma_wait3A_133 : memref<16x128xf32, #tpu.memory_space<hbm>>)
        tpu.yield
      }) : () -> ()
    } else {
    }
    %barrier3A = arith.constant 0 : index
    tpu.barrier barrier_id(%barrier3A)
    %ne3A = arith.constant 0 : i32
    "tpu.trace_start"() <{level = 10 : i32, message = "sync_cores"}> : () -> ()
    %ne3A_41 = arith.cmpi ne, %arg0, %ne3A : i32
    %convert_element_type3A_42 = arith.extui %ne3A_41 : i1 to i32
    %cond3A_43 = arith.constant 0 : i32
    %cond3A_44 = arith.cmpi ne, %convert_element_type3A_42, %cond3A_43 : i32
    scf.if %cond3A_44 {
      %semaphore_signal3A = arith.constant 1 : i32
      %semaphore_signal3A_98 = arith.constant 0 : i32
      tpu.sem_signal %arg26, %semaphore_signal3A core_id %semaphore_signal3A_98 : memref<!tpu.semaphore, #tpu.memory_space<semaphore_mem>>
    } else {
    }
    %ne3A_45 = arith.constant 1 : i32
    %ne3A_46 = arith.cmpi ne, %arg0, %ne3A_45 : i32
    %convert_element_type3A_47 = arith.extui %ne3A_46 : i1 to i32
    %cond3A_48 = arith.constant 0 : i32
    %cond3A_49 = arith.cmpi ne, %convert_element_type3A_47, %cond3A_48 : i32
    scf.if %cond3A_49 {
      %semaphore_signal3A = arith.constant 1 : i32
      %semaphore_signal3A_98 = arith.constant 1 : i32
      tpu.sem_signal %arg26, %semaphore_signal3A core_id %semaphore_signal3A_98 : memref<!tpu.semaphore, #tpu.memory_space<semaphore_mem>>
    } else {
    }
    %semaphore_wait3A = arith.constant 1 : i32
    %semaphore_wait3A_50 = arith.constant true
    tpu.sem_wait %arg26, %semaphore_wait3A : memref<!tpu.semaphore, #tpu.memory_space<semaphore_mem>>
    "tpu.trace_stop"() : () -> ()
    %barrier3A_51 = arith.constant 0 : index
    tpu.barrier barrier_id(%barrier3A_51)
    %mul3A_52 = arith.constant 13312 : i32
    %mul3A_53 = arith.muli %add3A, %mul3A_52 : i32
    "tpu.region"() ({
      %run_scoped3A = tpu.sem_alloc : memref<!tpu.dma_semaphore, #tpu.memory_space<semaphore_mem>>
      %dma_start3A_98 = tpu.memref_slice %arg3[%mul3A_53] : memref<425984xi32, #tpu.memory_space<hbm>> -> memref<13312xi32, #tpu.memory_space<hbm>>
      %dma_start3A_99 = tpu.memref_slice %arg3[%mul3A_53] : memref<425984xi32, #tpu.memory_space<hbm>> -> memref<13312xi32, #tpu.memory_space<hbm>>
      tpu.enqueue_dma source(%dma_start3A_99 : memref<13312xi32, #tpu.memory_space<hbm>>) target(%arg10 : memref<13312xi32, #tpu.memory_space<vmem>>) target_semaphore(%run_scoped3A : memref<!tpu.dma_semaphore, #tpu.memory_space<semaphore_mem>>)
      %dma_wait3A_100 = tpu.memref_slice %arg3[%mul3A_53] : memref<425984xi32, #tpu.memory_space<hbm>> -> memref<13312xi32, #tpu.memory_space<hbm>>
      %dma_wait3A_101 = tpu.memref_slice %arg3[%mul3A_53] : memref<425984xi32, #tpu.memory_space<hbm>> -> memref<13312xi32, #tpu.memory_space<hbm>>
      tpu.wait_dma2 semaphore(%run_scoped3A : memref<!tpu.dma_semaphore, #tpu.memory_space<semaphore_mem>>) src(%dma_wait3A_101 : memref<13312xi32, #tpu.memory_space<hbm>>) dst(%arg10 : memref<13312xi32, #tpu.memory_space<vmem>>)
      tpu.yield
    }) : () -> ()
    %scan3A_54 = arith.constant 0 : i32
    %scan3A_55 = arith.constant 832 : i32
    %scan3A_56 = arith.addi %scan3A_54, %scan3A_55 : i32
    %scan3A_57 = arith.constant 1 : i32
    scf.for %scan3A_98 = %scan3A_54 to %scan3A_56 step %scan3A_57  : i32 {
      %mul3A_99 = arith.constant 16 : i32
      %mul3A_100 = arith.muli %mul3A_99, %scan3A_98 : i32
      %get3A = arith.index_cast %mul3A_100 : i32 to index
      %get3A_101 = tpu.vector_load %arg10[%get3A] {strides = array<i32>} : memref<13312xi32, #tpu.memory_space<vmem>>, vector<16xi32>,
      %and3A_102 = arith.constant 3 : i32
      %and3A_103 = vector.broadcast %and3A_102 : i32 to vector<16xi32>
      %and3A_104 = arith.andi %get3A_101, %and3A_103 : vector<16xi32>
      %mul3A_105 = arith.constant 32 : i32
      %mul3A_106 = vector.broadcast %mul3A_105 : i32 to vector<16xi32>
      %mul3A_107 = arith.muli %and3A_104, %mul3A_106 : vector<16xi32>
      %mul3A_108 = arith.constant 16 : i32
      %mul3A_109 = arith.muli %mul3A_108, %scan3A_98 : i32
      %swap3A = arith.index_cast %mul3A_109 : i32 to index
      %swap3A_110 = tpu.vector_load %arg11[%swap3A] {strides = array<i32>} : memref<13312xi32, #tpu.memory_space<vmem>>, vector<16xi32>,
      tpu.vector_store %arg11[%swap3A], %mul3A_107 {strides = array<i32>} : memref<13312xi32, #tpu.memory_space<vmem>>, vector<16xi32>,
      %and3A_111 = arith.constant 15 : i32
      %and3A_112 = vector.broadcast %and3A_111 : i32 to vector<16xi32>
      %and3A_113 = arith.andi %get3A_101, %and3A_112 : vector<16xi32>
      %mul3A_114 = arith.constant 16 : i32
      %mul3A_115 = arith.muli %mul3A_114, %scan3A_98 : i32
      %swap3A_116 = arith.index_cast %mul3A_115 : i32 to index
      %swap3A_117 = tpu.vector_load %arg12[%swap3A_116] {strides = array<i32>} : memref<13312xi32, #tpu.memory_space<vmem>>, vector<16xi32>,
      tpu.vector_store %arg12[%swap3A_116], %and3A_113 {strides = array<i32>} : memref<13312xi32, #tpu.memory_space<vmem>>, vector<16xi32>,
      %shift_right_arithmetic3A_118 = arith.constant 2 : i32
      %shift_right_arithmetic3A_119 = vector.broadcast %shift_right_arithmetic3A_118 : i32 to vector<16xi32>
      %shift_right_arithmetic3A_120 = arith.shrsi %get3A_101, %shift_right_arithmetic3A_119 : vector<16xi32>
      %mul3A_121 = arith.constant 16 : i32
      %mul3A_122 = arith.muli %mul3A_121, %scan3A_98 : i32
      %swap3A_123 = arith.index_cast %mul3A_122 : i32 to index
      %swap3A_124 = tpu.vector_load %arg10[%swap3A_123] {strides = array<i32>} : memref<13312xi32, #tpu.memory_space<vmem>>, vector<16xi32>,
      tpu.vector_store %arg10[%swap3A_123], %shift_right_arithmetic3A_120 {strides = array<i32>} : memref<13312xi32, #tpu.memory_space<vmem>>, vector<16xi32>,
    }
    %scan3A_58 = arith.constant 832 : i32
    %dma_start3A_59 = arith.constant 0 : i32
    %dma_start3A_60 = tpu.memref_slice %arg10[%dma_start3A_59] : memref<13312xi32, #tpu.memory_space<vmem>> -> memref<128xi32, #tpu.memory_space<vmem>>
    %dma_start3A_61 = arith.constant 0 : i32
    %dma_start3A_62 = arith.constant 0 : i32
    %dma_start3A_63 = tpu.memref_slice %arg5[%dma_start3A_61, %dma_start3A_62] : memref<250000x128xf32, #tpu.memory_space<hbm>> -> memref<250000x128xf32, #tpu.memory_space<hbm>>
    tpu.enqueue_indirect_dma source(%dma_start3A_63 : memref<250000x128xf32, #tpu.memory_space<hbm>>) target(%arg13 : memref<128x128xf32, #tpu.memory_space<vmem>>) offsets(%dma_start3A_60 : memref<128xi32, #tpu.memory_space<vmem>>) semaphore(%arg22 : memref<!tpu.dma_semaphore, #tpu.memory_space<semaphore_mem>>)
    %dma_start3A_64 = arith.constant 128 : i32
    %dma_start3A_65 = tpu.memref_slice %arg10[%dma_start3A_64] : memref<13312xi32, #tpu.memory_space<vmem>> -> memref<128xi32, #tpu.memory_space<vmem>>
    %dma_start3A_66 = arith.constant 0 : i32
    %dma_start3A_67 = arith.constant 0 : i32
    %dma_start3A_68 = tpu.memref_slice %arg5[%dma_start3A_66, %dma_start3A_67] : memref<250000x128xf32, #tpu.memory_space<hbm>> -> memref<250000x128xf32, #tpu.memory_space<hbm>>
    tpu.enqueue_indirect_dma source(%dma_start3A_68 : memref<250000x128xf32, #tpu.memory_space<hbm>>) target(%arg14 : memref<128x128xf32, #tpu.memory_space<vmem>>) offsets(%dma_start3A_65 : memref<128xi32, #tpu.memory_space<vmem>>) semaphore(%arg23 : memref<!tpu.dma_semaphore, #tpu.memory_space<semaphore_mem>>)
    %iota3A = tpu.iota {dimensions = array<i32: 0>} : vector<16xi32>
    %shift_right_arithmetic3A = arith.constant 2 : i32
    %shift_right_arithmetic3A_69 = vector.broadcast %shift_right_arithmetic3A : i32 to vector<16xi32>
    %shift_right_arithmetic3A_70 = arith.shrsi %iota3A, %shift_right_arithmetic3A_69 : vector<16xi32>
    %and3A = arith.constant 3 : i32
    %and3A_71 = vector.broadcast %and3A : i32 to vector<16xi32>
    %and3A_72 = arith.andi %iota3A, %and3A_71 : vector<16xi32>
    %scan3A_73 = arith.constant 0 : i32
    %scan3A_74 = arith.constant 52 : i32
    %scan3A_75 = arith.addi %scan3A_73, %scan3A_74 : i32
    %scan3A_76 = arith.constant 1 : i32
    scf.for %scan3A_98 = %scan3A_73 to %scan3A_75 step %scan3A_76  : i32 {
      %mul3A_99 = arith.constant 2 : i32
      %mul3A_100 = arith.muli %mul3A_99, %scan3A_98 : i32
      %add3A_101 = arith.constant 0 : i32
      %add3A_102 = arith.addi %mul3A_100, %add3A_101 : i32
      %mul3A_103 = arith.constant 128 : i32
      %mul3A_104 = arith.muli %mul3A_103, %add3A_102 : i32
      %dma_wait3A_105 = tpu.memref_slice %arg10[%mul3A_104] : memref<13312xi32, #tpu.memory_space<vmem>> -> memref<128xi32, #tpu.memory_space<vmem>>
      %dma_wait3A_106 = arith.constant 0 : i32
      %dma_wait3A_107 = arith.constant 0 : i32
      %dma_wait3A_108 = tpu.memref_slice %arg5[%dma_wait3A_106, %dma_wait3A_107] : memref<250000x128xf32, #tpu.memory_space<hbm>> -> memref<250000x128xf32, #tpu.memory_space<hbm>>
      tpu.wait_indirect_dma semaphore(%arg22 : memref<!tpu.dma_semaphore, #tpu.memory_space<semaphore_mem>>) src(%dma_wait3A_108 : memref<250000x128xf32, #tpu.memory_space<hbm>>) dst(%arg13 : memref<128x128xf32, #tpu.memory_space<vmem>>)
      %ge3A = arith.constant 2 : i32
      %ge3A_109 = arith.cmpi sge, %add3A_102, %ge3A : i32
      %convert_element_type3A_110 = arith.extui %ge3A_109 : i1 to i32
      %cond3A_111 = arith.constant 0 : i32
      %cond3A_112 = arith.cmpi ne, %convert_element_type3A_110, %cond3A_111 : i32
      scf.if %cond3A_112 {
        %sub3A = arith.constant 2 : i32
        %sub3A_174 = arith.subi %add3A_102, %sub3A : i32
        %mul3A_175 = arith.constant 104 : i32
        %mul3A_176 = arith.muli %add3A, %mul3A_175 : i32
        %add3A_177 = arith.addi %mul3A_176, %sub3A_174 : i32
        %mul3A_178 = arith.constant 128 : i32
        %mul3A_179 = arith.muli %mul3A_178, %add3A_177 : i32
        %dma_wait3A_180 = arith.constant 0 : i32
        %dma_wait3A_181 = tpu.memref_slice %arg4[%dma_wait3A_180, %mul3A_179] : memref<32x425984xf32, #tpu.memory_space<hbm>> -> memref<32x128xf32, #tpu.memory_space<hbm>>
        %dma_wait3A_182 = arith.constant 0 : i32
        %dma_wait3A_183 = tpu.memref_slice %arg4[%dma_wait3A_182, %mul3A_179] : memref<32x425984xf32, #tpu.memory_space<hbm>> -> memref<32x128xf32, #tpu.memory_space<hbm>>
        tpu.wait_dma2 semaphore(%arg24 : memref<!tpu.dma_semaphore, #tpu.memory_space<semaphore_mem>>) src(%arg15 : memref<32x128xf32, #tpu.memory_space<vmem>>) dst(%dma_wait3A_183 : memref<32x128xf32, #tpu.memory_space<hbm>>)
      } else {
      }
      %mul3A_113 = arith.constant 128 : i32
      %mul3A_114 = arith.muli %mul3A_113, %add3A_102 : i32
      %scan3A_115 = arith.constant 0 : i32
      %scan3A_116 = arith.constant 32 : i32
      %scan3A_117 = arith.addi %scan3A_115, %scan3A_116 : i32
      %scan3A_118 = arith.constant 1 : i32
      scf.for %scan3A_174 = %scan3A_115 to %scan3A_117 step %scan3A_118  : i32 {
        %mul3A_175 = arith.constant 4 : i32
        %mul3A_176 = arith.muli %mul3A_175, %scan3A_174 : i32
        %add3A_177 = arith.addi %mul3A_114, %mul3A_176 : i32
        %add3A_178 = vector.broadcast %add3A_177 : i32 to vector<16xi32>
        %add3A_179 = arith.addi %add3A_178, %shift_right_arithmetic3A_70 : vector<16xi32>
        %gather3A = tpu.vector_load_idx %arg11[%add3A_179] : memref<13312xi32, #tpu.memory_space<vmem>>[vector<16xi32>], vector<16xi32>,
        %add3A_180 = arith.addi %mul3A_114, %mul3A_176 : i32
        %add3A_181 = vector.broadcast %add3A_180 : i32 to vector<16xi32>
        %add3A_182 = arith.addi %add3A_181, %shift_right_arithmetic3A_70 : vector<16xi32>
        %gather3A_183 = tpu.vector_load_idx %arg12[%add3A_182] : memref<13312xi32, #tpu.memory_space<vmem>>[vector<16xi32>], vector<16xi32>,
        %add3A_184 = vector.broadcast %mul3A_176 : i32 to vector<16xi32>
        %add3A_185 = arith.addi %add3A_184, %shift_right_arithmetic3A_70 : vector<16xi32>
        %broadcast_in_dim3A = vector.broadcast %mul3A_176 : i32 to vector<16xi32>
        %add3A_186 = arith.addi %broadcast_in_dim3A, %shift_right_arithmetic3A_70 : vector<16xi32>
        %add3A_187 = arith.constant 0 : i32
        %add3A_188 = vector.broadcast %add3A_187 : i32 to vector<16xi32>
        %add3A_189 = arith.addi %add3A_188, %and3A_72 : vector<16xi32>
        %add3A_190 = arith.addi %add3A_189, %gather3A_183 : vector<16xi32>
        %and3A_191 = arith.constant 31 : i32
        %and3A_192 = vector.broadcast %and3A_191 : i32 to vector<16xi32>
        %and3A_193 = arith.andi %add3A_190, %and3A_192 : vector<16xi32>
        %add3A_194 = arith.addi %gather3A, %and3A_193 : vector<16xi32>
        %gather3A_195 = tpu.vector_load_idx %arg13[%add3A_185, %add3A_194] : memref<128x128xf32, #tpu.memory_space<vmem>>[vector<16xi32>, vector<16xi32>], vector<16xf32>,
        %add3A_196 = arith.constant 0 : i32
        %add3A_197 = vector.broadcast %add3A_196 : i32 to vector<16xi32>
        %add3A_198 = arith.addi %add3A_197, %and3A_72 : vector<16xi32>
        tpu.vector_store_idx %arg15[%add3A_198, %add3A_186], %gather3A_195 : memref<32x128xf32, #tpu.memory_space<vmem>>[vector<16xi32>, vector<16xi32>], vector<16xf32>,
        %add3A_199 = arith.constant 4 : i32
        %add3A_200 = vector.broadcast %add3A_199 : i32 to vector<16xi32>
        %add3A_201 = arith.addi %add3A_200, %and3A_72 : vector<16xi32>
        %add3A_202 = arith.addi %add3A_201, %gather3A_183 : vector<16xi32>
        %and3A_203 = arith.constant 31 : i32
        %and3A_204 = vector.broadcast %and3A_203 : i32 to vector<16xi32>
        %and3A_205 = arith.andi %add3A_202, %and3A_204 : vector<16xi32>
        %add3A_206 = arith.addi %gather3A, %and3A_205 : vector<16xi32>
        %gather3A_207 = tpu.vector_load_idx %arg13[%add3A_185, %add3A_206] : memref<128x128xf32, #tpu.memory_space<vmem>>[vector<16xi32>, vector<16xi32>], vector<16xf32>,
        %add3A_208 = arith.constant 4 : i32
        %add3A_209 = vector.broadcast %add3A_208 : i32 to vector<16xi32>
        %add3A_210 = arith.addi %add3A_209, %and3A_72 : vector<16xi32>
        tpu.vector_store_idx %arg15[%add3A_210, %add3A_186], %gather3A_207 : memref<32x128xf32, #tpu.memory_space<vmem>>[vector<16xi32>, vector<16xi32>], vector<16xf32>,
        %add3A_211 = arith.constant 8 : i32
        %add3A_212 = vector.broadcast %add3A_211 : i32 to vector<16xi32>
        %add3A_213 = arith.addi %add3A_212, %and3A_72 : vector<16xi32>
        %add3A_214 = arith.addi %add3A_213, %gather3A_183 : vector<16xi32>
        %and3A_215 = arith.constant 31 : i32
        %and3A_216 = vector.broadcast %and3A_215 : i32 to vector<16xi32>
        %and3A_217 = arith.andi %add3A_214, %and3A_216 : vector<16xi32>
        %add3A_218 = arith.addi %gather3A, %and3A_217 : vector<16xi32>
        %gather3A_219 = tpu.vector_load_idx %arg13[%add3A_185, %add3A_218] : memref<128x128xf32, #tpu.memory_space<vmem>>[vector<16xi32>, vector<16xi32>], vector<16xf32>,
        %add3A_220 = arith.constant 8 : i32
        %add3A_221 = vector.broadcast %add3A_220 : i32 to vector<16xi32>
        %add3A_222 = arith.addi %add3A_221, %and3A_72 : vector<16xi32>
        tpu.vector_store_idx %arg15[%add3A_222, %add3A_186], %gather3A_219 : memref<32x128xf32, #tpu.memory_space<vmem>>[vector<16xi32>, vector<16xi32>], vector<16xf32>,
        %add3A_223 = arith.constant 12 : i32
        %add3A_224 = vector.broadcast %add3A_223 : i32 to vector<16xi32>
        %add3A_225 = arith.addi %add3A_224, %and3A_72 : vector<16xi32>
        %add3A_226 = arith.addi %add3A_225, %gather3A_183 : vector<16xi32>
        %and3A_227 = arith.constant 31 : i32
        %and3A_228 = vector.broadcast %and3A_227 : i32 to vector<16xi32>
        %and3A_229 = arith.andi %add3A_226, %and3A_228 : vector<16xi32>
        %add3A_230 = arith.addi %gather3A, %and3A_229 : vector<16xi32>
        %gather3A_231 = tpu.vector_load_idx %arg13[%add3A_185, %add3A_230] : memref<128x128xf32, #tpu.memory_space<vmem>>[vector<16xi32>, vector<16xi32>], vector<16xf32>,
        %add3A_232 = arith.constant 12 : i32
        %add3A_233 = vector.broadcast %add3A_232 : i32 to vector<16xi32>
        %add3A_234 = arith.addi %add3A_233, %and3A_72 : vector<16xi32>
        tpu.vector_store_idx %arg15[%add3A_234, %add3A_186], %gather3A_231 : memref<32x128xf32, #tpu.memory_space<vmem>>[vector<16xi32>, vector<16xi32>], vector<16xf32>,
        %add3A_235 = arith.constant 16 : i32
        %add3A_236 = vector.broadcast %add3A_235 : i32 to vector<16xi32>
        %add3A_237 = arith.addi %add3A_236, %and3A_72 : vector<16xi32>
        %add3A_238 = arith.addi %add3A_237, %gather3A_183 : vector<16xi32>
        %and3A_239 = arith.constant 31 : i32
        %and3A_240 = vector.broadcast %and3A_239 : i32 to vector<16xi32>
        %and3A_241 = arith.andi %add3A_238, %and3A_240 : vector<16xi32>
        %add3A_242 = arith.addi %gather3A, %and3A_241 : vector<16xi32>
        %gather3A_243 = tpu.vector_load_idx %arg13[%add3A_185, %add3A_242] : memref<128x128xf32, #tpu.memory_space<vmem>>[vector<16xi32>, vector<16xi32>], vector<16xf32>,
        %add3A_244 = arith.constant 16 : i32
        %add3A_245 = vector.broadcast %add3A_244 : i32 to vector<16xi32>
        %add3A_246 = arith.addi %add3A_245, %and3A_72 : vector<16xi32>
        tpu.vector_store_idx %arg15[%add3A_246, %add3A_186], %gather3A_243 : memref<32x128xf32, #tpu.memory_space<vmem>>[vector<16xi32>, vector<16xi32>], vector<16xf32>,
        %add3A_247 = arith.constant 20 : i32
        %add3A_248 = vector.broadcast %add3A_247 : i32 to vector<16xi32>
        %add3A_249 = arith.addi %add3A_248, %and3A_72 : vector<16xi32>
        %add3A_250 = arith.addi %add3A_249, %gather3A_183 : vector<16xi32>
        %and3A_251 = arith.constant 31 : i32
        %and3A_252 = vector.broadcast %and3A_251 : i32 to vector<16xi32>
        %and3A_253 = arith.andi %add3A_250, %and3A_252 : vector<16xi32>
        %add3A_254 = arith.addi %gather3A, %and3A_253 : vector<16xi32>
        %gather3A_255 = tpu.vector_load_idx %arg13[%add3A_185, %add3A_254] : memref<128x128xf32, #tpu.memory_space<vmem>>[vector<16xi32>, vector<16xi32>], vector<16xf32>,
        %add3A_256 = arith.constant 20 : i32
        %add3A_257 = vector.broadcast %add3A_256 : i32 to vector<16xi32>
        %add3A_258 = arith.addi %add3A_257, %and3A_72 : vector<16xi32>
        tpu.vector_store_idx %arg15[%add3A_258, %add3A_186], %gather3A_255 : memref<32x128xf32, #tpu.memory_space<vmem>>[vector<16xi32>, vector<16xi32>], vector<16xf32>,
        %add3A_259 = arith.constant 24 : i32
        %add3A_260 = vector.broadcast %add3A_259 : i32 to vector<16xi32>
        %add3A_261 = arith.addi %add3A_260, %and3A_72 : vector<16xi32>
        %add3A_262 = arith.addi %add3A_261, %gather3A_183 : vector<16xi32>
        %and3A_263 = arith.constant 31 : i32
        %and3A_264 = vector.broadcast %and3A_263 : i32 to vector<16xi32>
        %and3A_265 = arith.andi %add3A_262, %and3A_264 : vector<16xi32>
        %add3A_266 = arith.addi %gather3A, %and3A_265 : vector<16xi32>
        %gather3A_267 = tpu.vector_load_idx %arg13[%add3A_185, %add3A_266] : memref<128x128xf32, #tpu.memory_space<vmem>>[vector<16xi32>, vector<16xi32>], vector<16xf32>,
        %add3A_268 = arith.constant 24 : i32
        %add3A_269 = vector.broadcast %add3A_268 : i32 to vector<16xi32>
        %add3A_270 = arith.addi %add3A_269, %and3A_72 : vector<16xi32>
        tpu.vector_store_idx %arg15[%add3A_270, %add3A_186], %gather3A_267 : memref<32x128xf32, #tpu.memory_space<vmem>>[vector<16xi32>, vector<16xi32>], vector<16xf32>,
        %add3A_271 = arith.constant 28 : i32
        %add3A_272 = vector.broadcast %add3A_271 : i32 to vector<16xi32>
        %add3A_273 = arith.addi %add3A_272, %and3A_72 : vector<16xi32>
        %add3A_274 = arith.addi %add3A_273, %gather3A_183 : vector<16xi32>
        %and3A_275 = arith.constant 31 : i32
        %and3A_276 = vector.broadcast %and3A_275 : i32 to vector<16xi32>
        %and3A_277 = arith.andi %add3A_274, %and3A_276 : vector<16xi32>
        %add3A_278 = arith.addi %gather3A, %and3A_277 : vector<16xi32>
        %gather3A_279 = tpu.vector_load_idx %arg13[%add3A_185, %add3A_278] : memref<128x128xf32, #tpu.memory_space<vmem>>[vector<16xi32>, vector<16xi32>], vector<16xf32>,
        %add3A_280 = arith.constant 28 : i32
        %add3A_281 = vector.broadcast %add3A_280 : i32 to vector<16xi32>
        %add3A_282 = arith.addi %add3A_281, %and3A_72 : vector<16xi32>
        tpu.vector_store_idx %arg15[%add3A_282, %add3A_186], %gather3A_279 : memref<32x128xf32, #tpu.memory_space<vmem>>[vector<16xi32>, vector<16xi32>], vector<16xf32>,
      }
      %scan3A_119 = arith.constant 32 : i32
      %mul3A_120 = arith.constant 104 : i32
      %mul3A_121 = arith.muli %add3A, %mul3A_120 : i32
      %add3A_122 = arith.addi %mul3A_121, %add3A_102 : i32
      %mul3A_123 = arith.constant 128 : i32
      %mul3A_124 = arith.muli %mul3A_123, %add3A_122 : i32
      %dma_start3A_125 = arith.constant 0 : i32
      %dma_start3A_126 = tpu.memref_slice %arg4[%dma_start3A_125, %mul3A_124] : memref<32x425984xf32, #tpu.memory_space<hbm>> -> memref<32x128xf32, #tpu.memory_space<hbm>>
      %dma_start3A_127 = arith.constant 0 : i32
      %dma_start3A_128 = tpu.memref_slice %arg4[%dma_start3A_127, %mul3A_124] : memref<32x425984xf32, #tpu.memory_space<hbm>> -> memref<32x128xf32, #tpu.memory_space<hbm>>
      tpu.enqueue_dma source(%arg15 : memref<32x128xf32, #tpu.memory_space<vmem>>) target(%dma_start3A_128 : memref<32x128xf32, #tpu.memory_space<hbm>>) target_semaphore(%arg24 : memref<!tpu.dma_semaphore, #tpu.memory_space<semaphore_mem>>)
      %add3A_129 = arith.constant 2 : i32
      %add3A_130 = arith.addi %add3A_102, %add3A_129 : i32
      %lt3A_131 = arith.constant 104 : i32
      %lt3A_132 = arith.cmpi slt, %add3A_130, %lt3A_131 : i32
      %convert_element_type3A_133 = arith.extui %lt3A_132 : i1 to i32
      %cond3A_134 = arith.constant 0 : i32
      %cond3A_135 = arith.cmpi ne, %convert_element_type3A_133, %cond3A_134 : i32
      scf.if %cond3A_135 {
        %add3A_174 = arith.constant 2 : i32
        %add3A_175 = arith.addi %add3A_102, %add3A_174 : i32
        %mul3A_176 = arith.constant 128 : i32
        %mul3A_177 = arith.muli %mul3A_176, %add3A_175 : i32
        %dma_start3A_178 = tpu.memref_slice %arg10[%mul3A_177] : memref<13312xi32, #tpu.memory_space<vmem>> -> memref<128xi32, #tpu.memory_space<vmem>>
        %dma_start3A_179 = arith.constant 0 : i32
        %dma_start3A_180 = arith.constant 0 : i32
        %dma_start3A_181 = tpu.memref_slice %arg5[%dma_start3A_179, %dma_start3A_180] : memref<250000x128xf32, #tpu.memory_space<hbm>> -> memref<250000x128xf32, #tpu.memory_space<hbm>>
        tpu.enqueue_indirect_dma source(%dma_start3A_181 : memref<250000x128xf32, #tpu.memory_space<hbm>>) target(%arg13 : memref<128x128xf32, #tpu.memory_space<vmem>>) offsets(%dma_start3A_178 : memref<128xi32, #tpu.memory_space<vmem>>) semaphore(%arg22 : memref<!tpu.dma_semaphore, #tpu.memory_space<semaphore_mem>>)
      } else {
      }
      %mul3A_136 = arith.constant 2 : i32
      %mul3A_137 = arith.muli %mul3A_136, %scan3A_98 : i32
      %add3A_138 = arith.constant 1 : i32
      %add3A_139 = arith.addi %mul3A_137, %add3A_138 : i32
      %mul3A_140 = arith.constant 128 : i32
      %mul3A_141 = arith.muli %mul3A_140, %add3A_139 : i32
      %dma_wait3A_142 = tpu.memref_slice %arg10[%mul3A_141] : memref<13312xi32, #tpu.memory_space<vmem>> -> memref<128xi32, #tpu.memory_space<vmem>>
      %dma_wait3A_143 = arith.constant 0 : i32
      %dma_wait3A_144 = arith.constant 0 : i32
      %dma_wait3A_145 = tpu.memref_slice %arg5[%dma_wait3A_143, %dma_wait3A_144] : memref<250000x128xf32, #tpu.memory_space<hbm>> -> memref<250000x128xf32, #tpu.memory_space<hbm>>
      tpu.wait_indirect_dma semaphore(%arg23 : memref<!tpu.dma_semaphore, #tpu.memory_space<semaphore_mem>>) src(%dma_wait3A_145 : memref<250000x128xf32, #tpu.memory_space<hbm>>) dst(%arg14 : memref<128x128xf32, #tpu.memory_space<vmem>>)
      %ge3A_146 = arith.constant 2 : i32
      %ge3A_147 = arith.cmpi sge, %add3A_139, %ge3A_146 : i32
      %convert_element_type3A_148 = arith.extui %ge3A_147 : i1 to i32
      %cond3A_149 = arith.constant 0 : i32
      %cond3A_150 = arith.cmpi ne, %convert_element_type3A_148, %cond3A_149 : i32
      scf.if %cond3A_150 {
        %sub3A = arith.constant 2 : i32
        %sub3A_174 = arith.subi %add3A_139, %sub3A : i32
        %mul3A_175 = arith.constant 104 : i32
        %mul3A_176 = arith.muli %add3A, %mul3A_175 : i32
        %add3A_177 = arith.addi %mul3A_176, %sub3A_174 : i32
        %mul3A_178 = arith.constant 128 : i32
        %mul3A_179 = arith.muli %mul3A_178, %add3A_177 : i32
        %dma_wait3A_180 = arith.constant 0 : i32
        %dma_wait3A_181 = tpu.memref_slice %arg4[%dma_wait3A_180, %mul3A_179] : memref<32x425984xf32, #tpu.memory_space<hbm>> -> memref<32x128xf32, #tpu.memory_space<hbm>>
        %dma_wait3A_182 = arith.constant 0 : i32
        %dma_wait3A_183 = tpu.memref_slice %arg4[%dma_wait3A_182, %mul3A_179] : memref<32x425984xf32, #tpu.memory_space<hbm>> -> memref<32x128xf32, #tpu.memory_space<hbm>>
        tpu.wait_dma2 semaphore(%arg25 : memref<!tpu.dma_semaphore, #tpu.memory_space<semaphore_mem>>) src(%arg16 : memref<32x128xf32, #tpu.memory_space<vmem>>) dst(%dma_wait3A_183 : memref<32x128xf32, #tpu.memory_space<hbm>>)
      } else {
      }
      %mul3A_151 = arith.constant 128 : i32
      %mul3A_152 = arith.muli %mul3A_151, %add3A_139 : i32
      %scan3A_153 = arith.constant 0 : i32
      %scan3A_154 = arith.constant 32 : i32
      %scan3A_155 = arith.addi %scan3A_153, %scan3A_154 : i32
      %scan3A_156 = arith.constant 1 : i32
      scf.for %scan3A_174 = %scan3A_153 to %scan3A_155 step %scan3A_156  : i32 {
        %mul3A_175 = arith.constant 4 : i32
        %mul3A_176 = arith.muli %mul3A_175, %scan3A_174 : i32
        %add3A_177 = arith.addi %mul3A_152, %mul3A_176 : i32
        %add3A_178 = vector.broadcast %add3A_177 : i32 to vector<16xi32>
        %add3A_179 = arith.addi %add3A_178, %shift_right_arithmetic3A_70 : vector<16xi32>
        %gather3A = tpu.vector_load_idx %arg11[%add3A_179] : memref<13312xi32, #tpu.memory_space<vmem>>[vector<16xi32>], vector<16xi32>,
        %add3A_180 = arith.addi %mul3A_152, %mul3A_176 : i32
        %add3A_181 = vector.broadcast %add3A_180 : i32 to vector<16xi32>
        %add3A_182 = arith.addi %add3A_181, %shift_right_arithmetic3A_70 : vector<16xi32>
        %gather3A_183 = tpu.vector_load_idx %arg12[%add3A_182] : memref<13312xi32, #tpu.memory_space<vmem>>[vector<16xi32>], vector<16xi32>,
        %add3A_184 = vector.broadcast %mul3A_176 : i32 to vector<16xi32>
        %add3A_185 = arith.addi %add3A_184, %shift_right_arithmetic3A_70 : vector<16xi32>
        %broadcast_in_dim3A = vector.broadcast %mul3A_176 : i32 to vector<16xi32>
        %add3A_186 = arith.addi %broadcast_in_dim3A, %shift_right_arithmetic3A_70 : vector<16xi32>
        %add3A_187 = arith.constant 0 : i32
        %add3A_188 = vector.broadcast %add3A_187 : i32 to vector<16xi32>
        %add3A_189 = arith.addi %add3A_188, %and3A_72 : vector<16xi32>
        %add3A_190 = arith.addi %add3A_189, %gather3A_183 : vector<16xi32>
        %and3A_191 = arith.constant 31 : i32
        %and3A_192 = vector.broadcast %and3A_191 : i32 to vector<16xi32>
        %and3A_193 = arith.andi %add3A_190, %and3A_192 : vector<16xi32>
        %add3A_194 = arith.addi %gather3A, %and3A_193 : vector<16xi32>
        %gather3A_195 = tpu.vector_load_idx %arg14[%add3A_185, %add3A_194] : memref<128x128xf32, #tpu.memory_space<vmem>>[vector<16xi32>, vector<16xi32>], vector<16xf32>,
        %add3A_196 = arith.constant 0 : i32
        %add3A_197 = vector.broadcast %add3A_196 : i32 to vector<16xi32>
        %add3A_198 = arith.addi %add3A_197, %and3A_72 : vector<16xi32>
        tpu.vector_store_idx %arg16[%add3A_198, %add3A_186], %gather3A_195 : memref<32x128xf32, #tpu.memory_space<vmem>>[vector<16xi32>, vector<16xi32>], vector<16xf32>,
        %add3A_199 = arith.constant 4 : i32
        %add3A_200 = vector.broadcast %add3A_199 : i32 to vector<16xi32>
        %add3A_201 = arith.addi %add3A_200, %and3A_72 : vector<16xi32>
        %add3A_202 = arith.addi %add3A_201, %gather3A_183 : vector<16xi32>
        %and3A_203 = arith.constant 31 : i32
        %and3A_204 = vector.broadcast %and3A_203 : i32 to vector<16xi32>
        %and3A_205 = arith.andi %add3A_202, %and3A_204 : vector<16xi32>
        %add3A_206 = arith.addi %gather3A, %and3A_205 : vector<16xi32>
        %gather3A_207 = tpu.vector_load_idx %arg14[%add3A_185, %add3A_206] : memref<128x128xf32, #tpu.memory_space<vmem>>[vector<16xi32>, vector<16xi32>], vector<16xf32>,
        %add3A_208 = arith.constant 4 : i32
        %add3A_209 = vector.broadcast %add3A_208 : i32 to vector<16xi32>
        %add3A_210 = arith.addi %add3A_209, %and3A_72 : vector<16xi32>
        tpu.vector_store_idx %arg16[%add3A_210, %add3A_186], %gather3A_207 : memref<32x128xf32, #tpu.memory_space<vmem>>[vector<16xi32>, vector<16xi32>], vector<16xf32>,
        %add3A_211 = arith.constant 8 : i32
        %add3A_212 = vector.broadcast %add3A_211 : i32 to vector<16xi32>
        %add3A_213 = arith.addi %add3A_212, %and3A_72 : vector<16xi32>
        %add3A_214 = arith.addi %add3A_213, %gather3A_183 : vector<16xi32>
        %and3A_215 = arith.constant 31 : i32
        %and3A_216 = vector.broadcast %and3A_215 : i32 to vector<16xi32>
        %and3A_217 = arith.andi %add3A_214, %and3A_216 : vector<16xi32>
        %add3A_218 = arith.addi %gather3A, %and3A_217 : vector<16xi32>
        %gather3A_219 = tpu.vector_load_idx %arg14[%add3A_185, %add3A_218] : memref<128x128xf32, #tpu.memory_space<vmem>>[vector<16xi32>, vector<16xi32>], vector<16xf32>,
        %add3A_220 = arith.constant 8 : i32
        %add3A_221 = vector.broadcast %add3A_220 : i32 to vector<16xi32>
        %add3A_222 = arith.addi %add3A_221, %and3A_72 : vector<16xi32>
        tpu.vector_store_idx %arg16[%add3A_222, %add3A_186], %gather3A_219 : memref<32x128xf32, #tpu.memory_space<vmem>>[vector<16xi32>, vector<16xi32>], vector<16xf32>,
        %add3A_223 = arith.constant 12 : i32
        %add3A_224 = vector.broadcast %add3A_223 : i32 to vector<16xi32>
        %add3A_225 = arith.addi %add3A_224, %and3A_72 : vector<16xi32>
        %add3A_226 = arith.addi %add3A_225, %gather3A_183 : vector<16xi32>
        %and3A_227 = arith.constant 31 : i32
        %and3A_228 = vector.broadcast %and3A_227 : i32 to vector<16xi32>
        %and3A_229 = arith.andi %add3A_226, %and3A_228 : vector<16xi32>
        %add3A_230 = arith.addi %gather3A, %and3A_229 : vector<16xi32>
        %gather3A_231 = tpu.vector_load_idx %arg14[%add3A_185, %add3A_230] : memref<128x128xf32, #tpu.memory_space<vmem>>[vector<16xi32>, vector<16xi32>], vector<16xf32>,
        %add3A_232 = arith.constant 12 : i32
        %add3A_233 = vector.broadcast %add3A_232 : i32 to vector<16xi32>
        %add3A_234 = arith.addi %add3A_233, %and3A_72 : vector<16xi32>
        tpu.vector_store_idx %arg16[%add3A_234, %add3A_186], %gather3A_231 : memref<32x128xf32, #tpu.memory_space<vmem>>[vector<16xi32>, vector<16xi32>], vector<16xf32>,
        %add3A_235 = arith.constant 16 : i32
        %add3A_236 = vector.broadcast %add3A_235 : i32 to vector<16xi32>
        %add3A_237 = arith.addi %add3A_236, %and3A_72 : vector<16xi32>
        %add3A_238 = arith.addi %add3A_237, %gather3A_183 : vector<16xi32>
        %and3A_239 = arith.constant 31 : i32
        %and3A_240 = vector.broadcast %and3A_239 : i32 to vector<16xi32>
        %and3A_241 = arith.andi %add3A_238, %and3A_240 : vector<16xi32>
        %add3A_242 = arith.addi %gather3A, %and3A_241 : vector<16xi32>
        %gather3A_243 = tpu.vector_load_idx %arg14[%add3A_185, %add3A_242] : memref<128x128xf32, #tpu.memory_space<vmem>>[vector<16xi32>, vector<16xi32>], vector<16xf32>,
        %add3A_244 = arith.constant 16 : i32
        %add3A_245 = vector.broadcast %add3A_244 : i32 to vector<16xi32>
        %add3A_246 = arith.addi %add3A_245, %and3A_72 : vector<16xi32>
        tpu.vector_store_idx %arg16[%add3A_246, %add3A_186], %gather3A_243 : memref<32x128xf32, #tpu.memory_space<vmem>>[vector<16xi32>, vector<16xi32>], vector<16xf32>,
        %add3A_247 = arith.constant 20 : i32
        %add3A_248 = vector.broadcast %add3A_247 : i32 to vector<16xi32>
        %add3A_249 = arith.addi %add3A_248, %and3A_72 : vector<16xi32>
        %add3A_250 = arith.addi %add3A_249, %gather3A_183 : vector<16xi32>
        %and3A_251 = arith.constant 31 : i32
        %and3A_252 = vector.broadcast %and3A_251 : i32 to vector<16xi32>
        %and3A_253 = arith.andi %add3A_250, %and3A_252 : vector<16xi32>
        %add3A_254 = arith.addi %gather3A, %and3A_253 : vector<16xi32>
        %gather3A_255 = tpu.vector_load_idx %arg14[%add3A_185, %add3A_254] : memref<128x128xf32, #tpu.memory_space<vmem>>[vector<16xi32>, vector<16xi32>], vector<16xf32>,
        %add3A_256 = arith.constant 20 : i32
        %add3A_257 = vector.broadcast %add3A_256 : i32 to vector<16xi32>
        %add3A_258 = arith.addi %add3A_257, %and3A_72 : vector<16xi32>
        tpu.vector_store_idx %arg16[%add3A_258, %add3A_186], %gather3A_255 : memref<32x128xf32, #tpu.memory_space<vmem>>[vector<16xi32>, vector<16xi32>], vector<16xf32>,
        %add3A_259 = arith.constant 24 : i32
        %add3A_260 = vector.broadcast %add3A_259 : i32 to vector<16xi32>
        %add3A_261 = arith.addi %add3A_260, %and3A_72 : vector<16xi32>
        %add3A_262 = arith.addi %add3A_261, %gather3A_183 : vector<16xi32>
        %and3A_263 = arith.constant 31 : i32
        %and3A_264 = vector.broadcast %and3A_263 : i32 to vector<16xi32>
        %and3A_265 = arith.andi %add3A_262, %and3A_264 : vector<16xi32>
        %add3A_266 = arith.addi %gather3A, %and3A_265 : vector<16xi32>
        %gather3A_267 = tpu.vector_load_idx %arg14[%add3A_185, %add3A_266] : memref<128x128xf32, #tpu.memory_space<vmem>>[vector<16xi32>, vector<16xi32>], vector<16xf32>,
        %add3A_268 = arith.constant 24 : i32
        %add3A_269 = vector.broadcast %add3A_268 : i32 to vector<16xi32>
        %add3A_270 = arith.addi %add3A_269, %and3A_72 : vector<16xi32>
        tpu.vector_store_idx %arg16[%add3A_270, %add3A_186], %gather3A_267 : memref<32x128xf32, #tpu.memory_space<vmem>>[vector<16xi32>, vector<16xi32>], vector<16xf32>,
        %add3A_271 = arith.constant 28 : i32
        %add3A_272 = vector.broadcast %add3A_271 : i32 to vector<16xi32>
        %add3A_273 = arith.addi %add3A_272, %and3A_72 : vector<16xi32>
        %add3A_274 = arith.addi %add3A_273, %gather3A_183 : vector<16xi32>
        %and3A_275 = arith.constant 31 : i32
        %and3A_276 = vector.broadcast %and3A_275 : i32 to vector<16xi32>
        %and3A_277 = arith.andi %add3A_274, %and3A_276 : vector<16xi32>
        %add3A_278 = arith.addi %gather3A, %and3A_277 : vector<16xi32>
        %gather3A_279 = tpu.vector_load_idx %arg14[%add3A_185, %add3A_278] : memref<128x128xf32, #tpu.memory_space<vmem>>[vector<16xi32>, vector<16xi32>], vector<16xf32>,
        %add3A_280 = arith.constant 28 : i32
        %add3A_281 = vector.broadcast %add3A_280 : i32 to vector<16xi32>
        %add3A_282 = arith.addi %add3A_281, %and3A_72 : vector<16xi32>
        tpu.vector_store_idx %arg16[%add3A_282, %add3A_186], %gather3A_279 : memref<32x128xf32, #tpu.memory_space<vmem>>[vector<16xi32>, vector<16xi32>], vector<16xf32>,
      }
      %scan3A_157 = arith.constant 32 : i32
      %mul3A_158 = arith.constant 104 : i32
      %mul3A_159 = arith.muli %add3A, %mul3A_158 : i32
      %add3A_160 = arith.addi %mul3A_159, %add3A_139 : i32
      %mul3A_161 = arith.constant 128 : i32
      %mul3A_162 = arith.muli %mul3A_161, %add3A_160 : i32
      %dma_start3A_163 = arith.constant 0 : i32
      %dma_start3A_164 = tpu.memref_slice %arg4[%dma_start3A_163, %mul3A_162] : memref<32x425984xf32, #tpu.memory_space<hbm>> -> memref<32x128xf32, #tpu.memory_space<hbm>>
      %dma_start3A_165 = arith.constant 0 : i32
      %dma_start3A_166 = tpu.memref_slice %arg4[%dma_start3A_165, %mul3A_162] : memref<32x425984xf32, #tpu.memory_space<hbm>> -> memref<32x128xf32, #tpu.memory_space<hbm>>
      tpu.enqueue_dma source(%arg16 : memref<32x128xf32, #tpu.memory_space<vmem>>) target(%dma_start3A_166 : memref<32x128xf32, #tpu.memory_space<hbm>>) target_semaphore(%arg25 : memref<!tpu.dma_semaphore, #tpu.memory_space<semaphore_mem>>)
      %add3A_167 = arith.constant 2 : i32
      %add3A_168 = arith.addi %add3A_139, %add3A_167 : i32
      %lt3A_169 = arith.constant 104 : i32
      %lt3A_170 = arith.cmpi slt, %add3A_168, %lt3A_169 : i32
      %convert_element_type3A_171 = arith.extui %lt3A_170 : i1 to i32
      %cond3A_172 = arith.constant 0 : i32
      %cond3A_173 = arith.cmpi ne, %convert_element_type3A_171, %cond3A_172 : i32
      scf.if %cond3A_173 {
        %add3A_174 = arith.constant 2 : i32
        %add3A_175 = arith.addi %add3A_139, %add3A_174 : i32
        %mul3A_176 = arith.constant 128 : i32
        %mul3A_177 = arith.muli %mul3A_176, %add3A_175 : i32
        %dma_start3A_178 = tpu.memref_slice %arg10[%mul3A_177] : memref<13312xi32, #tpu.memory_space<vmem>> -> memref<128xi32, #tpu.memory_space<vmem>>
        %dma_start3A_179 = arith.constant 0 : i32
        %dma_start3A_180 = arith.constant 0 : i32
        %dma_start3A_181 = tpu.memref_slice %arg5[%dma_start3A_179, %dma_start3A_180] : memref<250000x128xf32, #tpu.memory_space<hbm>> -> memref<250000x128xf32, #tpu.memory_space<hbm>>
        tpu.enqueue_indirect_dma source(%dma_start3A_181 : memref<250000x128xf32, #tpu.memory_space<hbm>>) target(%arg14 : memref<128x128xf32, #tpu.memory_space<vmem>>) offsets(%dma_start3A_178 : memref<128xi32, #tpu.memory_space<vmem>>) semaphore(%arg23 : memref<!tpu.dma_semaphore, #tpu.memory_space<semaphore_mem>>)
      } else {
      }
    }
    %scan3A_77 = arith.constant 52 : i32
    %mul3A_78 = arith.constant 104 : i32
    %mul3A_79 = arith.muli %add3A, %mul3A_78 : i32
    %add3A_80 = arith.constant 102 : i32
    %add3A_81 = arith.addi %mul3A_79, %add3A_80 : i32
    %mul3A_82 = arith.constant 128 : i32
    %mul3A_83 = arith.muli %mul3A_82, %add3A_81 : i32
    %dma_wait3A_84 = arith.constant 0 : i32
    %dma_wait3A_85 = tpu.memref_slice %arg4[%dma_wait3A_84, %mul3A_83] : memref<32x425984xf32, #tpu.memory_space<hbm>> -> memref<32x128xf32, #tpu.memory_space<hbm>>
    %dma_wait3A_86 = arith.constant 0 : i32
    %dma_wait3A_87 = tpu.memref_slice %arg4[%dma_wait3A_86, %mul3A_83] : memref<32x425984xf32, #tpu.memory_space<hbm>> -> memref<32x128xf32, #tpu.memory_space<hbm>>
    tpu.wait_dma2 semaphore(%arg24 : memref<!tpu.dma_semaphore, #tpu.memory_space<semaphore_mem>>) src(%arg15 : memref<32x128xf32, #tpu.memory_space<vmem>>) dst(%dma_wait3A_87 : memref<32x128xf32, #tpu.memory_space<hbm>>)
    %mul3A_88 = arith.constant 104 : i32
    %mul3A_89 = arith.muli %add3A, %mul3A_88 : i32
    %add3A_90 = arith.constant 103 : i32
    %add3A_91 = arith.addi %mul3A_89, %add3A_90 : i32
    %mul3A_92 = arith.constant 128 : i32
    %mul3A_93 = arith.muli %mul3A_92, %add3A_91 : i32
    %dma_wait3A_94 = arith.constant 0 : i32
    %dma_wait3A_95 = tpu.memref_slice %arg4[%dma_wait3A_94, %mul3A_93] : memref<32x425984xf32, #tpu.memory_space<hbm>> -> memref<32x128xf32, #tpu.memory_space<hbm>>
    %dma_wait3A_96 = arith.constant 0 : i32
    %dma_wait3A_97 = tpu.memref_slice %arg4[%dma_wait3A_96, %mul3A_93] : memref<32x425984xf32, #tpu.memory_space<hbm>> -> memref<32x128xf32, #tpu.memory_space<hbm>>
    tpu.wait_dma2 semaphore(%arg25 : memref<!tpu.dma_semaphore, #tpu.memory_space<semaphore_mem>>) src(%arg16 : memref<32x128xf32, #tpu.memory_space<vmem>>) dst(%dma_wait3A_97 : memref<32x128xf32, #tpu.memory_space<hbm>>)
    return
  }
}

</mosaic_0001>

<sc_bundles>
// kernel: kernel.3.cloned.1.call-start
scs
__scs_entry_jumppad:
0x0: {  	(pc) =	sbr.rel $0x88, $3  }
0x1: {  	(tag) =	ssettag $0x0;
	lr =	simm.s32 $0x1  }
0x2: {  	[smem:$0x3F9F] =	sst lr;
	_ =	strace $0xD0000000  }
0x3: {  	_ = 	snop  }
0x4: {  	_ = 	snop  }
0x5: {  	_ = 	snop  }
0x6: {  	_ = 	snop  }
0x7: {  	_ = 	snop  }
__scs_overlays_trampoline_lowered:
0x8: {  	[smem:$0x3FAE] =	sst s0  }
0x9: {  	[smem:$0x3FAF] =	sst s1  }
0xa: {  	[smem:$0x3FB0] =	sst s2  }
0xb: {  	[smem:$0x3FB1] =	sst s3  }
0xc: {  	[smem:$0x3FB2] =	sst s4  }
0xd: {  	[smem:$0x3FB3] =	sst s5  }
0xe: {  	[smem:$0x3FB4] =	sst s6  }
0xf: {  	[smem:$0x3FB5] =	sst s7  }
0x10: {  	[smem:$0x3FB6] =	sst s8  }
0x11: {  	[smem:$0x3FB7] =	sst s9;
	s0 =	simm.s32 @!p0 $0x0  }
0x12: {  	s1 =	sld [smem:$0x3F9D];
	s0 =	simm.s32 @p0 $0x1  }
0x13: {  	[smem:$0x3FB8] =	sst s0;
	s0 =	simm.s32 @!p1 $0x0  }
0x14: {  	s2 =	sld [smem:$0x3F9C];
	s0 =	simm.s32 @p1 $0x1  }
0x15: {  	[smem:$0x3FB9] =	sst s0;
	s0 =	simm.s32 @!p2 $0x0  }
0x16: {  	s3 =	sld [smem:$0x3FDB];
	s0 =	simm.s32 @p2 $0x1  }
0x17: {  	s4 =	simm.s32 $0x1BF5;
	[smem:$0x3FBB] =	sst s0  }
0x18: {  	s0 =	sld [smem:$0x3F9E];
	_ =	swait.ge [sflag:s4], $0x0  }
0x19: {  	s7 =	sld [smem:$0x3F9F]  }
0x1a: {  	s8 =	sadd.s32 $0xFFFFE003, lr  }
0x1b: {  	s9 =	sadd.s32 $0xFFFFFEF7, lr;
	s5 =	simm.s32 $0xFFFFFFFF;
	p2 =	slt.u32 s8, $0xFFFFF086  }
0x1c: {  	p1 =	slt.u32 s9, $0xF7A;
	s5 =	simm.s32 @!p2 $0x0  }
0x1d: {  	s5 =	simm.s32 @p1 $0x1;
	p0 =	seq.s32 s7, s2  }
0x1e: {  	s7 =	smul.u32 @!p0 $0xF7A, s2;
	p2 =	seq.s32 @!p0 s5, $0x0  }
0x1f: {  	s9 =	smul.u32 $0xF7A, s1;
	s8 =	simm.s32 @!p0 $0x1BF5;
	p2 =	por !p2, p0  }
0x20: {  	[sflag:s8] =	ssyncset.s32 @!p0 $0xFFFFF086;
	s6 =	sadd.s32 @!p0 s3, s7;
	s7 =	simm.s32 @!p0 $0x108  }
0x21: {  	s3 =	sadd.s32 s3, s9;
	s6 =	sadd.s32 @!p0 $0x88, s6;
	s7 =	simm.s32 @p2 $0x1082  }
0x22: {  	[simem:s7], [sflag:s8] =	dma.local @!p0 [hbm:s6], $0xF7A  }
0x23: {  	s9 =	sor.u32 $0xD0000000, s2;
	s6 =	simm.s32 $0x108;
	_ =	swait.ge @!p0 [sflag:s8], $0x0  }
0x24: {  	s3 =	sadd.s32 $0x88, s3;
	s6 =	simm.s32 @!p1 $0x1082;
	[sflag:s4] =	ssyncset.s32 $0xFFFFF086  }
0x25: {  	[simem:s6], [sflag:s4] =	dma.local [hbm:s3], $0xF7A  }
0x26: {  	[smem:$0x3F9F] =	sst s1;
	(tag) =	ssettag s2;
	_ =	strace s9  }
0x27: {  	s1 =	sld [smem:$0x3FAF]  }
0x28: {  	s2 =	sld [smem:$0x3FB0]  }
0x29: {  	s4 =	sld [smem:$0x3FB2]  }
0x2a: {  	p0 =	seq.s32 s5, $0x0;
	s5 =	sld [smem:$0x3FB3]  }
0x2b: {  	s6 =	sld [smem:$0x3FB4]  }
0x2c: {  	s7 =	sld [smem:$0x3FB5]  }
0x2d: {  	s3 =	simm.s32 $0x108;
	s8 =	sld [smem:$0x3FB6]  }
0x2e: {  	s3 =	simm.s32 @!p0 $0x1082;
	s9 =	sld [smem:$0x3FB7]  }
0x2f: {  	lr =	sadd.s32 s0, s3;
	s0 =	sld [smem:$0x3FAE]  }
0x30: {  	s3 =	sld [smem:$0x3FB1]  }
0x31: {  	[smem:$0x3FBA] =	sst s10  }
0x32: {  	s10 =	sld [smem:$0x3FB8];
	_ =	sdelay $0x3  }
0x33: {  	p0 =	seq.s32 s10, $0x1;
	s10 =	sld [smem:$0x3FBA];
	_ =	sdelay $0x3  }
0x34: {  	[smem:$0x3FBA] =	sst s10  }
0x35: {  	s10 =	sld [smem:$0x3FB9];
	_ =	sdelay $0x3  }
0x36: {  	p1 =	seq.s32 s10, $0x1;
	s10 =	sld [smem:$0x3FBA];
	_ =	sdelay $0x3  }
0x37: {  	[smem:$0x3FBA] =	sst s10  }
0x38: {  	s10 =	sld [smem:$0x3FBB]  }
0x39: {  	_ = 	snop;
	(pc) =	sbr.ind lr, $3  }
0x3a: {  	_ = 	snop  }
0x3b: {  	_ = 	snop  }
0x3c: {  	p2 =	seq.s32 s10, $0x1;
	s10 =	sld [smem:$0x3FBA]  }
0x3d: {  	_ =	shalt  }
0x3e: {  	_ =	shalt  }
0x3f: {  	_ =	shalt  }
0x40: {  	_ =	shalt  }
0x41: {  	_ =	shalt  }
0x42: {  	_ =	shalt  }
0x43: {  	_ =	shalt  }
0x44: {  	_ =	shalt  }
0x45: {  	_ =	shalt  }
0x46: {  	_ =	shalt  }
0x47: {  	_ =	shalt  }
0x48: {  	_ =	shalt  }
0x49: {  	_ =	shalt  }
0x4a: {  	_ =	shalt  }
0x4b: {  	_ =	shalt  }
0x4c: {  	_ =	shalt  }
0x4d: {  	_ =	shalt  }
0x4e: {  	_ =	shalt  }
0x4f: {  	_ =	shalt  }
0x50: {  	_ =	shalt  }
0x51: {  	_ =	shalt  }
0x52: {  	_ =	shalt  }
0x53: {  	_ =	shalt  }
0x54: {  	_ =	shalt  }
0x55: {  	_ =	shalt  }
0x56: {  	_ =	shalt  }
0x57: {  	_ =	shalt  }
0x58: {  	_ =	shalt  }
0x59: {  	_ =	shalt  }
0x5a: {  	_ =	shalt  }
0x5b: {  	_ =	shalt  }
0x5c: {  	_ =	shalt  }
0x5d: {  	_ =	shalt  }
0x5e: {  	_ =	shalt  }
0x5f: {  	_ =	shalt  }
0x60: {  	_ =	shalt  }
0x61: {  	_ =	shalt  }
0x62: {  	_ =	shalt  }
0x63: {  	_ =	shalt  }
0x64: {  	_ =	shalt  }
0x65: {  	_ =	shalt  }
0x66: {  	_ =	shalt  }
0x67: {  	_ =	shalt  }
0x68: {  	_ =	shalt  }
0x69: {  	_ =	shalt  }
0x6a: {  	_ =	shalt  }
0x6b: {  	_ =	shalt  }
0x6c: {  	_ =	shalt  }
0x6d: {  	_ =	shalt  }
0x6e: {  	_ =	shalt  }
0x6f: {  	_ =	shalt  }
0x70: {  	_ =	shalt  }
0x71: {  	_ =	shalt  }
0x72: {  	_ =	shalt  }
0x73: {  	_ =	shalt  }
0x74: {  	_ =	shalt  }
0x75: {  	_ =	shalt  }
0x76: {  	_ =	shalt  }
0x77: {  	_ =	shalt  }
0x78: {  	_ =	shalt  }
0x79: {  	_ =	shalt  }
0x7a: {  	_ =	shalt  }
0x7b: {  	_ =	shalt  }
0x7c: {  	_ =	shalt  }
0x7d: {  	_ =	shalt  }
0x7e: {  	_ =	shalt  }
0x7f: {  	_ =	shalt  }
0x80: {  	_ =	shalt  }
0x81: {  	_ =	shalt  }
0x82: {  	_ =	shalt  }
0x83: {  	_ =	shalt  }
0x84: {  	_ =	shalt  }
0x85: {  	_ =	shalt  }
0x86: {  	_ =	shalt  }
0x87: {  	_ =	shalt  }
.Lfunc_end0:
.L_simem_size_0:
called_computation_lowered:
.L_overlay_start_0:
0x88: {  	s2 =	sld [smem:$0x3FD9]  }
0x89: {  	s3 =	sld [smem:$0x3FFE];
	_ =	sdelay $0x1  }
0x8a: {  	s1 =	srdreg.scid  }
0x8b: {  	s0 =	sand.u32 $0x1, s1  }
0x8c: {  	s17 =	sshll.u32 s0, $0xA;
	s2 =	sadd.s32 s3, s2  }
0x8d: {  	s2 =	sadd.s32 s2, s17  }
0x8e: {  	[smem:$0x3FC6] =	sst s2  }
0x8f: {  	_ = 	snop  }
0x90: {  	s2 =	sld [smem:$0x3FC9]  }
0x91: {  	s18 =	sld [smem:$0x3FC8]  }
0x92: {  	s4 =	sld [smem:$0x3FD0];
	(tm) =	ssettm $0x1  }
0x93: {  	s5 =	sld [smem:$0x3FFB];
	_ =	sdelay $0x3  }
0x94: {  	_ =	strace s5  }
0x95: {  	s5 =	sld [smem:$0x3FFC];
	_ =	sdelay $0x3  }
0x96: {  	_ =	strace s5  }
0x97: {  	s5 =	sld [smem:$0x3FFD];
	_ =	sdelay $0x3  }
0x98: {  	_ =	strace s5  }
0x99: {  	_ =	strace $0x8FFFFFFF  }
0x9a: {  	s19 =	sld [smem:$0x3FDB];
	_ =	sdelay $0x1  }
0x9b: {  	s6 =	simm.s32 $_scs_section_size  }
0x9c: {  	s7 =	simm.s32 $_size__tile_overlayer_lowered;
	s8 =	simm.s32 $_tile_overlayer_lowered  }
0x9d: {  	s22 =	simm.s32 $0x1BFF;
	s21 =	sshll.u32 s8, $0x1;
	s5 =	sadd.s32 s6, s19  }
0x9e: {  	s9 =	simm.s32 $0x0;
	s20 =	sshll.u32 s7, $0x1;
	s7 =	sadd.s32 s21, s5  }
0x9f: {  	[timem:s9], [sflag:s22] =	dma.local [hbm:s7], s20  }
0xa0: {  	_ =	swait.ge [sflag:s22], s20  }
0xa1: {  	s6 =	ssub.s32 $0x0, s20;
	[sflag:s22] =	ssyncset.done $0x0  }
0xa2: {  	[sflag:s22] =	ssyncadd.s32 s6;
	_ =	sdelay $0x1  }
0xa3: {  	s23 =	simm.s32 $0x1B8B  }
0xa4: {  	_ =	swait.ge [sflag:s23], $0x1  }
0xa5: {  	[sflag:s23] =	ssyncset.done $0x0  }
0xa6: {  	s25 =	simm.s32 $0x1B8E;
	s24 =	sld [smem:$0x3FFE];
	[sflag:s23] =	ssyncadd.s32 $0xFFFFFFFF  }
0xa7: {  	s26 =	simm.s32 $execute0_lowered;
	[smem:$0x3FD2] =	sst s25  }
0xa8: {  	s7 =	sshll.u32 s26, $0x1;
	_ =	strace $0x80000046;
	[dreg:$0x1] =	wrdreg $0xFFFFFFFF  }
0xa9: {  	s28 =	simm.s32 $_size_execute0_lowered;
	s5 =	sadd.s32 s5, s7;
	[dreg:$0x0] =	wrdreg $0x0  }
0xaa: {  	s7 =	sshll.u32 s28, $0x1;
	[dreg:$0x2] =	wrdreg s5  }
0xab: {  	[dreg:$0x3] =	wrdreg s7  }
0xac: {  	[dreg:$0x4] =	wrdreg $0xC0  }
0xad: {  	_ =	task [dreg:s9], $0x5FFFF  }
0xae: {  	[dreg:$0x1] =	wrdreg $0xFFFFFFFF  }
0xaf: {  	[dreg:$0x0] =	wrdreg $0x60  }
0xb0: {  	[dreg:$0x2] =	wrdreg s2  }
0xb1: {  	[dreg:$0x3] =	wrdreg s18  }
0xb2: {  	[dreg:$0x4] =	wrdreg s4  }
0xb3: {  	[dreg:$0x5] =	wrdreg s24  }
0xb4: {  	[dreg:$0x6] =	wrdreg $0x9  }
0xb5: {  	_ =	task.clear_ibuf [dreg:s9], $0x7FFFF;
	_ =	strace $0x90000046  }
0xb6: {  	s29 =	simm.s32 $0x9;
	_ =	strace $0x80000049  }
0xb7: {  	_ =	swait.ge [sflag:s29], $0x1  }
0xb8: {  	[sflag:s29] =	ssyncadd.s32 $0xFFFFFFFF  }
0xb9: {  	_ =	strace $0x90000049  }
0xba: {  	_ =	sfence  }
0xbb: {  	s30 =	sld [smem:$0x0];
	_ =	sdelay $0x2  }
0xbc: {  	s31 =	sshll.u32 s1, $0xD;
	s1 =	sshrl.u32 s1, $0x2  }
0xbd: {  	s3 =	sand.u32 $0x4000, s31;
	s1 =	sadd.s32 s1, s30  }
0xbe: {  	s0 =	sor.u32 s3, s0;
	s1 =	sshll.u32 s1, $0x11  }
0xbf: {  	s0 =	sor.u32 s1, s0  }
0xc0: {  	s0 =	sadd.s32 $0x8F2B, s0  }
0xc1: {  	[sflag:s0] =	ssyncadd.remote.s32 $0x1  }
0xc2: {  	_ =	sfence.sel $0xFFFF  }
0xc3: {  	[dreg:$0x0] =	wrdreg $0xFFFFFFFF;
	(pc) =	sbr.abs _section_cstart, $3  }
0xc4: {  	[dreg:$0x1] =	wrdreg $0xFFFFFFFF  }
0xc5: {  	_ =	task.clear_ibuf [dreg:s9], $0x2FFFF;
	_ =	strace $0x9FFFFFFF  }
0xc6: {  	(tm) =	ssettm $0x7FFFFFFF  }
0xc7: {  	_ =	shalt  }
tec
execute0_lowered:
.L_overlay_start_1:
0x0: {  	(tag) =	ssettag $0x1  }
0x1: {  	v0 =	vlaneseq.u32  }
0x2: {  	v35 =	vimm.s32 $0x183;
	vm14 =	vcmask $0x300;
	vm13 =	vcmask $0x704  }
0x3: {  	v36 =	vimm.s32 $0x383;
	vm12 =	vcmask $0xB08;
	vm11 =	vcmask $0xF0C  }
0x4: {  	vm10 =	vcmask $0x1310;
	vm9 =	vcmask $0x1714;
	vm8 =	vcmask $0x1B18  }
0x5: {  	vm7 =	vcmask $0x1F1C;
	vm6 =	vcmask $0x2320;
	vm5 =	vcmask $0x2724  }
0x6: {  	vm4 =	vcmask $0x2B28;
	vm3 =	vcmask $0x2F2C;
	vm2 =	vcmask $0x3330  }
0x7: {  	vm1 =	vcmask $0x3734;
	vm0 =	vcmask $0x3B38;
	v39 =	vimm.s32 $0x583  }
0x8: {  	v40 =	vimm.s32 $0x783;
	v41 =	vimm.s32 $0x983;
	v55 =	vimm.s32 $0xB83  }
0x9: {  	v44 =	vimm.s32 $0xD83;
	v45 =	vimm.s32 $0xF83;
	v1 =	vmul.u32 $0x20, v0  }
0xa: {  	v2 =	vor.u32 $0x10, v0;
	v4 =	vor.u32 $0x20, v0;
	v6 =	vor.u32 $0x30, v0  }
0xb: {  	v8 =	vor.u32 $0x40, v0;
	v10 =	vor.u32 $0x50, v0;
	v12 =	vor.u32 $0x60, v0  }
0xc: {  	v14 =	vor.u32 $0x70, v0;
	v16 =	vor.u32 $0x400, v0;
	v18 =	vor.u32 $0x410, v0  }
0xd: {  	v20 =	vor.u32 $0x420, v0;
	v22 =	vor.u32 $0x430, v0;
	v24 =	vor.u32 $0x440, v0  }
0xe: {  	v26 =	vor.u32 $0x450, v0;
	v28 =	vor.u32 $0x460, v0;
	v30 =	vor.u32 $0x470, v0  }
0xf: {  	v57 =	vshrl.u32 v0, $0x2;
	v58 =	vand.u32 $0x3, v0;
	v35 =	vsel vm14, $0x0, v35  }
0x10: {  	v36 =	vsel vm14, $0x200, v36;
	v39 =	vsel vm14, $0x400, v39;
	v40 =	vsel vm14, $0x600, v40  }
0x11: {  	v41 =	vsel vm14, $0x800, v41;
	v44 =	vsel vm14, $0xC00, v44;
	v45 =	vsel vm14, $0xE00, v45  }
0x12: {  	v59 =	vmul.u32 $0x80, v57;
	v35 =	vsel vm13, $0x80, v35;
	v36 =	vsel vm13, $0x280, v36  }
0x13: {  	v61 =	vor.u32 $0x4, v58;
	v62 =	vor.u32 $0x8, v58;
	v39 =	vsel vm13, $0x480, v39  }
0x14: {  	v40 =	vsel vm13, $0x680, v40;
	v41 =	vsel vm13, $0x880, v41;
	v44 =	vsel vm13, $0xC80, v44  }
0x15: {  	v45 =	vsel vm13, $0xE80, v45;
	v3 =	vor.u32 $0x200, v1;
	v5 =	vor.u32 $0x400, v1  }
0x16: {  	v7 =	vor.u32 $0x600, v1;
	v9 =	vor.u32 $0x800, v1;
	v11 =	vor.u32 $0xA00, v1  }
0x17: {  	v13 =	vor.u32 $0xC00, v1;
	v15 =	vor.u32 $0xE00, v1;
	v17 =	vor.u32 $0x1000, v1  }
0x18: {  	v19 =	vor.u32 $0x1200, v1;
	v21 =	vor.u32 $0x1400, v1;
	v23 =	vor.u32 $0x1600, v1  }
0x19: {  	v25 =	vor.u32 $0x1800, v1;
	v27 =	vor.u32 $0x1A00, v1;
	v29 =	vor.u32 $0x1C00, v1  }
0x1a: {  	v31 =	vor.u32 $0x1E00, v1;
	v35 =	vsel vm12, $0x100, v35;
	v36 =	vsel vm12, $0x300, v36  }
0x1b: {  	v39 =	vsel vm12, $0x500, v39;
	v40 =	vsel vm12, $0x700, v40;
	v41 =	vsel vm12, $0x900, v41  }
0x1c: {  	v44 =	vsel vm12, $0xD00, v44;
	v45 =	vsel vm12, $0xF00, v45;
	v35 =	vsel vm11, $0x180, v35  }
0x1d: {  	v36 =	vsel vm11, $0x380, v36;
	v39 =	vsel vm11, $0x580, v39;
	v40 =	vsel vm11, $0x780, v40  }
0x1e: {  	v41 =	vsel vm11, $0x980, v41;
	v44 =	vsel vm11, $0xD80, v44;
	v45 =	vsel vm11, $0xF80, v45  }
0x1f: {  	v35 =	vsel vm10, $0x1, v35;
	v36 =	vsel vm10, $0x201, v36;
	v39 =	vsel vm10, $0x401, v39  }
0x20: {  	v40 =	vsel vm10, $0x601, v40;
	v41 =	vsel vm10, $0x801, v41;
	v44 =	vsel vm10, $0xC01, v44  }
0x21: {  	v45 =	vsel vm10, $0xE01, v45;
	v35 =	vsel vm9, $0x81, v35;
	v36 =	vsel vm9, $0x281, v36  }
0x22: {  	v39 =	vsel vm9, $0x481, v39;
	v40 =	vsel vm9, $0x681, v40;
	v41 =	vsel vm9, $0x881, v41  }
0x23: {  	v44 =	vsel vm9, $0xC81, v44;
	v45 =	vsel vm9, $0xE81, v45;
	v35 =	vsel vm8, $0x101, v35  }
0x24: {  	v36 =	vsel vm8, $0x301, v36;
	v39 =	vsel vm8, $0x501, v39;
	v40 =	vsel vm8, $0x701, v40  }
0x25: {  	s3 =	rddreg [dreg:$0x0];
	v41 =	vsel vm8, $0x901, v41;
	v44 =	vsel vm8, $0xD01, v44;
	v45 =	vsel vm8, $0xF01, v45  }
0x26: {  	s1 =	rddreg [dreg:$0x1];
	v35 =	vsel vm7, $0x181, v35;
	v36 =	vsel vm7, $0x381, v36;
	v39 =	vsel vm7, $0x581, v39  }
0x27: {  	s6 =	rddreg [dreg:$0x3];
	s2 =	simm.s32 $0x0;
	s8 =	srdreg.scid;
	v40 =	vsel vm7, $0x781, v40;
	v41 =	vsel vm7, $0x981, v41;
	v44 =	vsel vm7, $0xD81, v44  }
0x28: {  	s0 =	stileid.u32;
	s28 =	simm.s32 $0x6000;
	s31 =	simm.s32 $0x400;
	v45 =	vsel vm7, $0xF81, v45;
	v35 =	vsel vm6, $0x2, v35;
	v36 =	vsel vm6, $0x202, v36  }
0x29: {  	s14 =	simm.s32 $0xE800;
	s15 =	simm.s32 $0x19C00;
	s17 =	simm.s32 $0x6;
	v39 =	vsel vm6, $0x402, v39;
	v40 =	vsel vm6, $0x602, v40;
	v41 =	vsel vm6, $0x802, v41  }
0x2a: {  	[smem:$0x7FF] =	sst s2;
	s9 =	sand.u32 $0x1, s8;
	s4 =	sshll.u32 s0, $0x1;
	v44 =	vsel vm6, $0xC02, v44;
	v45 =	vsel vm6, $0xE02, v45;
	v41 =	vsel vm5, $0x882, v41  }
0x2b: {  	s24 =	sadd.s32 $0x3D1000, s6;
	s25 =	sshrl.u32 s8, $0x2;
	s29 =	sand.u32 $0x3, s8;
	v35 =	vsel vm5, $0x82, v35;
	v36 =	vsel vm5, $0x282, v36;
	v41 =	vsel vm4, $0x902, v41  }
0x2c: {  	p0 =	sne.s32 s0, $0x0;
	s8 =	simm.s32 $0x0;
	_ =	strace $0x80000047;
	v39 =	vsel vm5, $0x482, v39;
	v40 =	vsel vm5, $0x682, v40;
	v41 =	vsel vm3, $0x982, v41  }
0x2d: {  	s7 =	ssub.s32 $0x2, s9;
	s5 =	sor.u32 s9, s4;
	[dreg:$0xc] =	wrdreg s24;
	v44 =	vsel vm5, $0xC82, v44;
	v45 =	vsel vm5, $0xE82, v45;
	v41 =	vsel vm2, $0x803, v41  }
0x2e: {  	s4 =	sadd.s32 $0x800, s6;
	s9 =	sor.u32 $0xF40, s9;
	[dreg:$0xd] =	wrdreg s25;
	v35 =	vsel vm4, $0x102, v35;
	v36 =	vsel vm4, $0x302, v36;
	v43 =	vsel vm1, $0x883, v41  }
0x2f: {  	s24 =	simm.s32 $0x2;
	s6 =	simm.s32 $0xB400;
	s25 =	simm.s32 $0x1AC00;
	v39 =	vsel vm4, $0x502, v39;
	v56 =	vsel vm0, $0x903, v43;
	v43 =	vsel vm14, $0xA00, v55  }
0x30: {  	s10 =	sshrl.u32 s7, $0x1;
	s11 =	sshll.u32 s5, $0x8;
	s19 =	sshll.u32 s5, $0xA;
	v40 =	vsel vm4, $0x702, v40;
	v44 =	vsel vm4, $0xD02, v44;
	v43 =	vsel vm13, $0xA80, v43  }
0x31: {  	s22 =	sshll.u32 s9, $0x8;
	s9 =	sshll.u32 s9, $0xA;
	s23 =	smul.u32 $0x680, s5;
	v45 =	vsel vm4, $0xF02, v45;
	v35 =	vsel vm3, $0x182, v35;
	v43 =	vsel vm12, $0xB00, v43  }
0x32: {  	s16 =	smul.u32 $0x68, s5;
	p1 =	sne.s32 s5, $0x4;
	s12 =	sadd.s32 s3, s11;
	v36 =	vsel vm3, $0x382, v36;
	v39 =	vsel vm3, $0x582, v39;
	v43 =	vsel vm11, $0xB80, v43  }
0x33: {  	s10 =	ssub.s32 s7, s10;
	s9 =	sadd.s32 s4, s9;
	[dreg:$0x5] =	wrdreg s12;
	v40 =	vsel vm3, $0x782, v40;
	v44 =	vsel vm3, $0xD82, v44;
	v43 =	vsel vm10, $0xA01, v43  }
0x34: {  	s7 =	sadd.s32 s4, s19;
	s21 =	sadd.s32 $0x2000, s12;
	[dreg:$0xa] =	wrdreg s9;
	v45 =	vsel vm3, $0xF82, v45;
	v35 =	vsel vm2, $0x3, v35;
	v43 =	vsel vm9, $0xA81, v43  }
0x35: {  	s18 =	sor.u32 $0x8000, s19;
	s13 =	sadd.s32 $0x4000, s12;
	[dreg:$0x6] =	wrdreg s21;
	v37 =	vsel vm2, $0x203, v36;
	v39 =	vsel vm2, $0x403, v39;
	v43 =	vsel vm8, $0xB01, v43  }
0x36: {  	s20 =	sadd.s32 $0x6000, s12;
	s12 =	sadd.s32 s3, s22;
	[dreg:$0x7] =	wrdreg s13;
	v40 =	vsel vm2, $0x603, v40;
	v44 =	vsel vm2, $0xC03, v44;
	v43 =	vsel vm7, $0xB81, v43  }
0x37: {  	s3 =	sadd.s32 $0xF4200, s3;
	s1 =	sadd.s32 s1, s23;
	[dreg:$0x9] =	wrdreg s12;
	v45 =	vsel vm2, $0xE03, v45;
	v35 =	vsel vm1, $0x83, v35;
	v43 =	vsel vm6, $0xA02, v43  }
0x38: {  	s26 =	smax.u32 s10, $0x1;
	s22 =	simm.s32 $0x1;
	[dreg:$0xb] =	wrdreg s3;
	v37 =	vsel vm1, $0x283, v37;
	v39 =	vsel vm1, $0x483, v39;
	v43 =	vsel vm5, $0xA82, v43  }
.Ltmp0:
0x39: {  	s23 =	simm.s32 $0x4000;
	[dreg:$0xe] =	wrdreg s1;
	v42 =	vsel vm1, $0x683, v40;
	v44 =	vsel vm1, $0xC83, v44;
	v43 =	vsel vm4, $0xB02, v43;
	(pc) =	sbr.rel .LBB2_1-.Ltmp0, $4  }
0x3a: {  	s10 =	simm.s32 $0x340000;
	[dreg:$0xf] =	wrdreg s26;
	s1 =	sxor.u32 $0x5, s29;
	v45 =	vsel vm1, $0xE83, v45;
	v60 =	vsel vm0, $0x103, v35;
	v43 =	vsel vm3, $0xB82, v43  }
0x3b: {  	s21 =	simm.s32 $0x2000;
	s26 =	simm.s32 $0x4;
	s12 =	simm.s32 $0x11C00;
	v63 =	vsel vm0, $0x303, v37;
	v32 =	vsel vm0, $0x503, v39;
	v43 =	vsel vm2, $0xA03, v43  }
0x3c: {  	[tilespmem:$0x1FFE0] =	vst v8;
	s13 =	simm.s32 $0x15C00;
	[dreg:$0x8] =	wrdreg s20;
	s30 =	sshll.u32 s1, $0xE;
	v39 =	vor.u32 $0xC, v58;
	v33 =	vsel vm0, $0x703, v42;
	v43 =	vsel vm1, $0xA83, v43  }
0x3d: {  	[tilespmem:$0x1FFF0] =	vst v9;
	s3 =	simm.s32 $0x5;
	s1 =	simm.s32 $0x1BC00;
	[dreg:$0x10] =	wrdreg s30;
	v35 =	vsel vm0, $0xD03, v44;
	v36 =	vsel vm0, $0xF03, v45;
	v34 =	vsel vm0, $0xB03, v43  }
.LBB2_29:
0x3e: {  	s0 =	simm.s32 $0x7  }
0x3f: {  	_ =	swait.ge [sflag:s0], $0x1000  }
0x40: {  	[sflag:s0] =	ssyncset.done $0x0  }
0x41: {  	s5 =	simm.s32 $0x8;
	[sflag:s0] =	ssyncadd.s32 $0xFFFFF000  }
0x42: {  	_ =	swait.ge [sflag:s5], $0x1000  }
0x43: {  	s8 =	rddreg [dreg:$0x11]  }
0x44: {  	s30 =	rddreg [dreg:$0xf];
	s8 =	sadd.s32 $0x1, s8  }
0x45: {  	p2 =	sne.s32 s8, s30  }
.Ltmp1:
0x46: {  	_ = 	snop;
	(pc) =	sbr.rel @!p2 .LBB2_30-.Ltmp1, $3  }
0x47: {  	_ =	sdelay $0x1  }
0x48: {  	[sflag:s5] =	ssyncset.done $0x0;
	v8 =	vld [tilespmem:$0x1FFE0]  }
0x49: {  	s20 =	rddreg [dreg:$0x8];
	v9 =	vld [tilespmem:$0x1FFF0];
	[sflag:s5] =	ssyncadd.s32 $0xFFFFF000  }
.LBB2_1:
0x4a: {  	[dreg:$0x11] =	wrdreg s8  }
0x4b: {  	s0 =	rddreg [dreg:$0x5]  }
0x4c: {  	s5 =	simm.s32 $0x800;
	s11 =	simm.s32 $0x7A1400;
	s30 =	rddreg [dreg:$0x6]  }
0x4d: {  	[tilespmem:s2], [sflag:$0x1] =	stream.strided.gather [hbm4b:s0+s5], $0x2000, s11, s5, $0x38;
	[tilespmem:$0x1CC00] =	vst v63  }
0x4e: {  	s19 =	simm.s32 $0x7A1400;
	s29 =	simm.s32 $0x0;
	s0 =	simm.s32 $0x800  }
0x4f: {  	[tilespmem:s21], [sflag:$0x2] =	stream.strided.gather [hbm4b:s30+s5], $0x2000, s11, s5, $0x38;
	[tilespmem:$0x1CC00] =	vst v63  }
.LBB2_2:
0x50: {  	s5 =	simm.s32 $0x0  }
0x51: {  	v46 =	vmov s5  }
0x52: {  	v47 =	vshll.u32 v46, $0x8;
	v46 =	vshll.u32 v46, $0x7  }
0x53: {  	v47 =	vand.u32 $0x1800, v47;
	v46 =	vand.u32 $0x300, v46  }
0x54: {  	_ =	swait.ge [sflag:s22], $0x2000;
	v46 =	vor.u32 v46, v47  }
0x55: {  	p2 =	seq.s32 s29, $0x0;
	[sflag:s22] =	ssyncset.done $0x0;
	v47 =	vor.u32 v0, v46  }
0x56: {  	s8 =	simm.s32 @!p2 $0x3;
	[sflag:s22] =	ssyncadd.s32 $0xFFFFE000  }
0x57: {  	_ =	swait.ge @!p2 [sflag:s8], $0x2000  }
0x58: {  	v48 =	vadd.s32 s5, v0;
	[sflag:s8] =	ssyncset.done @!p2 $0x0  }
0x59: {  	v48 =	vand.u32 $0x1F, v48;
	[sflag:s8] =	ssyncadd.s32 @!p2 $0xFFFFE000  }
0x5a: {  	v49 =	vor.u32 v1, v48;
	v47 =	vld.idx.msk [tilespmem:v47+s2+$0x0], $0xffff  }
0x5b: {  	v50 =	vor.u32 v2, v46;
	_ =	sdelay $0x3  }
0x5c: {  	[tilespmem:v49+s23+$0x0] =	vst.idx.msk $0xffff, v47  }
0x5d: {  	v37 =	vor.u32 v3, v48;
	v47 =	vld.idx.msk [tilespmem:v50+s2+$0x0], $0xffff  }
0x5e: {  	v38 =	vor.u32 v4, v46;
	_ =	sdelay $0x3  }
0x5f: {  	[tilespmem:v37+s23+$0x0] =	vst.idx.msk $0xffff, v47  }
0x60: {  	v40 =	vor.u32 v5, v48;
	v47 =	vld.idx.msk [tilespmem:v38+s2+$0x0], $0xffff  }
0x61: {  	v41 =	vor.u32 v6, v46;
	_ =	sdelay $0x3  }
0x62: {  	[tilespmem:v40+s23+$0x0] =	vst.idx.msk $0xffff, v47  }
0x63: {  	v42 =	vor.u32 v7, v48;
	v47 =	vld.idx.msk [tilespmem:v41+s2+$0x0], $0xffff  }
0x64: {  	v43 =	vor.u32 v8, v46;
	_ =	sdelay $0x3  }
0x65: {  	[tilespmem:v42+s23+$0x0] =	vst.idx.msk $0xffff, v47  }
0x66: {  	v44 =	vor.u32 v9, v48;
	v47 =	vld.idx.msk [tilespmem:v43+s2+$0x0], $0xffff  }
0x67: {  	v45 =	vor.u32 v10, v46;
	_ =	sdelay $0x3  }
0x68: {  	[tilespmem:v44+s23+$0x0] =	vst.idx.msk $0xffff, v47  }
0x69: {  	v52 =	vor.u32 v11, v48;
	v47 =	vld.idx.msk [tilespmem:v45+s2+$0x0], $0xffff  }
0x6a: {  	v53 =	vor.u32 v12, v46;
	_ =	sdelay $0x3  }
0x6b: {  	[tilespmem:v52+s23+$0x0] =	vst.idx.msk $0xffff, v47  }
0x6c: {  	v54 =	vor.u32 v13, v48;
	v47 =	vld.idx.msk [tilespmem:v53+s2+$0x0], $0xffff  }
0x6d: {  	v55 =	vor.u32 v14, v46;
	_ =	sdelay $0x3  }
0x6e: {  	[tilespmem:v54+s23+$0x0] =	vst.idx.msk $0xffff, v47  }
0x6f: {  	v37 =	vor.u32 v15, v48;
	v47 =	vld.idx.msk [tilespmem:v55+s2+$0x0], $0xffff  }
0x70: {  	v38 =	vor.u32 v16, v46;
	_ =	sdelay $0x3  }
0x71: {  	[tilespmem:v37+s23+$0x0] =	vst.idx.msk $0xffff, v47  }
0x72: {  	v40 =	vor.u32 v17, v48;
	v47 =	vld.idx.msk [tilespmem:v38+s2+$0x0], $0xffff  }
0x73: {  	v41 =	vor.u32 v18, v46;
	_ =	sdelay $0x3  }
0x74: {  	[tilespmem:v40+s23+$0x0] =	vst.idx.msk $0xffff, v47  }
0x75: {  	v42 =	vor.u32 v19, v48;
	v47 =	vld.idx.msk [tilespmem:v41+s2+$0x0], $0xffff  }
0x76: {  	v43 =	vor.u32 v20, v46;
	_ =	sdelay $0x3  }
0x77: {  	[tilespmem:v42+s23+$0x0] =	vst.idx.msk $0xffff, v47  }
0x78: {  	v44 =	vor.u32 v21, v48;
	v47 =	vld.idx.msk [tilespmem:v43+s2+$0x0], $0xffff  }
0x79: {  	v45 =	vor.u32 v22, v46;
	_ =	sdelay $0x3  }
0x7a: {  	[tilespmem:v44+s23+$0x0] =	vst.idx.msk $0xffff, v47  }
0x7b: {  	v52 =	vor.u32 v23, v48;
	v47 =	vld.idx.msk [tilespmem:v45+s2+$0x0], $0xffff  }
0x7c: {  	v53 =	vor.u32 v24, v46;
	_ =	sdelay $0x3  }
0x7d: {  	[tilespmem:v52+s23+$0x0] =	vst.idx.msk $0xffff, v47  }
0x7e: {  	v54 =	vor.u32 v25, v48;
	v47 =	vld.idx.msk [tilespmem:v53+s2+$0x0], $0xffff  }
0x7f: {  	v55 =	vor.u32 v26, v46;
	_ =	sdelay $0x3  }
0x80: {  	[tilespmem:v54+s23+$0x0] =	vst.idx.msk $0xffff, v47  }
0x81: {  	v37 =	vor.u32 v27, v48;
	v47 =	vld.idx.msk [tilespmem:v55+s2+$0x0], $0xffff  }
0x82: {  	v38 =	vor.u32 v28, v46;
	_ =	sdelay $0x3  }
0x83: {  	[tilespmem:v37+s23+$0x0] =	vst.idx.msk $0xffff, v47  }
0x84: {  	v40 =	vor.u32 v29, v48;
	v47 =	vld.idx.msk [tilespmem:v38+s2+$0x0], $0xffff  }
0x85: {  	v46 =	vor.u32 v30, v46  }
0x86: {  	s11 =	simm.s32 $0x1  }
0x87: {  	v41 =	vmov s11  }
0x88: {  	v51 =	vshll.u32 v41, $0x8;
	v50 =	vshll.u32 v41, $0x7  }
0x89: {  	v42 =	vand.u32 $0x1800, v51;
	v43 =	vand.u32 $0x380, v50;
	[tilespmem:v40+s23+$0x0] =	vst.idx.msk $0xffff, v47  }
0x8a: {  	v48 =	vor.u32 v31, v48;
	v47 =	vor.u32 v43, v42;
	v46 =	vld.idx.msk [tilespmem:v46+s2+$0x0], $0xffff  }
0x8b: {  	v49 =	vor.u32 v0, v47;
	_ =	sdelay $0x2  }
0x8c: {  	v45 =	vadd.s32 s11, v0  }
0x8d: {  	[tilespmem:v48+s23+$0x0] =	vst.idx.msk $0xffff, v46;
	v46 =	vand.u32 $0x1F, v45  }
0x8e: {  	v48 =	vld.idx.msk [tilespmem:v49+s2+$0x0], $0xffff;
	v52 =	vor.u32 v1, v46  }
0x8f: {  	v53 =	vor.u32 v2, v47;
	_ =	sdelay $0x3  }
0x90: {  	[tilespmem:v52+s23+$0x0] =	vst.idx.msk $0xffff, v48  }
0x91: {  	v54 =	vor.u32 v3, v46;
	v48 =	vld.idx.msk [tilespmem:v53+s2+$0x0], $0xffff  }
0x92: {  	v55 =	vor.u32 v4, v47;
	_ =	sdelay $0x3  }
0x93: {  	[tilespmem:v54+s23+$0x0] =	vst.idx.msk $0xffff, v48  }
0x94: {  	v37 =	vor.u32 v5, v46;
	v48 =	vld.idx.msk [tilespmem:v55+s2+$0x0], $0xffff  }
0x95: {  	v38 =	vor.u32 v6, v47;
	_ =	sdelay $0x3  }
0x96: {  	[tilespmem:v37+s23+$0x0] =	vst.idx.msk $0xffff, v48  }
0x97: {  	v40 =	vor.u32 v7, v46;
	v48 =	vld.idx.msk [tilespmem:v38+s2+$0x0], $0xffff  }
0x98: {  	v41 =	vor.u32 v8, v47;
	_ =	sdelay $0x3  }
0x99: {  	[tilespmem:v40+s23+$0x0] =	vst.idx.msk $0xffff, v48  }
0x9a: {  	v42 =	vor.u32 v9, v46;
	v48 =	vld.idx.msk [tilespmem:v41+s2+$0x0], $0xffff  }
0x9b: {  	v43 =	vor.u32 v10, v47;
	_ =	sdelay $0x3  }
0x9c: {  	[tilespmem:v42+s23+$0x0] =	vst.idx.msk $0xffff, v48  }
0x9d: {  	v44 =	vor.u32 v11, v46;
	v48 =	vld.idx.msk [tilespmem:v43+s2+$0x0], $0xffff  }
0x9e: {  	v45 =	vor.u32 v12, v47;
	_ =	sdelay $0x3  }
0x9f: {  	[tilespmem:v44+s23+$0x0] =	vst.idx.msk $0xffff, v48  }
0xa0: {  	v52 =	vor.u32 v13, v46;
	v48 =	vld.idx.msk [tilespmem:v45+s2+$0x0], $0xffff  }
0xa1: {  	v53 =	vor.u32 v14, v47;
	_ =	sdelay $0x3  }
0xa2: {  	[tilespmem:v52+s23+$0x0] =	vst.idx.msk $0xffff, v48  }
0xa3: {  	v54 =	vor.u32 v15, v46;
	v48 =	vld.idx.msk [tilespmem:v53+s2+$0x0], $0xffff  }
0xa4: {  	v55 =	vor.u32 v16, v47;
	_ =	sdelay $0x3  }
0xa5: {  	[tilespmem:v54+s23+$0x0] =	vst.idx.msk $0xffff, v48  }
0xa6: {  	v37 =	vor.u32 v17, v46;
	v48 =	vld.idx.msk [tilespmem:v55+s2+$0x0], $0xffff  }
0xa7: {  	v38 =	vor.u32 v18, v47;
	_ =	sdelay $0x3  }
0xa8: {  	[tilespmem:v37+s23+$0x0] =	vst.idx.msk $0xffff, v48  }
0xa9: {  	v40 =	vor.u32 v19, v46;
	v48 =	vld.idx.msk [tilespmem:v38+s2+$0x0], $0xffff  }
0xaa: {  	v41 =	vor.u32 v20, v47;
	_ =	sdelay $0x3  }
0xab: {  	[tilespmem:v40+s23+$0x0] =	vst.idx.msk $0xffff, v48  }
0xac: {  	v42 =	vor.u32 v21, v46;
	v48 =	vld.idx.msk [tilespmem:v41+s2+$0x0], $0xffff  }
0xad: {  	v43 =	vor.u32 v22, v47;
	_ =	sdelay $0x3  }
0xae: {  	[tilespmem:v42+s23+$0x0] =	vst.idx.msk $0xffff, v48  }
0xaf: {  	v44 =	vor.u32 v23, v46;
	v48 =	vld.idx.msk [tilespmem:v43+s2+$0x0], $0xffff  }
0xb0: {  	v45 =	vor.u32 v24, v47;
	_ =	sdelay $0x3  }
0xb1: {  	[tilespmem:v44+s23+$0x0] =	vst.idx.msk $0xffff, v48  }
0xb2: {  	v52 =	vor.u32 v25, v46;
	v48 =	vld.idx.msk [tilespmem:v45+s2+$0x0], $0xffff  }
0xb3: {  	v53 =	vor.u32 v26, v47;
	_ =	sdelay $0x3  }
0xb4: {  	[tilespmem:v52+s23+$0x0] =	vst.idx.msk $0xffff, v48  }
0xb5: {  	v54 =	vor.u32 v27, v46;
	v48 =	vld.idx.msk [tilespmem:v53+s2+$0x0], $0xffff  }
0xb6: {  	v55 =	vor.u32 v28, v47;
	_ =	sdelay $0x3  }
0xb7: {  	[tilespmem:v54+s23+$0x0] =	vst.idx.msk $0xffff, v48  }
0xb8: {  	v49 =	vor.u32 v29, v46;
	v48 =	vld.idx.msk [tilespmem:v55+s2+$0x0], $0xffff  }
0xb9: {  	v47 =	vor.u32 v30, v47;
	_ =	sdelay $0x1  }
0xba: {  	s5 =	simm.s32 $0x2  }
0xbb: {  	s30 =	sshll.u32 s29, $0xE;
	v50 =	vmov s5;
	s11 =	simm.s32 $0x4  }
.LBB2_3:
0xbc: {  	p3 =	sne.s32 s11, $0x1E;
	v51 =	vshll.u32 v50, $0x8;
	v50 =	vshll.u32 v50, $0x7;
	[tilespmem:v49+s23+$0x0] =	vst.idx.msk $0xffff, v48  }
0xbd: {  	v48 =	vand.u32 $0x1800, v51;
	v49 =	vand.u32 $0x300, v50;
	v50 =	vld.idx.msk [tilespmem:v47+s2+$0x0], $0xffff  }
0xbe: {  	v46 =	vor.u32 v31, v46;
	v47 =	vor.u32 v49, v48  }
0xbf: {  	v48 =	vor.u32 v0, v47;
	_ =	sdelay $0x3  }
0xc0: {  	v49 =	vadd.s32 s5, v0;
	[tilespmem:v46+s23+$0x0] =	vst.idx.msk $0xffff, v50  }
0xc1: {  	v46 =	vand.u32 $0x1F, v49;
	v48 =	vld.idx.msk [tilespmem:v48+s2+$0x0], $0xffff  }
0xc2: {  	v49 =	vor.u32 v1, v46  }
0xc3: {  	v50 =	vor.u32 v2, v47;
	_ =	sdelay $0x3  }
0xc4: {  	[tilespmem:v49+s23+$0x0] =	vst.idx.msk $0xffff, v48  }
0xc5: {  	v48 =	vld.idx.msk [tilespmem:v50+s2+$0x0], $0xffff  }
0xc6: {  	v49 =	vor.u32 v3, v46  }
0xc7: {  	v50 =	vor.u32 v4, v47;
	_ =	sdelay $0x3  }
0xc8: {  	[tilespmem:v49+s23+$0x0] =	vst.idx.msk $0xffff, v48  }
0xc9: {  	v48 =	vld.idx.msk [tilespmem:v50+s2+$0x0], $0xffff  }
0xca: {  	v49 =	vor.u32 v5, v46  }
0xcb: {  	v50 =	vor.u32 v6, v47;
	_ =	sdelay $0x3  }
0xcc: {  	[tilespmem:v49+s23+$0x0] =	vst.idx.msk $0xffff, v48  }
0xcd: {  	v48 =	vld.idx.msk [tilespmem:v50+s2+$0x0], $0xffff  }
0xce: {  	v49 =	vor.u32 v7, v46  }
0xcf: {  	v50 =	vor.u32 v8, v47;
	_ =	sdelay $0x3  }
0xd0: {  	[tilespmem:v49+s23+$0x0] =	vst.idx.msk $0xffff, v48  }
0xd1: {  	v48 =	vld.idx.msk [tilespmem:v50+s2+$0x0], $0xffff  }
0xd2: {  	v49 =	vor.u32 v9, v46  }
0xd3: {  	v50 =	vor.u32 v10, v47;
	_ =	sdelay $0x3  }
0xd4: {  	[tilespmem:v49+s23+$0x0] =	vst.idx.msk $0xffff, v48  }
0xd5: {  	v48 =	vld.idx.msk [tilespmem:v50+s2+$0x0], $0xffff  }
0xd6: {  	v49 =	vor.u32 v11, v46  }
0xd7: {  	v50 =	vor.u32 v12, v47;
	_ =	sdelay $0x3  }
0xd8: {  	[tilespmem:v49+s23+$0x0] =	vst.idx.msk $0xffff, v48  }
0xd9: {  	v48 =	vld.idx.msk [tilespmem:v50+s2+$0x0], $0xffff  }
0xda: {  	v49 =	vor.u32 v13, v46  }
0xdb: {  	v50 =	vor.u32 v14, v47;
	_ =	sdelay $0x3  }
0xdc: {  	[tilespmem:v49+s23+$0x0] =	vst.idx.msk $0xffff, v48  }
0xdd: {  	v48 =	vld.idx.msk [tilespmem:v50+s2+$0x0], $0xffff  }
0xde: {  	v49 =	vor.u32 v15, v46  }
0xdf: {  	v50 =	vor.u32 v16, v47;
	_ =	sdelay $0x3  }
0xe0: {  	[tilespmem:v49+s23+$0x0] =	vst.idx.msk $0xffff, v48  }
0xe1: {  	v48 =	vld.idx.msk [tilespmem:v50+s2+$0x0], $0xffff  }
0xe2: {  	v49 =	vor.u32 v17, v46  }
0xe3: {  	v50 =	vor.u32 v18, v47;
	_ =	sdelay $0x3  }
0xe4: {  	[tilespmem:v49+s23+$0x0] =	vst.idx.msk $0xffff, v48  }
0xe5: {  	v48 =	vld.idx.msk [tilespmem:v50+s2+$0x0], $0xffff  }
0xe6: {  	v49 =	vor.u32 v19, v46  }
0xe7: {  	v50 =	vor.u32 v20, v47;
	_ =	sdelay $0x3  }
0xe8: {  	[tilespmem:v49+s23+$0x0] =	vst.idx.msk $0xffff, v48  }
0xe9: {  	v48 =	vld.idx.msk [tilespmem:v50+s2+$0x0], $0xffff  }
0xea: {  	v49 =	vor.u32 v21, v46  }
0xeb: {  	v50 =	vor.u32 v22, v47;
	_ =	sdelay $0x3  }
0xec: {  	[tilespmem:v49+s23+$0x0] =	vst.idx.msk $0xffff, v48  }
0xed: {  	v48 =	vld.idx.msk [tilespmem:v50+s2+$0x0], $0xffff  }
0xee: {  	v49 =	vor.u32 v23, v46  }
0xef: {  	v50 =	vor.u32 v24, v47;
	_ =	sdelay $0x3  }
0xf0: {  	[tilespmem:v49+s23+$0x0] =	vst.idx.msk $0xffff, v48  }
0xf1: {  	v48 =	vld.idx.msk [tilespmem:v50+s2+$0x0], $0xffff  }
0xf2: {  	v49 =	vor.u32 v25, v46  }
0xf3: {  	v50 =	vor.u32 v26, v47;
	_ =	sdelay $0x3  }
0xf4: {  	[tilespmem:v49+s23+$0x0] =	vst.idx.msk $0xffff, v48  }
0xf5: {  	v48 =	vld.idx.msk [tilespmem:v50+s2+$0x0], $0xffff  }
0xf6: {  	v49 =	vor.u32 v27, v46  }
0xf7: {  	v50 =	vor.u32 v28, v47;
	_ =	sdelay $0x3  }
0xf8: {  	[tilespmem:v49+s23+$0x0] =	vst.idx.msk $0xffff, v48  }
0xf9: {  	v48 =	vld.idx.msk [tilespmem:v50+s2+$0x0], $0xffff  }
0xfa: {  	v49 =	vor.u32 v29, v46  }
0xfb: {  	v47 =	vor.u32 v30, v47;
	_ =	sdelay $0x1  }
0xfc: {  	s8 =	sadd.s32 $0x1, s5;
	s5 =	smov.u32 s11  }
0xfd: {  	v50 =	vmov s8  }
0xfe: {  	[tilespmem:v49+s23+$0x0] =	vst.idx.msk $0xffff, v48;
	v48 =	vshll.u32 v50, $0x8;
	v49 =	vshll.u32 v50, $0x7  }
0xff: {  	v50 =	vld.idx.msk [tilespmem:v47+s2+$0x0], $0xffff;
	v47 =	vand.u32 $0x1800, v48;
	v48 =	vand.u32 $0x380, v49  }
0x100: {  	v46 =	vor.u32 v31, v46;
	v47 =	vor.u32 v48, v47  }
0x101: {  	v48 =	vor.u32 v0, v47;
	_ =	sdelay $0x3  }
0x102: {  	[tilespmem:v46+s23+$0x0] =	vst.idx.msk $0xffff, v50;
	v46 =	vadd.s32 s8, v0  }
0x103: {  	v46 =	vand.u32 $0x1F, v46;
	v48 =	vld.idx.msk [tilespmem:v48+s2+$0x0], $0xffff  }
0x104: {  	v49 =	vor.u32 v1, v46  }
0x105: {  	v50 =	vor.u32 v2, v47;
	_ =	sdelay $0x3  }
0x106: {  	[tilespmem:v49+s23+$0x0] =	vst.idx.msk $0xffff, v48  }
0x107: {  	v48 =	vld.idx.msk [tilespmem:v50+s2+$0x0], $0xffff  }
0x108: {  	v49 =	vor.u32 v3, v46  }
0x109: {  	v50 =	vor.u32 v4, v47;
	_ =	sdelay $0x3  }
0x10a: {  	[tilespmem:v49+s23+$0x0] =	vst.idx.msk $0xffff, v48  }
0x10b: {  	v48 =	vld.idx.msk [tilespmem:v50+s2+$0x0], $0xffff  }
0x10c: {  	v49 =	vor.u32 v5, v46  }
0x10d: {  	v50 =	vor.u32 v6, v47;
	_ =	sdelay $0x3  }
0x10e: {  	[tilespmem:v49+s23+$0x0] =	vst.idx.msk $0xffff, v48  }
0x10f: {  	v48 =	vld.idx.msk [tilespmem:v50+s2+$0x0], $0xffff  }
0x110: {  	v49 =	vor.u32 v7, v46  }
0x111: {  	v50 =	vor.u32 v8, v47;
	_ =	sdelay $0x3  }
0x112: {  	[tilespmem:v49+s23+$0x0] =	vst.idx.msk $0xffff, v48  }
0x113: {  	v48 =	vld.idx.msk [tilespmem:v50+s2+$0x0], $0xffff  }
0x114: {  	v49 =	vor.u32 v9, v46  }
0x115: {  	v50 =	vor.u32 v10, v47;
	_ =	sdelay $0x3  }
0x116: {  	[tilespmem:v49+s23+$0x0] =	vst.idx.msk $0xffff, v48  }
0x117: {  	v48 =	vld.idx.msk [tilespmem:v50+s2+$0x0], $0xffff  }
0x118: {  	v49 =	vor.u32 v11, v46  }
0x119: {  	v50 =	vor.u32 v12, v47;
	_ =	sdelay $0x3  }
0x11a: {  	[tilespmem:v49+s23+$0x0] =	vst.idx.msk $0xffff, v48  }
0x11b: {  	v48 =	vld.idx.msk [tilespmem:v50+s2+$0x0], $0xffff  }
0x11c: {  	v49 =	vor.u32 v13, v46  }
0x11d: {  	v50 =	vor.u32 v14, v47;
	_ =	sdelay $0x3  }
0x11e: {  	[tilespmem:v49+s23+$0x0] =	vst.idx.msk $0xffff, v48  }
0x11f: {  	v48 =	vld.idx.msk [tilespmem:v50+s2+$0x0], $0xffff  }
0x120: {  	v49 =	vor.u32 v15, v46  }
0x121: {  	v50 =	vor.u32 v16, v47;
	_ =	sdelay $0x3  }
0x122: {  	[tilespmem:v49+s23+$0x0] =	vst.idx.msk $0xffff, v48  }
0x123: {  	v48 =	vld.idx.msk [tilespmem:v50+s2+$0x0], $0xffff  }
0x124: {  	v49 =	vor.u32 v17, v46  }
0x125: {  	v50 =	vor.u32 v18, v47;
	_ =	sdelay $0x3  }
0x126: {  	[tilespmem:v49+s23+$0x0] =	vst.idx.msk $0xffff, v48  }
0x127: {  	v48 =	vld.idx.msk [tilespmem:v50+s2+$0x0], $0xffff  }
0x128: {  	v49 =	vor.u32 v19, v46  }
0x129: {  	v50 =	vor.u32 v20, v47;
	_ =	sdelay $0x3  }
0x12a: {  	[tilespmem:v49+s23+$0x0] =	vst.idx.msk $0xffff, v48  }
0x12b: {  	v48 =	vld.idx.msk [tilespmem:v50+s2+$0x0], $0xffff  }
0x12c: {  	v49 =	vor.u32 v21, v46  }
0x12d: {  	v50 =	vor.u32 v22, v47;
	_ =	sdelay $0x3  }
0x12e: {  	[tilespmem:v49+s23+$0x0] =	vst.idx.msk $0xffff, v48  }
0x12f: {  	v48 =	vld.idx.msk [tilespmem:v50+s2+$0x0], $0xffff  }
0x130: {  	v49 =	vor.u32 v23, v46  }
0x131: {  	v50 =	vor.u32 v24, v47;
	_ =	sdelay $0x3  }
0x132: {  	[tilespmem:v49+s23+$0x0] =	vst.idx.msk $0xffff, v48  }
0x133: {  	v48 =	vld.idx.msk [tilespmem:v50+s2+$0x0], $0xffff  }
0x134: {  	v49 =	vor.u32 v25, v46  }
0x135: {  	v50 =	vor.u32 v26, v47;
	_ =	sdelay $0x3  }
0x136: {  	[tilespmem:v49+s23+$0x0] =	vst.idx.msk $0xffff, v48  }
0x137: {  	v48 =	vld.idx.msk [tilespmem:v50+s2+$0x0], $0xffff  }
0x138: {  	v49 =	vor.u32 v27, v46  }
0x139: {  	v50 =	vor.u32 v28, v47;
	_ =	sdelay $0x3  }
0x13a: {  	[tilespmem:v49+s23+$0x0] =	vst.idx.msk $0xffff, v48  }
0x13b: {  	v48 =	vld.idx.msk [tilespmem:v50+s2+$0x0], $0xffff  }
.Ltmp2:
0x13c: {  	v49 =	vor.u32 v29, v46;
	(pc) =	sbr.rel @p3 .LBB2_3-.Ltmp2, $2  }
0x13d: {  	v47 =	vor.u32 v30, v47;
	_ =	sdelay $0x2  }
0x13e: {  	s11 =	sadd.s32 $0x2, s11;
	v50 =	vmov s5  }
0x13f: {  	_ =	sdelay $0x2  }
0x140: {  	v51 =	vshll.u32 v50, $0x8;
	v41 =	vshll.u32 v50, $0x7  }
0x141: {  	[tilespmem:v49+s23+$0x0] =	vst.idx.msk $0xffff, v48;
	v42 =	vand.u32 $0x1800, v51;
	v43 =	vand.u32 $0x300, v41  }
0x142: {  	v46 =	vor.u32 v31, v46;
	v47 =	vld.idx.msk [tilespmem:v47+s2+$0x0], $0xffff;
	v48 =	vor.u32 v43, v42  }
0x143: {  	v49 =	vor.u32 v0, v48;
	_ =	sdelay $0x2  }
0x144: {  	v52 =	vadd.s32 s5, v0  }
0x145: {  	[tilespmem:v46+s23+$0x0] =	vst.idx.msk $0xffff, v47;
	v46 =	vand.u32 $0x1F, v52  }
0x146: {  	v53 =	vor.u32 v1, v46;
	v47 =	vld.idx.msk [tilespmem:v49+s2+$0x0], $0xffff  }
0x147: {  	v54 =	vor.u32 v2, v48;
	_ =	sdelay $0x3  }
0x148: {  	[tilespmem:v53+s23+$0x0] =	vst.idx.msk $0xffff, v47  }
0x149: {  	v55 =	vor.u32 v3, v46;
	v47 =	vld.idx.msk [tilespmem:v54+s2+$0x0], $0xffff  }
0x14a: {  	v37 =	vor.u32 v4, v48;
	_ =	sdelay $0x3  }
0x14b: {  	[tilespmem:v55+s23+$0x0] =	vst.idx.msk $0xffff, v47  }
0x14c: {  	v38 =	vor.u32 v5, v46;
	v47 =	vld.idx.msk [tilespmem:v37+s2+$0x0], $0xffff  }
0x14d: {  	v40 =	vor.u32 v6, v48;
	_ =	sdelay $0x3  }
0x14e: {  	[tilespmem:v38+s23+$0x0] =	vst.idx.msk $0xffff, v47  }
0x14f: {  	v41 =	vor.u32 v7, v46;
	v47 =	vld.idx.msk [tilespmem:v40+s2+$0x0], $0xffff  }
0x150: {  	v42 =	vor.u32 v8, v48;
	_ =	sdelay $0x3  }
0x151: {  	[tilespmem:v41+s23+$0x0] =	vst.idx.msk $0xffff, v47  }
0x152: {  	v43 =	vor.u32 v9, v46;
	v47 =	vld.idx.msk [tilespmem:v42+s2+$0x0], $0xffff  }
0x153: {  	v44 =	vor.u32 v10, v48;
	_ =	sdelay $0x3  }
0x154: {  	[tilespmem:v43+s23+$0x0] =	vst.idx.msk $0xffff, v47  }
0x155: {  	v45 =	vor.u32 v11, v46;
	v47 =	vld.idx.msk [tilespmem:v44+s2+$0x0], $0xffff  }
0x156: {  	v52 =	vor.u32 v12, v48;
	_ =	sdelay $0x3  }
0x157: {  	[tilespmem:v45+s23+$0x0] =	vst.idx.msk $0xffff, v47  }
0x158: {  	v53 =	vor.u32 v13, v46;
	v47 =	vld.idx.msk [tilespmem:v52+s2+$0x0], $0xffff  }
0x159: {  	v54 =	vor.u32 v14, v48;
	_ =	sdelay $0x3  }
0x15a: {  	[tilespmem:v53+s23+$0x0] =	vst.idx.msk $0xffff, v47  }
0x15b: {  	v55 =	vor.u32 v15, v46;
	v47 =	vld.idx.msk [tilespmem:v54+s2+$0x0], $0xffff  }
0x15c: {  	v37 =	vor.u32 v16, v48;
	_ =	sdelay $0x3  }
0x15d: {  	[tilespmem:v55+s23+$0x0] =	vst.idx.msk $0xffff, v47  }
0x15e: {  	v38 =	vor.u32 v17, v46;
	v47 =	vld.idx.msk [tilespmem:v37+s2+$0x0], $0xffff  }
0x15f: {  	v40 =	vor.u32 v18, v48;
	_ =	sdelay $0x3  }
0x160: {  	[tilespmem:v38+s23+$0x0] =	vst.idx.msk $0xffff, v47  }
0x161: {  	v41 =	vor.u32 v19, v46;
	v47 =	vld.idx.msk [tilespmem:v40+s2+$0x0], $0xffff  }
0x162: {  	v42 =	vor.u32 v20, v48;
	_ =	sdelay $0x3  }
0x163: {  	[tilespmem:v41+s23+$0x0] =	vst.idx.msk $0xffff, v47  }
0x164: {  	v43 =	vor.u32 v21, v46;
	v47 =	vld.idx.msk [tilespmem:v42+s2+$0x0], $0xffff  }
0x165: {  	v44 =	vor.u32 v22, v48;
	_ =	sdelay $0x3  }
0x166: {  	[tilespmem:v43+s23+$0x0] =	vst.idx.msk $0xffff, v47  }
0x167: {  	v45 =	vor.u32 v23, v46;
	v47 =	vld.idx.msk [tilespmem:v44+s2+$0x0], $0xffff  }
0x168: {  	v52 =	vor.u32 v24, v48;
	_ =	sdelay $0x3  }
0x169: {  	[tilespmem:v45+s23+$0x0] =	vst.idx.msk $0xffff, v47  }
0x16a: {  	v53 =	vor.u32 v25, v46;
	v47 =	vld.idx.msk [tilespmem:v52+s2+$0x0], $0xffff  }
0x16b: {  	v54 =	vor.u32 v26, v48;
	_ =	sdelay $0x3  }
0x16c: {  	[tilespmem:v53+s23+$0x0] =	vst.idx.msk $0xffff, v47  }
0x16d: {  	v55 =	vor.u32 v27, v46;
	v47 =	vld.idx.msk [tilespmem:v54+s2+$0x0], $0xffff  }
0x16e: {  	v37 =	vor.u32 v28, v48;
	_ =	sdelay $0x3  }
0x16f: {  	[tilespmem:v55+s23+$0x0] =	vst.idx.msk $0xffff, v47  }
0x170: {  	v38 =	vor.u32 v29, v46;
	v47 =	vld.idx.msk [tilespmem:v37+s2+$0x0], $0xffff  }
0x171: {  	v48 =	vor.u32 v30, v48  }
0x172: {  	s11 =	sadd.s32 $0x1, s5  }
0x173: {  	v40 =	vmov s11  }
0x174: {  	v50 =	vshll.u32 v40, $0x7;
	v41 =	vshll.u32 v40, $0x8  }
0x175: {  	v42 =	vand.u32 $0x1800, v41;
	v43 =	vand.u32 $0x380, v50;
	[tilespmem:v38+s23+$0x0] =	vst.idx.msk $0xffff, v47  }
0x176: {  	v46 =	vor.u32 v31, v46;
	v47 =	vor.u32 v43, v42;
	v48 =	vld.idx.msk [tilespmem:v48+s2+$0x0], $0xffff  }
0x177: {  	v49 =	vor.u32 v0, v47;
	_ =	sdelay $0x2  }
0x178: {  	v44 =	vadd.s32 s11, v0  }
0x179: {  	[tilespmem:v46+s23+$0x0] =	vst.idx.msk $0xffff, v48;
	v46 =	vand.u32 $0x1F, v44  }
0x17a: {  	v48 =	vld.idx.msk [tilespmem:v49+s2+$0x0], $0xffff;
	v45 =	vor.u32 v1, v46  }
0x17b: {  	v52 =	vor.u32 v2, v47;
	_ =	sdelay $0x3  }
0x17c: {  	[tilespmem:v45+s23+$0x0] =	vst.idx.msk $0xffff, v48  }
0x17d: {  	v53 =	vor.u32 v3, v46;
	v48 =	vld.idx.msk [tilespmem:v52+s2+$0x0], $0xffff  }
0x17e: {  	v54 =	vor.u32 v4, v47;
	_ =	sdelay $0x3  }
0x17f: {  	[tilespmem:v53+s23+$0x0] =	vst.idx.msk $0xffff, v48  }
0x180: {  	v55 =	vor.u32 v5, v46;
	v48 =	vld.idx.msk [tilespmem:v54+s2+$0x0], $0xffff  }
0x181: {  	v37 =	vor.u32 v6, v47;
	_ =	sdelay $0x3  }
0x182: {  	[tilespmem:v55+s23+$0x0] =	vst.idx.msk $0xffff, v48  }
0x183: {  	v38 =	vor.u32 v7, v46;
	v48 =	vld.idx.msk [tilespmem:v37+s2+$0x0], $0xffff  }
0x184: {  	v40 =	vor.u32 v8, v47;
	_ =	sdelay $0x3  }
0x185: {  	[tilespmem:v38+s23+$0x0] =	vst.idx.msk $0xffff, v48  }
0x186: {  	v41 =	vor.u32 v9, v46;
	v48 =	vld.idx.msk [tilespmem:v40+s2+$0x0], $0xffff  }
0x187: {  	v42 =	vor.u32 v10, v47;
	_ =	sdelay $0x3  }
0x188: {  	[tilespmem:v41+s23+$0x0] =	vst.idx.msk $0xffff, v48  }
0x189: {  	v43 =	vor.u32 v11, v46;
	v48 =	vld.idx.msk [tilespmem:v42+s2+$0x0], $0xffff  }
0x18a: {  	v44 =	vor.u32 v12, v47;
	_ =	sdelay $0x3  }
0x18b: {  	[tilespmem:v43+s23+$0x0] =	vst.idx.msk $0xffff, v48  }
0x18c: {  	v45 =	vor.u32 v13, v46;
	v48 =	vld.idx.msk [tilespmem:v44+s2+$0x0], $0xffff  }
0x18d: {  	v52 =	vor.u32 v14, v47;
	_ =	sdelay $0x3  }
0x18e: {  	[tilespmem:v45+s23+$0x0] =	vst.idx.msk $0xffff, v48  }
0x18f: {  	v53 =	vor.u32 v15, v46;
	v48 =	vld.idx.msk [tilespmem:v52+s2+$0x0], $0xffff  }
0x190: {  	v54 =	vor.u32 v16, v47;
	_ =	sdelay $0x3  }
0x191: {  	[tilespmem:v53+s23+$0x0] =	vst.idx.msk $0xffff, v48  }
0x192: {  	v55 =	vor.u32 v17, v46;
	v48 =	vld.idx.msk [tilespmem:v54+s2+$0x0], $0xffff  }
0x193: {  	v37 =	vor.u32 v18, v47;
	_ =	sdelay $0x3  }
0x194: {  	[tilespmem:v55+s23+$0x0] =	vst.idx.msk $0xffff, v48  }
0x195: {  	v38 =	vor.u32 v19, v46;
	v48 =	vld.idx.msk [tilespmem:v37+s2+$0x0], $0xffff  }
0x196: {  	v40 =	vor.u32 v20, v47;
	_ =	sdelay $0x3  }
0x197: {  	[tilespmem:v38+s23+$0x0] =	vst.idx.msk $0xffff, v48  }
0x198: {  	v41 =	vor.u32 v21, v46;
	v48 =	vld.idx.msk [tilespmem:v40+s2+$0x0], $0xffff  }
0x199: {  	v42 =	vor.u32 v22, v47;
	_ =	sdelay $0x3  }
0x19a: {  	[tilespmem:v41+s23+$0x0] =	vst.idx.msk $0xffff, v48  }
0x19b: {  	v43 =	vor.u32 v23, v46;
	v48 =	vld.idx.msk [tilespmem:v42+s2+$0x0], $0xffff  }
0x19c: {  	v44 =	vor.u32 v24, v47;
	_ =	sdelay $0x3  }
0x19d: {  	[tilespmem:v43+s23+$0x0] =	vst.idx.msk $0xffff, v48  }
0x19e: {  	v45 =	vor.u32 v25, v46;
	v48 =	vld.idx.msk [tilespmem:v44+s2+$0x0], $0xffff  }
0x19f: {  	v52 =	vor.u32 v26, v47;
	_ =	sdelay $0x3  }
0x1a0: {  	[tilespmem:v45+s23+$0x0] =	vst.idx.msk $0xffff, v48  }
0x1a1: {  	v53 =	vor.u32 v27, v46;
	v48 =	vld.idx.msk [tilespmem:v52+s2+$0x0], $0xffff  }
0x1a2: {  	v54 =	vor.u32 v28, v47;
	_ =	sdelay $0x3  }
0x1a3: {  	[tilespmem:v53+s23+$0x0] =	vst.idx.msk $0xffff, v48  }
0x1a4: {  	v55 =	vor.u32 v29, v46;
	v48 =	vld.idx.msk [tilespmem:v54+s2+$0x0], $0xffff  }
0x1a5: {  	v47 =	vor.u32 v30, v47;
	_ =	sdelay $0x3  }
0x1a6: {  	[tilespmem:v55+s23+$0x0] =	vst.idx.msk $0xffff, v48  }
0x1a7: {  	v46 =	vor.u32 v31, v46;
	v47 =	vld.idx.msk [tilespmem:v47+s2+$0x0], $0xffff  }
0x1a8: {  	p3 =	sne.s32 s29, $0x3C  }
.Ltmp3:
0x1a9: {  	_ = 	snop;
	(pc) =	sbr.rel @p3 .LBB2_6-.Ltmp3, $4  }
0x1aa: {  	_ = 	snop  }
0x1ab: {  	s5 =	sshll.u32 s29, $0x10  }
0x1ac: {  	s8 =	sadd.s32 s5, s7;
	[tilespmem:v46+s23+$0x0] =	vst.idx.msk $0xffff, v47  }
0x1ad: {  	[hbm4b:s8+s2] =	stream.linear.scatter [tilespmem:s23], [sflag:$0x3], $0x2000, $0x38;
	[tilespmem:$0x1CC00] =	vst v63  }
.Ltmp4:
0x1ae: {  	(pc) =	sbr.rel .LBB2_7-.Ltmp4, $4  }
0x1af: {  	_ = 	snop  }
0x1b0: {  	_ =	swait.ge [sflag:s24], $0x2000  }
0x1b1: {  	[sflag:s24] =	ssyncset.done $0x0  }
0x1b2: {  	[sflag:s24] =	ssyncadd.s32 $0xFFFFE000  }
.LBB2_6:
0x1b3: {  	s8 =	rddreg [dreg:$0x7]  }
.Ltmp5:
0x1b4: {  	s8 =	sadd.s32 s30, s8;
	(pc) =	sbr.rel @p2 .LBB2_8-.Ltmp5, $4  }
0x1b5: {  	[tilespmem:s2], [sflag:$0x1] =	stream.strided.gather [hbm4b:s8+s0], $0x2000, s19, s0, $0x38;
	[tilespmem:$0x1CC00] =	vst v63  }
0x1b6: {  	_ =	swait.ge [sflag:s24], $0x2000  }
0x1b7: {  	[sflag:s24] =	ssyncset.done $0x0  }
0x1b8: {  	[sflag:s24] =	ssyncadd.s32 $0xFFFFE000  }
.LBB2_7:
0x1b9: {  	_ =	swait.ge [sflag:s26], $0x2000  }
0x1ba: {  	[sflag:s26] =	ssyncset.done $0x0  }
0x1bb: {  	[sflag:s26] =	ssyncadd.s32 $0xFFFFE000  }
.LBB2_8:
0x1bc: {  	s8 =	simm.s32 $0x0  }
0x1bd: {  	v46 =	vmov s8  }
0x1be: {  	v47 =	vshll.u32 v46, $0x8;
	v46 =	vshll.u32 v46, $0x7  }
0x1bf: {  	v47 =	vand.u32 $0x1800, v47;
	v46 =	vand.u32 $0x300, v46  }
0x1c0: {  	v46 =	vor.u32 v46, v47  }
0x1c1: {  	v47 =	vor.u32 v0, v46;
	_ =	sdelay $0x2  }
0x1c2: {  	v48 =	vadd.s32 s8, v0  }
0x1c3: {  	v48 =	vand.u32 $0x1F, v48  }
0x1c4: {  	v49 =	vor.u32 v1, v48;
	v47 =	vld.idx.msk [tilespmem:v47+s21+$0x0], $0xffff  }
0x1c5: {  	v50 =	vor.u32 v2, v46;
	_ =	sdelay $0x3  }
0x1c6: {  	[tilespmem:v49+s28+$0x0] =	vst.idx.msk $0xffff, v47  }
0x1c7: {  	v37 =	vor.u32 v3, v48;
	v47 =	vld.idx.msk [tilespmem:v50+s21+$0x0], $0xffff  }
0x1c8: {  	v38 =	vor.u32 v4, v46;
	_ =	sdelay $0x3  }
0x1c9: {  	[tilespmem:v37+s28+$0x0] =	vst.idx.msk $0xffff, v47  }
0x1ca: {  	v40 =	vor.u32 v5, v48;
	v47 =	vld.idx.msk [tilespmem:v38+s21+$0x0], $0xffff  }
0x1cb: {  	v41 =	vor.u32 v6, v46;
	_ =	sdelay $0x3  }
0x1cc: {  	[tilespmem:v40+s28+$0x0] =	vst.idx.msk $0xffff, v47  }
0x1cd: {  	v42 =	vor.u32 v7, v48;
	v47 =	vld.idx.msk [tilespmem:v41+s21+$0x0], $0xffff  }
0x1ce: {  	v43 =	vor.u32 v8, v46;
	_ =	sdelay $0x3  }
0x1cf: {  	[tilespmem:v42+s28+$0x0] =	vst.idx.msk $0xffff, v47  }
0x1d0: {  	v44 =	vor.u32 v9, v48;
	v47 =	vld.idx.msk [tilespmem:v43+s21+$0x0], $0xffff  }
0x1d1: {  	v45 =	vor.u32 v10, v46;
	_ =	sdelay $0x3  }
0x1d2: {  	[tilespmem:v44+s28+$0x0] =	vst.idx.msk $0xffff, v47  }
0x1d3: {  	v52 =	vor.u32 v11, v48;
	v47 =	vld.idx.msk [tilespmem:v45+s21+$0x0], $0xffff  }
0x1d4: {  	v53 =	vor.u32 v12, v46;
	_ =	sdelay $0x3  }
0x1d5: {  	[tilespmem:v52+s28+$0x0] =	vst.idx.msk $0xffff, v47  }
0x1d6: {  	v54 =	vor.u32 v13, v48;
	v47 =	vld.idx.msk [tilespmem:v53+s21+$0x0], $0xffff  }
0x1d7: {  	v55 =	vor.u32 v14, v46;
	_ =	sdelay $0x3  }
0x1d8: {  	[tilespmem:v54+s28+$0x0] =	vst.idx.msk $0xffff, v47  }
0x1d9: {  	v37 =	vor.u32 v15, v48;
	v47 =	vld.idx.msk [tilespmem:v55+s21+$0x0], $0xffff  }
0x1da: {  	v38 =	vor.u32 v16, v46;
	_ =	sdelay $0x3  }
0x1db: {  	[tilespmem:v37+s28+$0x0] =	vst.idx.msk $0xffff, v47  }
0x1dc: {  	v40 =	vor.u32 v17, v48;
	v47 =	vld.idx.msk [tilespmem:v38+s21+$0x0], $0xffff  }
0x1dd: {  	v41 =	vor.u32 v18, v46;
	_ =	sdelay $0x3  }
0x1de: {  	[tilespmem:v40+s28+$0x0] =	vst.idx.msk $0xffff, v47  }
0x1df: {  	v42 =	vor.u32 v19, v48;
	v47 =	vld.idx.msk [tilespmem:v41+s21+$0x0], $0xffff  }
0x1e0: {  	v43 =	vor.u32 v20, v46;
	_ =	sdelay $0x3  }
0x1e1: {  	[tilespmem:v42+s28+$0x0] =	vst.idx.msk $0xffff, v47  }
0x1e2: {  	v44 =	vor.u32 v21, v48;
	v47 =	vld.idx.msk [tilespmem:v43+s21+$0x0], $0xffff  }
0x1e3: {  	v45 =	vor.u32 v22, v46;
	_ =	sdelay $0x3  }
0x1e4: {  	[tilespmem:v44+s28+$0x0] =	vst.idx.msk $0xffff, v47  }
0x1e5: {  	v52 =	vor.u32 v23, v48;
	v47 =	vld.idx.msk [tilespmem:v45+s21+$0x0], $0xffff  }
0x1e6: {  	v53 =	vor.u32 v24, v46;
	_ =	sdelay $0x3  }
0x1e7: {  	[tilespmem:v52+s28+$0x0] =	vst.idx.msk $0xffff, v47  }
0x1e8: {  	v54 =	vor.u32 v25, v48;
	v47 =	vld.idx.msk [tilespmem:v53+s21+$0x0], $0xffff  }
0x1e9: {  	v55 =	vor.u32 v26, v46;
	_ =	sdelay $0x3  }
0x1ea: {  	[tilespmem:v54+s28+$0x0] =	vst.idx.msk $0xffff, v47  }
0x1eb: {  	v37 =	vor.u32 v27, v48;
	v47 =	vld.idx.msk [tilespmem:v55+s21+$0x0], $0xffff  }
0x1ec: {  	v38 =	vor.u32 v28, v46;
	_ =	sdelay $0x3  }
0x1ed: {  	[tilespmem:v37+s28+$0x0] =	vst.idx.msk $0xffff, v47  }
0x1ee: {  	v40 =	vor.u32 v29, v48;
	v47 =	vld.idx.msk [tilespmem:v38+s21+$0x0], $0xffff  }
0x1ef: {  	v46 =	vor.u32 v30, v46  }
0x1f0: {  	s11 =	simm.s32 $0x1  }
0x1f1: {  	v41 =	vmov s11  }
0x1f2: {  	v51 =	vshll.u32 v41, $0x8;
	v50 =	vshll.u32 v41, $0x7  }
0x1f3: {  	v42 =	vand.u32 $0x1800, v51;
	v43 =	vand.u32 $0x380, v50;
	[tilespmem:v40+s28+$0x0] =	vst.idx.msk $0xffff, v47  }
0x1f4: {  	v48 =	vor.u32 v31, v48;
	v47 =	vor.u32 v43, v42;
	v46 =	vld.idx.msk [tilespmem:v46+s21+$0x0], $0xffff  }
0x1f5: {  	v49 =	vor.u32 v0, v47;
	_ =	sdelay $0x2  }
0x1f6: {  	v45 =	vadd.s32 s11, v0  }
0x1f7: {  	[tilespmem:v48+s28+$0x0] =	vst.idx.msk $0xffff, v46;
	v46 =	vand.u32 $0x1F, v45  }
0x1f8: {  	v48 =	vld.idx.msk [tilespmem:v49+s21+$0x0], $0xffff;
	v52 =	vor.u32 v1, v46  }
0x1f9: {  	v53 =	vor.u32 v2, v47;
	_ =	sdelay $0x3  }
0x1fa: {  	[tilespmem:v52+s28+$0x0] =	vst.idx.msk $0xffff, v48  }
0x1fb: {  	v54 =	vor.u32 v3, v46;
	v48 =	vld.idx.msk [tilespmem:v53+s21+$0x0], $0xffff  }
0x1fc: {  	v55 =	vor.u32 v4, v47;
	_ =	sdelay $0x3  }
0x1fd: {  	[tilespmem:v54+s28+$0x0] =	vst.idx.msk $0xffff, v48  }
0x1fe: {  	v37 =	vor.u32 v5, v46;
	v48 =	vld.idx.msk [tilespmem:v55+s21+$0x0], $0xffff  }
0x1ff: {  	v38 =	vor.u32 v6, v47;
	_ =	sdelay $0x3  }
0x200: {  	[tilespmem:v37+s28+$0x0] =	vst.idx.msk $0xffff, v48  }
0x201: {  	v40 =	vor.u32 v7, v46;
	v48 =	vld.idx.msk [tilespmem:v38+s21+$0x0], $0xffff  }
0x202: {  	v41 =	vor.u32 v8, v47;
	_ =	sdelay $0x3  }
0x203: {  	[tilespmem:v40+s28+$0x0] =	vst.idx.msk $0xffff, v48  }
0x204: {  	v42 =	vor.u32 v9, v46;
	v48 =	vld.idx.msk [tilespmem:v41+s21+$0x0], $0xffff  }
0x205: {  	v43 =	vor.u32 v10, v47;
	_ =	sdelay $0x3  }
0x206: {  	[tilespmem:v42+s28+$0x0] =	vst.idx.msk $0xffff, v48  }
0x207: {  	v44 =	vor.u32 v11, v46;
	v48 =	vld.idx.msk [tilespmem:v43+s21+$0x0], $0xffff  }
0x208: {  	v45 =	vor.u32 v12, v47;
	_ =	sdelay $0x3  }
0x209: {  	[tilespmem:v44+s28+$0x0] =	vst.idx.msk $0xffff, v48  }
0x20a: {  	v52 =	vor.u32 v13, v46;
	v48 =	vld.idx.msk [tilespmem:v45+s21+$0x0], $0xffff  }
0x20b: {  	v53 =	vor.u32 v14, v47;
	_ =	sdelay $0x3  }
0x20c: {  	[tilespmem:v52+s28+$0x0] =	vst.idx.msk $0xffff, v48  }
0x20d: {  	v54 =	vor.u32 v15, v46;
	v48 =	vld.idx.msk [tilespmem:v53+s21+$0x0], $0xffff  }
0x20e: {  	v55 =	vor.u32 v16, v47;
	_ =	sdelay $0x3  }
0x20f: {  	[tilespmem:v54+s28+$0x0] =	vst.idx.msk $0xffff, v48  }
0x210: {  	v37 =	vor.u32 v17, v46;
	v48 =	vld.idx.msk [tilespmem:v55+s21+$0x0], $0xffff  }
0x211: {  	v38 =	vor.u32 v18, v47;
	_ =	sdelay $0x3  }
0x212: {  	[tilespmem:v37+s28+$0x0] =	vst.idx.msk $0xffff, v48  }
0x213: {  	v40 =	vor.u32 v19, v46;
	v48 =	vld.idx.msk [tilespmem:v38+s21+$0x0], $0xffff  }
0x214: {  	v41 =	vor.u32 v20, v47;
	_ =	sdelay $0x3  }
0x215: {  	[tilespmem:v40+s28+$0x0] =	vst.idx.msk $0xffff, v48  }
0x216: {  	v42 =	vor.u32 v21, v46;
	v48 =	vld.idx.msk [tilespmem:v41+s21+$0x0], $0xffff  }
0x217: {  	v43 =	vor.u32 v22, v47;
	_ =	sdelay $0x3  }
0x218: {  	[tilespmem:v42+s28+$0x0] =	vst.idx.msk $0xffff, v48  }
0x219: {  	v44 =	vor.u32 v23, v46;
	v48 =	vld.idx.msk [tilespmem:v43+s21+$0x0], $0xffff  }
0x21a: {  	v45 =	vor.u32 v24, v47;
	_ =	sdelay $0x3  }
0x21b: {  	[tilespmem:v44+s28+$0x0] =	vst.idx.msk $0xffff, v48  }
0x21c: {  	v52 =	vor.u32 v25, v46;
	v48 =	vld.idx.msk [tilespmem:v45+s21+$0x0], $0xffff  }
0x21d: {  	v53 =	vor.u32 v26, v47;
	_ =	sdelay $0x3  }
0x21e: {  	[tilespmem:v52+s28+$0x0] =	vst.idx.msk $0xffff, v48  }
0x21f: {  	v54 =	vor.u32 v27, v46;
	v48 =	vld.idx.msk [tilespmem:v53+s21+$0x0], $0xffff  }
0x220: {  	v55 =	vor.u32 v28, v47;
	_ =	sdelay $0x3  }
0x221: {  	[tilespmem:v54+s28+$0x0] =	vst.idx.msk $0xffff, v48  }
0x222: {  	v49 =	vor.u32 v29, v46;
	v48 =	vld.idx.msk [tilespmem:v55+s21+$0x0], $0xffff  }
0x223: {  	v47 =	vor.u32 v30, v47;
	_ =	sdelay $0x1  }
0x224: {  	s11 =	simm.s32 $0x2  }
0x225: {  	s8 =	simm.s32 $0x4;
	v50 =	vmov s11  }
.LBB2_9:
0x226: {  	p2 =	sne.s32 s8, $0x1E;
	v51 =	vshll.u32 v50, $0x8;
	v50 =	vshll.u32 v50, $0x7;
	[tilespmem:v49+s28+$0x0] =	vst.idx.msk $0xffff, v48  }
0x227: {  	v48 =	vand.u32 $0x1800, v51;
	v49 =	vand.u32 $0x300, v50;
	v50 =	vld.idx.msk [tilespmem:v47+s21+$0x0], $0xffff  }
0x228: {  	v46 =	vor.u32 v31, v46;
	v47 =	vor.u32 v49, v48  }
0x229: {  	v48 =	vor.u32 v0, v47;
	_ =	sdelay $0x3  }
0x22a: {  	v49 =	vadd.s32 s11, v0;
	[tilespmem:v46+s28+$0x0] =	vst.idx.msk $0xffff, v50  }
0x22b: {  	v46 =	vand.u32 $0x1F, v49;
	v48 =	vld.idx.msk [tilespmem:v48+s21+$0x0], $0xffff  }
0x22c: {  	v49 =	vor.u32 v1, v46  }
0x22d: {  	v50 =	vor.u32 v2, v47;
	_ =	sdelay $0x3  }
0x22e: {  	[tilespmem:v49+s28+$0x0] =	vst.idx.msk $0xffff, v48  }
0x22f: {  	v48 =	vld.idx.msk [tilespmem:v50+s21+$0x0], $0xffff  }
0x230: {  	v49 =	vor.u32 v3, v46  }
0x231: {  	v50 =	vor.u32 v4, v47;
	_ =	sdelay $0x3  }
0x232: {  	[tilespmem:v49+s28+$0x0] =	vst.idx.msk $0xffff, v48  }
0x233: {  	v48 =	vld.idx.msk [tilespmem:v50+s21+$0x0], $0xffff  }
0x234: {  	v49 =	vor.u32 v5, v46  }
0x235: {  	v50 =	vor.u32 v6, v47;
	_ =	sdelay $0x3  }
0x236: {  	[tilespmem:v49+s28+$0x0] =	vst.idx.msk $0xffff, v48  }
0x237: {  	v48 =	vld.idx.msk [tilespmem:v50+s21+$0x0], $0xffff  }
0x238: {  	v49 =	vor.u32 v7, v46  }
0x239: {  	v50 =	vor.u32 v8, v47;
	_ =	sdelay $0x3  }
0x23a: {  	[tilespmem:v49+s28+$0x0] =	vst.idx.msk $0xffff, v48  }
0x23b: {  	v48 =	vld.idx.msk [tilespmem:v50+s21+$0x0], $0xffff  }
0x23c: {  	v49 =	vor.u32 v9, v46  }
0x23d: {  	v50 =	vor.u32 v10, v47;
	_ =	sdelay $0x3  }
0x23e: {  	[tilespmem:v49+s28+$0x0] =	vst.idx.msk $0xffff, v48  }
0x23f: {  	v48 =	vld.idx.msk [tilespmem:v50+s21+$0x0], $0xffff  }
0x240: {  	v49 =	vor.u32 v11, v46  }
0x241: {  	v50 =	vor.u32 v12, v47;
	_ =	sdelay $0x3  }
0x242: {  	[tilespmem:v49+s28+$0x0] =	vst.idx.msk $0xffff, v48  }
0x243: {  	v48 =	vld.idx.msk [tilespmem:v50+s21+$0x0], $0xffff  }
0x244: {  	v49 =	vor.u32 v13, v46  }
0x245: {  	v50 =	vor.u32 v14, v47;
	_ =	sdelay $0x3  }
0x246: {  	[tilespmem:v49+s28+$0x0] =	vst.idx.msk $0xffff, v48  }
0x247: {  	v48 =	vld.idx.msk [tilespmem:v50+s21+$0x0], $0xffff  }
0x248: {  	v49 =	vor.u32 v15, v46  }
0x249: {  	v50 =	vor.u32 v16, v47;
	_ =	sdelay $0x3  }
0x24a: {  	[tilespmem:v49+s28+$0x0] =	vst.idx.msk $0xffff, v48  }
0x24b: {  	v48 =	vld.idx.msk [tilespmem:v50+s21+$0x0], $0xffff  }
0x24c: {  	v49 =	vor.u32 v17, v46  }
0x24d: {  	v50 =	vor.u32 v18, v47;
	_ =	sdelay $0x3  }
0x24e: {  	[tilespmem:v49+s28+$0x0] =	vst.idx.msk $0xffff, v48  }
0x24f: {  	v48 =	vld.idx.msk [tilespmem:v50+s21+$0x0], $0xffff  }
0x250: {  	v49 =	vor.u32 v19, v46  }
0x251: {  	v50 =	vor.u32 v20, v47;
	_ =	sdelay $0x3  }
0x252: {  	[tilespmem:v49+s28+$0x0] =	vst.idx.msk $0xffff, v48  }
0x253: {  	v48 =	vld.idx.msk [tilespmem:v50+s21+$0x0], $0xffff  }
0x254: {  	v49 =	vor.u32 v21, v46  }
0x255: {  	v50 =	vor.u32 v22, v47;
	_ =	sdelay $0x3  }
0x256: {  	[tilespmem:v49+s28+$0x0] =	vst.idx.msk $0xffff, v48  }
0x257: {  	v48 =	vld.idx.msk [tilespmem:v50+s21+$0x0], $0xffff  }
0x258: {  	v49 =	vor.u32 v23, v46  }
0x259: {  	v50 =	vor.u32 v24, v47;
	_ =	sdelay $0x3  }
0x25a: {  	[tilespmem:v49+s28+$0x0] =	vst.idx.msk $0xffff, v48  }
0x25b: {  	v48 =	vld.idx.msk [tilespmem:v50+s21+$0x0], $0xffff  }
0x25c: {  	v49 =	vor.u32 v25, v46  }
0x25d: {  	v50 =	vor.u32 v26, v47;
	_ =	sdelay $0x3  }
0x25e: {  	[tilespmem:v49+s28+$0x0] =	vst.idx.msk $0xffff, v48  }
0x25f: {  	v48 =	vld.idx.msk [tilespmem:v50+s21+$0x0], $0xffff  }
0x260: {  	v49 =	vor.u32 v27, v46  }
0x261: {  	v50 =	vor.u32 v28, v47;
	_ =	sdelay $0x3  }
0x262: {  	[tilespmem:v49+s28+$0x0] =	vst.idx.msk $0xffff, v48  }
0x263: {  	v48 =	vld.idx.msk [tilespmem:v50+s21+$0x0], $0xffff  }
0x264: {  	v49 =	vor.u32 v29, v46  }
0x265: {  	v47 =	vor.u32 v30, v47;
	_ =	sdelay $0x1  }
0x266: {  	s9 =	sadd.s32 $0x1, s11;
	s11 =	smov.u32 s8  }
0x267: {  	v50 =	vmov s9  }
0x268: {  	[tilespmem:v49+s28+$0x0] =	vst.idx.msk $0xffff, v48;
	v48 =	vshll.u32 v50, $0x8;
	v49 =	vshll.u32 v50, $0x7  }
0x269: {  	v50 =	vld.idx.msk [tilespmem:v47+s21+$0x0], $0xffff;
	v47 =	vand.u32 $0x1800, v48;
	v48 =	vand.u32 $0x380, v49  }
0x26a: {  	v46 =	vor.u32 v31, v46;
	v47 =	vor.u32 v48, v47  }
0x26b: {  	v48 =	vor.u32 v0, v47;
	_ =	sdelay $0x3  }
0x26c: {  	[tilespmem:v46+s28+$0x0] =	vst.idx.msk $0xffff, v50;
	v46 =	vadd.s32 s9, v0  }
0x26d: {  	v46 =	vand.u32 $0x1F, v46;
	v48 =	vld.idx.msk [tilespmem:v48+s21+$0x0], $0xffff  }
0x26e: {  	v49 =	vor.u32 v1, v46  }
0x26f: {  	v50 =	vor.u32 v2, v47;
	_ =	sdelay $0x3  }
0x270: {  	[tilespmem:v49+s28+$0x0] =	vst.idx.msk $0xffff, v48  }
0x271: {  	v48 =	vld.idx.msk [tilespmem:v50+s21+$0x0], $0xffff  }
0x272: {  	v49 =	vor.u32 v3, v46  }
0x273: {  	v50 =	vor.u32 v4, v47;
	_ =	sdelay $0x3  }
0x274: {  	[tilespmem:v49+s28+$0x0] =	vst.idx.msk $0xffff, v48  }
0x275: {  	v48 =	vld.idx.msk [tilespmem:v50+s21+$0x0], $0xffff  }
0x276: {  	v49 =	vor.u32 v5, v46  }
0x277: {  	v50 =	vor.u32 v6, v47;
	_ =	sdelay $0x3  }
0x278: {  	[tilespmem:v49+s28+$0x0] =	vst.idx.msk $0xffff, v48  }
0x279: {  	v48 =	vld.idx.msk [tilespmem:v50+s21+$0x0], $0xffff  }
0x27a: {  	v49 =	vor.u32 v7, v46  }
0x27b: {  	v50 =	vor.u32 v8, v47;
	_ =	sdelay $0x3  }
0x27c: {  	[tilespmem:v49+s28+$0x0] =	vst.idx.msk $0xffff, v48  }
0x27d: {  	v48 =	vld.idx.msk [tilespmem:v50+s21+$0x0], $0xffff  }
0x27e: {  	v49 =	vor.u32 v9, v46  }
0x27f: {  	v50 =	vor.u32 v10, v47;
	_ =	sdelay $0x3  }
0x280: {  	[tilespmem:v49+s28+$0x0] =	vst.idx.msk $0xffff, v48  }
0x281: {  	v48 =	vld.idx.msk [tilespmem:v50+s21+$0x0], $0xffff  }
0x282: {  	v49 =	vor.u32 v11, v46  }
0x283: {  	v50 =	vor.u32 v12, v47;
	_ =	sdelay $0x3  }
0x284: {  	[tilespmem:v49+s28+$0x0] =	vst.idx.msk $0xffff, v48  }
0x285: {  	v48 =	vld.idx.msk [tilespmem:v50+s21+$0x0], $0xffff  }
0x286: {  	v49 =	vor.u32 v13, v46  }
0x287: {  	v50 =	vor.u32 v14, v47;
	_ =	sdelay $0x3  }
0x288: {  	[tilespmem:v49+s28+$0x0] =	vst.idx.msk $0xffff, v48  }
0x289: {  	v48 =	vld.idx.msk [tilespmem:v50+s21+$0x0], $0xffff  }
0x28a: {  	v49 =	vor.u32 v15, v46  }
0x28b: {  	v50 =	vor.u32 v16, v47;
	_ =	sdelay $0x3  }
0x28c: {  	[tilespmem:v49+s28+$0x0] =	vst.idx.msk $0xffff, v48  }
0x28d: {  	v48 =	vld.idx.msk [tilespmem:v50+s21+$0x0], $0xffff  }
0x28e: {  	v49 =	vor.u32 v17, v46  }
0x28f: {  	v50 =	vor.u32 v18, v47;
	_ =	sdelay $0x3  }
0x290: {  	[tilespmem:v49+s28+$0x0] =	vst.idx.msk $0xffff, v48  }
0x291: {  	v48 =	vld.idx.msk [tilespmem:v50+s21+$0x0], $0xffff  }
0x292: {  	v49 =	vor.u32 v19, v46  }
0x293: {  	v50 =	vor.u32 v20, v47;
	_ =	sdelay $0x3  }
0x294: {  	[tilespmem:v49+s28+$0x0] =	vst.idx.msk $0xffff, v48  }
0x295: {  	v48 =	vld.idx.msk [tilespmem:v50+s21+$0x0], $0xffff  }
0x296: {  	v49 =	vor.u32 v21, v46  }
0x297: {  	v50 =	vor.u32 v22, v47;
	_ =	sdelay $0x3  }
0x298: {  	[tilespmem:v49+s28+$0x0] =	vst.idx.msk $0xffff, v48  }
0x299: {  	v48 =	vld.idx.msk [tilespmem:v50+s21+$0x0], $0xffff  }
0x29a: {  	v49 =	vor.u32 v23, v46  }
0x29b: {  	v50 =	vor.u32 v24, v47;
	_ =	sdelay $0x3  }
0x29c: {  	[tilespmem:v49+s28+$0x0] =	vst.idx.msk $0xffff, v48  }
0x29d: {  	v48 =	vld.idx.msk [tilespmem:v50+s21+$0x0], $0xffff  }
0x29e: {  	v49 =	vor.u32 v25, v46  }
0x29f: {  	v50 =	vor.u32 v26, v47;
	_ =	sdelay $0x3  }
0x2a0: {  	[tilespmem:v49+s28+$0x0] =	vst.idx.msk $0xffff, v48  }
0x2a1: {  	v48 =	vld.idx.msk [tilespmem:v50+s21+$0x0], $0xffff  }
0x2a2: {  	v49 =	vor.u32 v27, v46  }
0x2a3: {  	v50 =	vor.u32 v28, v47;
	_ =	sdelay $0x3  }
0x2a4: {  	[tilespmem:v49+s28+$0x0] =	vst.idx.msk $0xffff, v48  }
0x2a5: {  	v48 =	vld.idx.msk [tilespmem:v50+s21+$0x0], $0xffff  }
.Ltmp6:
0x2a6: {  	v49 =	vor.u32 v29, v46;
	(pc) =	sbr.rel @p2 .LBB2_9-.Ltmp6, $2  }
0x2a7: {  	v47 =	vor.u32 v30, v47;
	_ =	sdelay $0x2  }
0x2a8: {  	s8 =	sadd.s32 $0x2, s8;
	v50 =	vmov s11  }
0x2a9: {  	_ =	sdelay $0x2  }
0x2aa: {  	v51 =	vshll.u32 v50, $0x8;
	v41 =	vshll.u32 v50, $0x7  }
0x2ab: {  	[tilespmem:v49+s28+$0x0] =	vst.idx.msk $0xffff, v48;
	v42 =	vand.u32 $0x1800, v51;
	v43 =	vand.u32 $0x300, v41  }
0x2ac: {  	v46 =	vor.u32 v31, v46;
	v47 =	vld.idx.msk [tilespmem:v47+s21+$0x0], $0xffff;
	v48 =	vor.u32 v43, v42  }
0x2ad: {  	v49 =	vor.u32 v0, v48;
	_ =	sdelay $0x2  }
0x2ae: {  	v52 =	vadd.s32 s11, v0  }
0x2af: {  	[tilespmem:v46+s28+$0x0] =	vst.idx.msk $0xffff, v47;
	v46 =	vand.u32 $0x1F, v52  }
0x2b0: {  	v53 =	vor.u32 v1, v46;
	v47 =	vld.idx.msk [tilespmem:v49+s21+$0x0], $0xffff  }
0x2b1: {  	v54 =	vor.u32 v2, v48;
	_ =	sdelay $0x3  }
0x2b2: {  	[tilespmem:v53+s28+$0x0] =	vst.idx.msk $0xffff, v47  }
0x2b3: {  	v55 =	vor.u32 v3, v46;
	v47 =	vld.idx.msk [tilespmem:v54+s21+$0x0], $0xffff  }
0x2b4: {  	v37 =	vor.u32 v4, v48;
	_ =	sdelay $0x3  }
0x2b5: {  	[tilespmem:v55+s28+$0x0] =	vst.idx.msk $0xffff, v47  }
0x2b6: {  	v38 =	vor.u32 v5, v46;
	v47 =	vld.idx.msk [tilespmem:v37+s21+$0x0], $0xffff  }
0x2b7: {  	v40 =	vor.u32 v6, v48;
	_ =	sdelay $0x3  }
0x2b8: {  	[tilespmem:v38+s28+$0x0] =	vst.idx.msk $0xffff, v47  }
0x2b9: {  	v41 =	vor.u32 v7, v46;
	v47 =	vld.idx.msk [tilespmem:v40+s21+$0x0], $0xffff  }
0x2ba: {  	v42 =	vor.u32 v8, v48;
	_ =	sdelay $0x3  }
0x2bb: {  	[tilespmem:v41+s28+$0x0] =	vst.idx.msk $0xffff, v47  }
0x2bc: {  	v43 =	vor.u32 v9, v46;
	v47 =	vld.idx.msk [tilespmem:v42+s21+$0x0], $0xffff  }
0x2bd: {  	v44 =	vor.u32 v10, v48;
	_ =	sdelay $0x3  }
0x2be: {  	[tilespmem:v43+s28+$0x0] =	vst.idx.msk $0xffff, v47  }
0x2bf: {  	v45 =	vor.u32 v11, v46;
	v47 =	vld.idx.msk [tilespmem:v44+s21+$0x0], $0xffff  }
0x2c0: {  	v52 =	vor.u32 v12, v48;
	_ =	sdelay $0x3  }
0x2c1: {  	[tilespmem:v45+s28+$0x0] =	vst.idx.msk $0xffff, v47  }
0x2c2: {  	v53 =	vor.u32 v13, v46;
	v47 =	vld.idx.msk [tilespmem:v52+s21+$0x0], $0xffff  }
0x2c3: {  	v54 =	vor.u32 v14, v48;
	_ =	sdelay $0x3  }
0x2c4: {  	[tilespmem:v53+s28+$0x0] =	vst.idx.msk $0xffff, v47  }
0x2c5: {  	v55 =	vor.u32 v15, v46;
	v47 =	vld.idx.msk [tilespmem:v54+s21+$0x0], $0xffff  }
0x2c6: {  	v37 =	vor.u32 v16, v48;
	_ =	sdelay $0x3  }
0x2c7: {  	[tilespmem:v55+s28+$0x0] =	vst.idx.msk $0xffff, v47  }
0x2c8: {  	v38 =	vor.u32 v17, v46;
	v47 =	vld.idx.msk [tilespmem:v37+s21+$0x0], $0xffff  }
0x2c9: {  	v40 =	vor.u32 v18, v48;
	_ =	sdelay $0x3  }
0x2ca: {  	[tilespmem:v38+s28+$0x0] =	vst.idx.msk $0xffff, v47  }
0x2cb: {  	v41 =	vor.u32 v19, v46;
	v47 =	vld.idx.msk [tilespmem:v40+s21+$0x0], $0xffff  }
0x2cc: {  	v42 =	vor.u32 v20, v48;
	_ =	sdelay $0x3  }
0x2cd: {  	[tilespmem:v41+s28+$0x0] =	vst.idx.msk $0xffff, v47  }
0x2ce: {  	v43 =	vor.u32 v21, v46;
	v47 =	vld.idx.msk [tilespmem:v42+s21+$0x0], $0xffff  }
0x2cf: {  	v44 =	vor.u32 v22, v48;
	_ =	sdelay $0x3  }
0x2d0: {  	[tilespmem:v43+s28+$0x0] =	vst.idx.msk $0xffff, v47  }
0x2d1: {  	v45 =	vor.u32 v23, v46;
	v47 =	vld.idx.msk [tilespmem:v44+s21+$0x0], $0xffff  }
0x2d2: {  	v52 =	vor.u32 v24, v48;
	_ =	sdelay $0x3  }
0x2d3: {  	[tilespmem:v45+s28+$0x0] =	vst.idx.msk $0xffff, v47  }
0x2d4: {  	v53 =	vor.u32 v25, v46;
	v47 =	vld.idx.msk [tilespmem:v52+s21+$0x0], $0xffff  }
0x2d5: {  	v54 =	vor.u32 v26, v48;
	_ =	sdelay $0x3  }
0x2d6: {  	[tilespmem:v53+s28+$0x0] =	vst.idx.msk $0xffff, v47  }
0x2d7: {  	v55 =	vor.u32 v27, v46;
	v47 =	vld.idx.msk [tilespmem:v54+s21+$0x0], $0xffff  }
0x2d8: {  	v37 =	vor.u32 v28, v48;
	_ =	sdelay $0x3  }
0x2d9: {  	[tilespmem:v55+s28+$0x0] =	vst.idx.msk $0xffff, v47  }
0x2da: {  	v38 =	vor.u32 v29, v46;
	v47 =	vld.idx.msk [tilespmem:v37+s21+$0x0], $0xffff  }
0x2db: {  	v48 =	vor.u32 v30, v48  }
0x2dc: {  	s8 =	sadd.s32 $0x1, s11  }
0x2dd: {  	v40 =	vmov s8  }
0x2de: {  	v50 =	vshll.u32 v40, $0x7;
	v41 =	vshll.u32 v40, $0x8  }
0x2df: {  	v42 =	vand.u32 $0x1800, v41;
	v43 =	vand.u32 $0x380, v50;
	[tilespmem:v38+s28+$0x0] =	vst.idx.msk $0xffff, v47  }
0x2e0: {  	v46 =	vor.u32 v31, v46;
	v47 =	vor.u32 v43, v42;
	v48 =	vld.idx.msk [tilespmem:v48+s21+$0x0], $0xffff  }
0x2e1: {  	v49 =	vor.u32 v0, v47;
	_ =	sdelay $0x2  }
0x2e2: {  	v44 =	vadd.s32 s8, v0  }
0x2e3: {  	[tilespmem:v46+s28+$0x0] =	vst.idx.msk $0xffff, v48;
	v46 =	vand.u32 $0x1F, v44  }
0x2e4: {  	v48 =	vld.idx.msk [tilespmem:v49+s21+$0x0], $0xffff;
	v45 =	vor.u32 v1, v46  }
0x2e5: {  	v52 =	vor.u32 v2, v47;
	_ =	sdelay $0x3  }
0x2e6: {  	[tilespmem:v45+s28+$0x0] =	vst.idx.msk $0xffff, v48  }
0x2e7: {  	v53 =	vor.u32 v3, v46;
	v48 =	vld.idx.msk [tilespmem:v52+s21+$0x0], $0xffff  }
0x2e8: {  	v54 =	vor.u32 v4, v47;
	_ =	sdelay $0x3  }
0x2e9: {  	[tilespmem:v53+s28+$0x0] =	vst.idx.msk $0xffff, v48  }
0x2ea: {  	v55 =	vor.u32 v5, v46;
	v48 =	vld.idx.msk [tilespmem:v54+s21+$0x0], $0xffff  }
0x2eb: {  	v37 =	vor.u32 v6, v47;
	_ =	sdelay $0x3  }
0x2ec: {  	[tilespmem:v55+s28+$0x0] =	vst.idx.msk $0xffff, v48  }
0x2ed: {  	v38 =	vor.u32 v7, v46;
	v48 =	vld.idx.msk [tilespmem:v37+s21+$0x0], $0xffff  }
0x2ee: {  	v40 =	vor.u32 v8, v47;
	_ =	sdelay $0x3  }
0x2ef: {  	[tilespmem:v38+s28+$0x0] =	vst.idx.msk $0xffff, v48  }
0x2f0: {  	v41 =	vor.u32 v9, v46;
	v48 =	vld.idx.msk [tilespmem:v40+s21+$0x0], $0xffff  }
0x2f1: {  	v42 =	vor.u32 v10, v47;
	_ =	sdelay $0x3  }
0x2f2: {  	[tilespmem:v41+s28+$0x0] =	vst.idx.msk $0xffff, v48  }
0x2f3: {  	v43 =	vor.u32 v11, v46;
	v48 =	vld.idx.msk [tilespmem:v42+s21+$0x0], $0xffff  }
0x2f4: {  	v44 =	vor.u32 v12, v47;
	_ =	sdelay $0x3  }
0x2f5: {  	[tilespmem:v43+s28+$0x0] =	vst.idx.msk $0xffff, v48  }
0x2f6: {  	v45 =	vor.u32 v13, v46;
	v48 =	vld.idx.msk [tilespmem:v44+s21+$0x0], $0xffff  }
0x2f7: {  	v52 =	vor.u32 v14, v47;
	_ =	sdelay $0x3  }
0x2f8: {  	[tilespmem:v45+s28+$0x0] =	vst.idx.msk $0xffff, v48  }
0x2f9: {  	v53 =	vor.u32 v15, v46;
	v48 =	vld.idx.msk [tilespmem:v52+s21+$0x0], $0xffff  }
0x2fa: {  	v54 =	vor.u32 v16, v47;
	_ =	sdelay $0x3  }
0x2fb: {  	[tilespmem:v53+s28+$0x0] =	vst.idx.msk $0xffff, v48  }
0x2fc: {  	v55 =	vor.u32 v17, v46;
	v48 =	vld.idx.msk [tilespmem:v54+s21+$0x0], $0xffff  }
0x2fd: {  	v37 =	vor.u32 v18, v47;
	_ =	sdelay $0x3  }
0x2fe: {  	[tilespmem:v55+s28+$0x0] =	vst.idx.msk $0xffff, v48  }
0x2ff: {  	v38 =	vor.u32 v19, v46;
	v48 =	vld.idx.msk [tilespmem:v37+s21+$0x0], $0xffff  }
0x300: {  	v40 =	vor.u32 v20, v47;
	_ =	sdelay $0x3  }
0x301: {  	[tilespmem:v38+s28+$0x0] =	vst.idx.msk $0xffff, v48  }
0x302: {  	v41 =	vor.u32 v21, v46;
	v48 =	vld.idx.msk [tilespmem:v40+s21+$0x0], $0xffff  }
0x303: {  	v42 =	vor.u32 v22, v47;
	_ =	sdelay $0x3  }
0x304: {  	[tilespmem:v41+s28+$0x0] =	vst.idx.msk $0xffff, v48  }
0x305: {  	v43 =	vor.u32 v23, v46;
	v48 =	vld.idx.msk [tilespmem:v42+s21+$0x0], $0xffff  }
0x306: {  	v44 =	vor.u32 v24, v47;
	_ =	sdelay $0x3  }
0x307: {  	[tilespmem:v43+s28+$0x0] =	vst.idx.msk $0xffff, v48  }
0x308: {  	v45 =	vor.u32 v25, v46;
	v48 =	vld.idx.msk [tilespmem:v44+s21+$0x0], $0xffff  }
0x309: {  	v52 =	vor.u32 v26, v47;
	_ =	sdelay $0x3  }
0x30a: {  	[tilespmem:v45+s28+$0x0] =	vst.idx.msk $0xffff, v48  }
0x30b: {  	v53 =	vor.u32 v27, v46;
	v48 =	vld.idx.msk [tilespmem:v52+s21+$0x0], $0xffff  }
0x30c: {  	v54 =	vor.u32 v28, v47;
	_ =	sdelay $0x3  }
0x30d: {  	[tilespmem:v53+s28+$0x0] =	vst.idx.msk $0xffff, v48  }
0x30e: {  	v55 =	vor.u32 v29, v46;
	v48 =	vld.idx.msk [tilespmem:v54+s21+$0x0], $0xffff  }
0x30f: {  	v47 =	vor.u32 v30, v47;
	_ =	sdelay $0x3  }
0x310: {  	[tilespmem:v55+s28+$0x0] =	vst.idx.msk $0xffff, v48  }
0x311: {  	v46 =	vor.u32 v31, v46;
	v47 =	vld.idx.msk [tilespmem:v47+s21+$0x0], $0xffff  }
0x312: {  	p2 =	seq.s32 s29, $0x3C  }
.Ltmp7:
0x313: {  	_ = 	snop;
	(pc) =	sbr.rel @p2 .LBB2_12-.Ltmp7, $4  }
0x314: {  	_ = 	snop  }
0x315: {  	s5 =	sor.u32 s18, s5  }
0x316: {  	s5 =	sadd.s32 s4, s5;
	[tilespmem:v46+s28+$0x0] =	vst.idx.msk $0xffff, v47  }
0x317: {  	[hbm4b:s5+s2] =	stream.linear.scatter [tilespmem:s28], [sflag:$0x4], $0x2000, $0x38;
	[tilespmem:$0x1CC00] =	vst v63  }
.Ltmp8:
0x318: {  	(pc) =	sbr.rel .LBB2_2-.Ltmp8, $3  }
0x319: {  	_ =	sdelay $0x1  }
0x31a: {  	s5 =	sadd.s32 s30, s20;
	s29 =	sadd.s32 $0x1, s29  }
0x31b: {  	[tilespmem:s21], [sflag:$0x2] =	stream.strided.gather [hbm4b:s5+s0], $0x2000, s19, s0, $0x38;
	[tilespmem:$0x1CC00] =	vst v63  }
.LBB2_12:
0x31c: {  	s0 =	simm.s32 $0x3  }
0x31d: {  	_ =	swait.ge [sflag:s0], $0x2000  }
.Ltmp9:
0x31e: {  	[sflag:s0] =	ssyncset.done $0x0;
	(pc) =	sbr.rel @p0 .LBB2_16-.Ltmp9, $4  }
0x31f: {  	[sflag:s0] =	ssyncadd.s32 $0xFFFFE000  }
0x320: {  	_ =	swait.ge [sflag:s26], $0x2000  }
0x321: {  	[sflag:s26] =	ssyncset.done $0x0  }
0x322: {  	s8 =	simm.s32 $0x800;
	s11 =	simm.s32 $0xA;
	[sflag:s26] =	ssyncadd.s32 $0xFFFFE000  }
0x323: {  	s5 =	simm.s32 $0x0  }
0x324: {  	v46 =	vmov s5  }
0x325: {  	v47 =	vshll.u32 v46, $0x8;
	v46 =	vshll.u32 v46, $0x7  }
0x326: {  	v47 =	vand.u32 $0x1800, v47;
	v46 =	vand.u32 $0x300, v46  }
0x327: {  	v46 =	vor.u32 v46, v47  }
0x328: {  	s0 =	rddreg [dreg:$0x9];
	v47 =	vor.u32 v0, v46  }
0x329: {  	[tilespmem:s5], [sflag:$0xA] =	stream.strided.gather [hbm4b:s0+s8], $0x2000, s19, s8, $0x38;
	[tilespmem:$0x1CC00] =	vst v63  }
0x32a: {  	_ =	swait.ge [sflag:s11], $0x2000  }
0x32b: {  	v48 =	vadd.s32 s5, v0;
	[sflag:s11] =	ssyncset.done $0x0  }
0x32c: {  	v48 =	vand.u32 $0x1F, v48;
	[sflag:s11] =	ssyncadd.s32 $0xFFFFE000  }
0x32d: {  	v49 =	vor.u32 v1, v48;
	v47 =	vld.idx.msk [tilespmem:v47+s2+$0x0], $0xffff  }
0x32e: {  	v50 =	vor.u32 v2, v46;
	_ =	sdelay $0x3  }
0x32f: {  	[tilespmem:v49+s23+$0x0] =	vst.idx.msk $0xffff, v47  }
0x330: {  	v37 =	vor.u32 v3, v48;
	v47 =	vld.idx.msk [tilespmem:v50+s2+$0x0], $0xffff  }
0x331: {  	v38 =	vor.u32 v4, v46;
	_ =	sdelay $0x3  }
0x332: {  	[tilespmem:v37+s23+$0x0] =	vst.idx.msk $0xffff, v47  }
0x333: {  	v40 =	vor.u32 v5, v48;
	v47 =	vld.idx.msk [tilespmem:v38+s2+$0x0], $0xffff  }
0x334: {  	v41 =	vor.u32 v6, v46;
	_ =	sdelay $0x3  }
0x335: {  	[tilespmem:v40+s23+$0x0] =	vst.idx.msk $0xffff, v47  }
0x336: {  	v42 =	vor.u32 v7, v48;
	v47 =	vld.idx.msk [tilespmem:v41+s2+$0x0], $0xffff  }
0x337: {  	v43 =	vor.u32 v8, v46;
	_ =	sdelay $0x3  }
0x338: {  	[tilespmem:v42+s23+$0x0] =	vst.idx.msk $0xffff, v47  }
0x339: {  	v44 =	vor.u32 v9, v48;
	v47 =	vld.idx.msk [tilespmem:v43+s2+$0x0], $0xffff  }
0x33a: {  	v45 =	vor.u32 v10, v46;
	_ =	sdelay $0x3  }
0x33b: {  	[tilespmem:v44+s23+$0x0] =	vst.idx.msk $0xffff, v47  }
0x33c: {  	v52 =	vor.u32 v11, v48;
	v47 =	vld.idx.msk [tilespmem:v45+s2+$0x0], $0xffff  }
0x33d: {  	v53 =	vor.u32 v12, v46;
	_ =	sdelay $0x3  }
0x33e: {  	[tilespmem:v52+s23+$0x0] =	vst.idx.msk $0xffff, v47  }
0x33f: {  	v54 =	vor.u32 v13, v48;
	v47 =	vld.idx.msk [tilespmem:v53+s2+$0x0], $0xffff  }
0x340: {  	v55 =	vor.u32 v14, v46;
	_ =	sdelay $0x3  }
0x341: {  	[tilespmem:v54+s23+$0x0] =	vst.idx.msk $0xffff, v47  }
0x342: {  	v37 =	vor.u32 v15, v48;
	v47 =	vld.idx.msk [tilespmem:v55+s2+$0x0], $0xffff  }
0x343: {  	v38 =	vor.u32 v16, v46;
	_ =	sdelay $0x3  }
0x344: {  	[tilespmem:v37+s23+$0x0] =	vst.idx.msk $0xffff, v47  }
0x345: {  	v40 =	vor.u32 v17, v48;
	v47 =	vld.idx.msk [tilespmem:v38+s2+$0x0], $0xffff  }
0x346: {  	v41 =	vor.u32 v18, v46;
	_ =	sdelay $0x3  }
0x347: {  	[tilespmem:v40+s23+$0x0] =	vst.idx.msk $0xffff, v47  }
0x348: {  	v42 =	vor.u32 v19, v48;
	v47 =	vld.idx.msk [tilespmem:v41+s2+$0x0], $0xffff  }
0x349: {  	v43 =	vor.u32 v20, v46;
	_ =	sdelay $0x3  }
0x34a: {  	[tilespmem:v42+s23+$0x0] =	vst.idx.msk $0xffff, v47  }
0x34b: {  	v44 =	vor.u32 v21, v48;
	v47 =	vld.idx.msk [tilespmem:v43+s2+$0x0], $0xffff  }
0x34c: {  	v45 =	vor.u32 v22, v46;
	_ =	sdelay $0x3  }
0x34d: {  	[tilespmem:v44+s23+$0x0] =	vst.idx.msk $0xffff, v47  }
0x34e: {  	v52 =	vor.u32 v23, v48;
	v47 =	vld.idx.msk [tilespmem:v45+s2+$0x0], $0xffff  }
0x34f: {  	v53 =	vor.u32 v24, v46;
	_ =	sdelay $0x3  }
0x350: {  	[tilespmem:v52+s23+$0x0] =	vst.idx.msk $0xffff, v47  }
0x351: {  	v54 =	vor.u32 v25, v48;
	v47 =	vld.idx.msk [tilespmem:v53+s2+$0x0], $0xffff  }
0x352: {  	v55 =	vor.u32 v26, v46;
	_ =	sdelay $0x3  }
0x353: {  	[tilespmem:v54+s23+$0x0] =	vst.idx.msk $0xffff, v47  }
0x354: {  	v37 =	vor.u32 v27, v48;
	v47 =	vld.idx.msk [tilespmem:v55+s2+$0x0], $0xffff  }
0x355: {  	v38 =	vor.u32 v28, v46;
	_ =	sdelay $0x3  }
0x356: {  	[tilespmem:v37+s23+$0x0] =	vst.idx.msk $0xffff, v47  }
0x357: {  	v40 =	vor.u32 v29, v48;
	v47 =	vld.idx.msk [tilespmem:v38+s2+$0x0], $0xffff  }
0x358: {  	v46 =	vor.u32 v30, v46  }
0x359: {  	s30 =	simm.s32 $0x1  }
0x35a: {  	v41 =	vmov s30  }
0x35b: {  	v51 =	vshll.u32 v41, $0x8;
	v50 =	vshll.u32 v41, $0x7  }
0x35c: {  	v42 =	vand.u32 $0x1800, v51;
	v43 =	vand.u32 $0x380, v50;
	[tilespmem:v40+s23+$0x0] =	vst.idx.msk $0xffff, v47  }
0x35d: {  	v48 =	vor.u32 v31, v48;
	v47 =	vor.u32 v43, v42;
	v46 =	vld.idx.msk [tilespmem:v46+s2+$0x0], $0xffff  }
0x35e: {  	v49 =	vor.u32 v0, v47;
	_ =	sdelay $0x2  }
0x35f: {  	v45 =	vadd.s32 s30, v0  }
0x360: {  	[tilespmem:v48+s23+$0x0] =	vst.idx.msk $0xffff, v46;
	v46 =	vand.u32 $0x1F, v45  }
0x361: {  	v48 =	vld.idx.msk [tilespmem:v49+s2+$0x0], $0xffff;
	v52 =	vor.u32 v1, v46  }
0x362: {  	v53 =	vor.u32 v2, v47;
	_ =	sdelay $0x3  }
0x363: {  	[tilespmem:v52+s23+$0x0] =	vst.idx.msk $0xffff, v48  }
0x364: {  	v54 =	vor.u32 v3, v46;
	v48 =	vld.idx.msk [tilespmem:v53+s2+$0x0], $0xffff  }
0x365: {  	v55 =	vor.u32 v4, v47;
	_ =	sdelay $0x3  }
0x366: {  	[tilespmem:v54+s23+$0x0] =	vst.idx.msk $0xffff, v48  }
0x367: {  	v37 =	vor.u32 v5, v46;
	v48 =	vld.idx.msk [tilespmem:v55+s2+$0x0], $0xffff  }
0x368: {  	v38 =	vor.u32 v6, v47;
	_ =	sdelay $0x3  }
0x369: {  	[tilespmem:v37+s23+$0x0] =	vst.idx.msk $0xffff, v48  }
0x36a: {  	v40 =	vor.u32 v7, v46;
	v48 =	vld.idx.msk [tilespmem:v38+s2+$0x0], $0xffff  }
0x36b: {  	v41 =	vor.u32 v8, v47;
	_ =	sdelay $0x3  }
0x36c: {  	[tilespmem:v40+s23+$0x0] =	vst.idx.msk $0xffff, v48  }
0x36d: {  	v42 =	vor.u32 v9, v46;
	v48 =	vld.idx.msk [tilespmem:v41+s2+$0x0], $0xffff  }
0x36e: {  	v43 =	vor.u32 v10, v47;
	_ =	sdelay $0x3  }
0x36f: {  	[tilespmem:v42+s23+$0x0] =	vst.idx.msk $0xffff, v48  }
0x370: {  	v44 =	vor.u32 v11, v46;
	v48 =	vld.idx.msk [tilespmem:v43+s2+$0x0], $0xffff  }
0x371: {  	v45 =	vor.u32 v12, v47;
	_ =	sdelay $0x3  }
0x372: {  	[tilespmem:v44+s23+$0x0] =	vst.idx.msk $0xffff, v48  }
0x373: {  	v52 =	vor.u32 v13, v46;
	v48 =	vld.idx.msk [tilespmem:v45+s2+$0x0], $0xffff  }
0x374: {  	v53 =	vor.u32 v14, v47;
	_ =	sdelay $0x3  }
0x375: {  	[tilespmem:v52+s23+$0x0] =	vst.idx.msk $0xffff, v48  }
0x376: {  	v54 =	vor.u32 v15, v46;
	v48 =	vld.idx.msk [tilespmem:v53+s2+$0x0], $0xffff  }
0x377: {  	v55 =	vor.u32 v16, v47;
	_ =	sdelay $0x3  }
0x378: {  	[tilespmem:v54+s23+$0x0] =	vst.idx.msk $0xffff, v48  }
0x379: {  	v37 =	vor.u32 v17, v46;
	v48 =	vld.idx.msk [tilespmem:v55+s2+$0x0], $0xffff  }
0x37a: {  	v38 =	vor.u32 v18, v47;
	_ =	sdelay $0x3  }
0x37b: {  	[tilespmem:v37+s23+$0x0] =	vst.idx.msk $0xffff, v48  }
0x37c: {  	v40 =	vor.u32 v19, v46;
	v48 =	vld.idx.msk [tilespmem:v38+s2+$0x0], $0xffff  }
0x37d: {  	v41 =	vor.u32 v20, v47;
	_ =	sdelay $0x3  }
0x37e: {  	[tilespmem:v40+s23+$0x0] =	vst.idx.msk $0xffff, v48  }
0x37f: {  	v42 =	vor.u32 v21, v46;
	v48 =	vld.idx.msk [tilespmem:v41+s2+$0x0], $0xffff  }
0x380: {  	v43 =	vor.u32 v22, v47;
	_ =	sdelay $0x3  }
0x381: {  	[tilespmem:v42+s23+$0x0] =	vst.idx.msk $0xffff, v48  }
0x382: {  	v44 =	vor.u32 v23, v46;
	v48 =	vld.idx.msk [tilespmem:v43+s2+$0x0], $0xffff  }
0x383: {  	v45 =	vor.u32 v24, v47;
	_ =	sdelay $0x3  }
0x384: {  	[tilespmem:v44+s23+$0x0] =	vst.idx.msk $0xffff, v48  }
0x385: {  	v52 =	vor.u32 v25, v46;
	v48 =	vld.idx.msk [tilespmem:v45+s2+$0x0], $0xffff  }
0x386: {  	v53 =	vor.u32 v26, v47;
	_ =	sdelay $0x3  }
0x387: {  	[tilespmem:v52+s23+$0x0] =	vst.idx.msk $0xffff, v48  }
0x388: {  	v54 =	vor.u32 v27, v46;
	v48 =	vld.idx.msk [tilespmem:v53+s2+$0x0], $0xffff  }
0x389: {  	v55 =	vor.u32 v28, v47;
	_ =	sdelay $0x3  }
0x38a: {  	[tilespmem:v54+s23+$0x0] =	vst.idx.msk $0xffff, v48  }
0x38b: {  	v49 =	vor.u32 v29, v46;
	v48 =	vld.idx.msk [tilespmem:v55+s2+$0x0], $0xffff  }
0x38c: {  	v47 =	vor.u32 v30, v47;
	_ =	sdelay $0x1  }
0x38d: {  	s5 =	simm.s32 $0x2  }
0x38e: {  	s8 =	simm.s32 $0x4;
	v50 =	vmov s5  }
.LBB2_14:
0x38f: {  	p2 =	sne.s32 s8, $0x1E;
	v51 =	vshll.u32 v50, $0x8;
	v50 =	vshll.u32 v50, $0x7;
	[tilespmem:v49+s23+$0x0] =	vst.idx.msk $0xffff, v48  }
0x390: {  	v48 =	vand.u32 $0x1800, v51;
	v49 =	vand.u32 $0x300, v50;
	v50 =	vld.idx.msk [tilespmem:v47+s2+$0x0], $0xffff  }
0x391: {  	v46 =	vor.u32 v31, v46;
	v47 =	vor.u32 v49, v48  }
0x392: {  	v48 =	vor.u32 v0, v47;
	_ =	sdelay $0x3  }
0x393: {  	v49 =	vadd.s32 s5, v0;
	[tilespmem:v46+s23+$0x0] =	vst.idx.msk $0xffff, v50  }
0x394: {  	v46 =	vand.u32 $0x1F, v49;
	v48 =	vld.idx.msk [tilespmem:v48+s2+$0x0], $0xffff  }
0x395: {  	v49 =	vor.u32 v1, v46  }
0x396: {  	v50 =	vor.u32 v2, v47;
	_ =	sdelay $0x3  }
0x397: {  	[tilespmem:v49+s23+$0x0] =	vst.idx.msk $0xffff, v48  }
0x398: {  	v48 =	vld.idx.msk [tilespmem:v50+s2+$0x0], $0xffff  }
0x399: {  	v49 =	vor.u32 v3, v46  }
0x39a: {  	v50 =	vor.u32 v4, v47;
	_ =	sdelay $0x3  }
0x39b: {  	[tilespmem:v49+s23+$0x0] =	vst.idx.msk $0xffff, v48  }
0x39c: {  	v48 =	vld.idx.msk [tilespmem:v50+s2+$0x0], $0xffff  }
0x39d: {  	v49 =	vor.u32 v5, v46  }
0x39e: {  	v50 =	vor.u32 v6, v47;
	_ =	sdelay $0x3  }
0x39f: {  	[tilespmem:v49+s23+$0x0] =	vst.idx.msk $0xffff, v48  }
0x3a0: {  	v48 =	vld.idx.msk [tilespmem:v50+s2+$0x0], $0xffff  }
0x3a1: {  	v49 =	vor.u32 v7, v46  }
0x3a2: {  	v50 =	vor.u32 v8, v47;
	_ =	sdelay $0x3  }
0x3a3: {  	[tilespmem:v49+s23+$0x0] =	vst.idx.msk $0xffff, v48  }
0x3a4: {  	v48 =	vld.idx.msk [tilespmem:v50+s2+$0x0], $0xffff  }
0x3a5: {  	v49 =	vor.u32 v9, v46  }
0x3a6: {  	v50 =	vor.u32 v10, v47;
	_ =	sdelay $0x3  }
0x3a7: {  	[tilespmem:v49+s23+$0x0] =	vst.idx.msk $0xffff, v48  }
0x3a8: {  	v48 =	vld.idx.msk [tilespmem:v50+s2+$0x0], $0xffff  }
0x3a9: {  	v49 =	vor.u32 v11, v46  }
0x3aa: {  	v50 =	vor.u32 v12, v47;
	_ =	sdelay $0x3  }
0x3ab: {  	[tilespmem:v49+s23+$0x0] =	vst.idx.msk $0xffff, v48  }
0x3ac: {  	v48 =	vld.idx.msk [tilespmem:v50+s2+$0x0], $0xffff  }
0x3ad: {  	v49 =	vor.u32 v13, v46  }
0x3ae: {  	v50 =	vor.u32 v14, v47;
	_ =	sdelay $0x3  }
0x3af: {  	[tilespmem:v49+s23+$0x0] =	vst.idx.msk $0xffff, v48  }
0x3b0: {  	v48 =	vld.idx.msk [tilespmem:v50+s2+$0x0], $0xffff  }
0x3b1: {  	v49 =	vor.u32 v15, v46  }
0x3b2: {  	v50 =	vor.u32 v16, v47;
	_ =	sdelay $0x3  }
0x3b3: {  	[tilespmem:v49+s23+$0x0] =	vst.idx.msk $0xffff, v48  }
0x3b4: {  	v48 =	vld.idx.msk [tilespmem:v50+s2+$0x0], $0xffff  }
0x3b5: {  	v49 =	vor.u32 v17, v46  }
0x3b6: {  	v50 =	vor.u32 v18, v47;
	_ =	sdelay $0x3  }
0x3b7: {  	[tilespmem:v49+s23+$0x0] =	vst.idx.msk $0xffff, v48  }
0x3b8: {  	v48 =	vld.idx.msk [tilespmem:v50+s2+$0x0], $0xffff  }
0x3b9: {  	v49 =	vor.u32 v19, v46  }
0x3ba: {  	v50 =	vor.u32 v20, v47;
	_ =	sdelay $0x3  }
0x3bb: {  	[tilespmem:v49+s23+$0x0] =	vst.idx.msk $0xffff, v48  }
0x3bc: {  	v48 =	vld.idx.msk [tilespmem:v50+s2+$0x0], $0xffff  }
0x3bd: {  	v49 =	vor.u32 v21, v46  }
0x3be: {  	v50 =	vor.u32 v22, v47;
	_ =	sdelay $0x3  }
0x3bf: {  	[tilespmem:v49+s23+$0x0] =	vst.idx.msk $0xffff, v48  }
0x3c0: {  	v48 =	vld.idx.msk [tilespmem:v50+s2+$0x0], $0xffff  }
0x3c1: {  	v49 =	vor.u32 v23, v46  }
0x3c2: {  	v50 =	vor.u32 v24, v47;
	_ =	sdelay $0x3  }
0x3c3: {  	[tilespmem:v49+s23+$0x0] =	vst.idx.msk $0xffff, v48  }
0x3c4: {  	v48 =	vld.idx.msk [tilespmem:v50+s2+$0x0], $0xffff  }
0x3c5: {  	v49 =	vor.u32 v25, v46  }
0x3c6: {  	v50 =	vor.u32 v26, v47;
	_ =	sdelay $0x3  }
0x3c7: {  	[tilespmem:v49+s23+$0x0] =	vst.idx.msk $0xffff, v48  }
0x3c8: {  	v48 =	vld.idx.msk [tilespmem:v50+s2+$0x0], $0xffff  }
0x3c9: {  	v49 =	vor.u32 v27, v46  }
0x3ca: {  	v50 =	vor.u32 v28, v47;
	_ =	sdelay $0x3  }
0x3cb: {  	[tilespmem:v49+s23+$0x0] =	vst.idx.msk $0xffff, v48  }
0x3cc: {  	v48 =	vld.idx.msk [tilespmem:v50+s2+$0x0], $0xffff  }
0x3cd: {  	v49 =	vor.u32 v29, v46  }
0x3ce: {  	v47 =	vor.u32 v30, v47;
	_ =	sdelay $0x1  }
0x3cf: {  	s9 =	sadd.s32 $0x1, s5;
	s5 =	smov.u32 s8  }
0x3d0: {  	v50 =	vmov s9  }
0x3d1: {  	[tilespmem:v49+s23+$0x0] =	vst.idx.msk $0xffff, v48;
	v48 =	vshll.u32 v50, $0x8;
	v49 =	vshll.u32 v50, $0x7  }
0x3d2: {  	v50 =	vld.idx.msk [tilespmem:v47+s2+$0x0], $0xffff;
	v47 =	vand.u32 $0x1800, v48;
	v48 =	vand.u32 $0x380, v49  }
0x3d3: {  	v46 =	vor.u32 v31, v46;
	v47 =	vor.u32 v48, v47  }
0x3d4: {  	v48 =	vor.u32 v0, v47;
	_ =	sdelay $0x3  }
0x3d5: {  	[tilespmem:v46+s23+$0x0] =	vst.idx.msk $0xffff, v50;
	v46 =	vadd.s32 s9, v0  }
0x3d6: {  	v46 =	vand.u32 $0x1F, v46;
	v48 =	vld.idx.msk [tilespmem:v48+s2+$0x0], $0xffff  }
0x3d7: {  	v49 =	vor.u32 v1, v46  }
0x3d8: {  	v50 =	vor.u32 v2, v47;
	_ =	sdelay $0x3  }
0x3d9: {  	[tilespmem:v49+s23+$0x0] =	vst.idx.msk $0xffff, v48  }
0x3da: {  	v48 =	vld.idx.msk [tilespmem:v50+s2+$0x0], $0xffff  }
0x3db: {  	v49 =	vor.u32 v3, v46  }
0x3dc: {  	v50 =	vor.u32 v4, v47;
	_ =	sdelay $0x3  }
0x3dd: {  	[tilespmem:v49+s23+$0x0] =	vst.idx.msk $0xffff, v48  }
0x3de: {  	v48 =	vld.idx.msk [tilespmem:v50+s2+$0x0], $0xffff  }
0x3df: {  	v49 =	vor.u32 v5, v46  }
0x3e0: {  	v50 =	vor.u32 v6, v47;
	_ =	sdelay $0x3  }
0x3e1: {  	[tilespmem:v49+s23+$0x0] =	vst.idx.msk $0xffff, v48  }
0x3e2: {  	v48 =	vld.idx.msk [tilespmem:v50+s2+$0x0], $0xffff  }
0x3e3: {  	v49 =	vor.u32 v7, v46  }
0x3e4: {  	v50 =	vor.u32 v8, v47;
	_ =	sdelay $0x3  }
0x3e5: {  	[tilespmem:v49+s23+$0x0] =	vst.idx.msk $0xffff, v48  }
0x3e6: {  	v48 =	vld.idx.msk [tilespmem:v50+s2+$0x0], $0xffff  }
0x3e7: {  	v49 =	vor.u32 v9, v46  }
0x3e8: {  	v50 =	vor.u32 v10, v47;
	_ =	sdelay $0x3  }
0x3e9: {  	[tilespmem:v49+s23+$0x0] =	vst.idx.msk $0xffff, v48  }
0x3ea: {  	v48 =	vld.idx.msk [tilespmem:v50+s2+$0x0], $0xffff  }
0x3eb: {  	v49 =	vor.u32 v11, v46  }
0x3ec: {  	v50 =	vor.u32 v12, v47;
	_ =	sdelay $0x3  }
0x3ed: {  	[tilespmem:v49+s23+$0x0] =	vst.idx.msk $0xffff, v48  }
0x3ee: {  	v48 =	vld.idx.msk [tilespmem:v50+s2+$0x0], $0xffff  }
0x3ef: {  	v49 =	vor.u32 v13, v46  }
0x3f0: {  	v50 =	vor.u32 v14, v47;
	_ =	sdelay $0x3  }
0x3f1: {  	[tilespmem:v49+s23+$0x0] =	vst.idx.msk $0xffff, v48  }
0x3f2: {  	v48 =	vld.idx.msk [tilespmem:v50+s2+$0x0], $0xffff  }
0x3f3: {  	v49 =	vor.u32 v15, v46  }
0x3f4: {  	v50 =	vor.u32 v16, v47;
	_ =	sdelay $0x3  }
0x3f5: {  	[tilespmem:v49+s23+$0x0] =	vst.idx.msk $0xffff, v48  }
0x3f6: {  	v48 =	vld.idx.msk [tilespmem:v50+s2+$0x0], $0xffff  }
0x3f7: {  	v49 =	vor.u32 v17, v46  }
0x3f8: {  	v50 =	vor.u32 v18, v47;
	_ =	sdelay $0x3  }
0x3f9: {  	[tilespmem:v49+s23+$0x0] =	vst.idx.msk $0xffff, v48  }
0x3fa: {  	v48 =	vld.idx.msk [tilespmem:v50+s2+$0x0], $0xffff  }
0x3fb: {  	v49 =	vor.u32 v19, v46  }
0x3fc: {  	v50 =	vor.u32 v20, v47;
	_ =	sdelay $0x3  }
0x3fd: {  	[tilespmem:v49+s23+$0x0] =	vst.idx.msk $0xffff, v48  }
0x3fe: {  	v48 =	vld.idx.msk [tilespmem:v50+s2+$0x0], $0xffff  }
0x3ff: {  	v49 =	vor.u32 v21, v46  }
0x400: {  	v50 =	vor.u32 v22, v47;
	_ =	sdelay $0x3  }
0x401: {  	[tilespmem:v49+s23+$0x0] =	vst.idx.msk $0xffff, v48  }
0x402: {  	v48 =	vld.idx.msk [tilespmem:v50+s2+$0x0], $0xffff  }
0x403: {  	v49 =	vor.u32 v23, v46  }
0x404: {  	v50 =	vor.u32 v24, v47;
	_ =	sdelay $0x3  }
0x405: {  	[tilespmem:v49+s23+$0x0] =	vst.idx.msk $0xffff, v48  }
0x406: {  	v48 =	vld.idx.msk [tilespmem:v50+s2+$0x0], $0xffff  }
0x407: {  	v49 =	vor.u32 v25, v46  }
0x408: {  	v50 =	vor.u32 v26, v47;
	_ =	sdelay $0x3  }
0x409: {  	[tilespmem:v49+s23+$0x0] =	vst.idx.msk $0xffff, v48  }
0x40a: {  	v48 =	vld.idx.msk [tilespmem:v50+s2+$0x0], $0xffff  }
0x40b: {  	v49 =	vor.u32 v27, v46  }
0x40c: {  	v50 =	vor.u32 v28, v47;
	_ =	sdelay $0x3  }
0x40d: {  	[tilespmem:v49+s23+$0x0] =	vst.idx.msk $0xffff, v48  }
0x40e: {  	v48 =	vld.idx.msk [tilespmem:v50+s2+$0x0], $0xffff  }
.Ltmp10:
0x40f: {  	v49 =	vor.u32 v29, v46;
	(pc) =	sbr.rel @p2 .LBB2_14-.Ltmp10, $2  }
0x410: {  	v47 =	vor.u32 v30, v47;
	_ =	sdelay $0x2  }
0x411: {  	s8 =	sadd.s32 $0x2, s8;
	v50 =	vmov s5  }
0x412: {  	_ =	sdelay $0x2  }
0x413: {  	v51 =	vshll.u32 v50, $0x8;
	v41 =	vshll.u32 v50, $0x7  }
0x414: {  	[tilespmem:v49+s23+$0x0] =	vst.idx.msk $0xffff, v48;
	v42 =	vand.u32 $0x1800, v51;
	v43 =	vand.u32 $0x300, v41  }
0x415: {  	v46 =	vor.u32 v31, v46;
	v47 =	vld.idx.msk [tilespmem:v47+s2+$0x0], $0xffff;
	v48 =	vor.u32 v43, v42  }
0x416: {  	v49 =	vor.u32 v0, v48;
	_ =	sdelay $0x2  }
0x417: {  	v52 =	vadd.s32 s5, v0  }
0x418: {  	[tilespmem:v46+s23+$0x0] =	vst.idx.msk $0xffff, v47;
	v46 =	vand.u32 $0x1F, v52  }
0x419: {  	v53 =	vor.u32 v1, v46;
	v47 =	vld.idx.msk [tilespmem:v49+s2+$0x0], $0xffff  }
0x41a: {  	v54 =	vor.u32 v2, v48;
	_ =	sdelay $0x3  }
0x41b: {  	[tilespmem:v53+s23+$0x0] =	vst.idx.msk $0xffff, v47  }
0x41c: {  	v55 =	vor.u32 v3, v46;
	v47 =	vld.idx.msk [tilespmem:v54+s2+$0x0], $0xffff  }
0x41d: {  	v37 =	vor.u32 v4, v48;
	_ =	sdelay $0x3  }
0x41e: {  	[tilespmem:v55+s23+$0x0] =	vst.idx.msk $0xffff, v47  }
0x41f: {  	v38 =	vor.u32 v5, v46;
	v47 =	vld.idx.msk [tilespmem:v37+s2+$0x0], $0xffff  }
0x420: {  	v40 =	vor.u32 v6, v48;
	_ =	sdelay $0x3  }
0x421: {  	[tilespmem:v38+s23+$0x0] =	vst.idx.msk $0xffff, v47  }
0x422: {  	v41 =	vor.u32 v7, v46;
	v47 =	vld.idx.msk [tilespmem:v40+s2+$0x0], $0xffff  }
0x423: {  	v42 =	vor.u32 v8, v48;
	_ =	sdelay $0x3  }
0x424: {  	[tilespmem:v41+s23+$0x0] =	vst.idx.msk $0xffff, v47  }
0x425: {  	v43 =	vor.u32 v9, v46;
	v47 =	vld.idx.msk [tilespmem:v42+s2+$0x0], $0xffff  }
0x426: {  	v44 =	vor.u32 v10, v48;
	_ =	sdelay $0x3  }
0x427: {  	[tilespmem:v43+s23+$0x0] =	vst.idx.msk $0xffff, v47  }
0x428: {  	v45 =	vor.u32 v11, v46;
	v47 =	vld.idx.msk [tilespmem:v44+s2+$0x0], $0xffff  }
0x429: {  	v52 =	vor.u32 v12, v48;
	_ =	sdelay $0x3  }
0x42a: {  	[tilespmem:v45+s23+$0x0] =	vst.idx.msk $0xffff, v47  }
0x42b: {  	v53 =	vor.u32 v13, v46;
	v47 =	vld.idx.msk [tilespmem:v52+s2+$0x0], $0xffff  }
0x42c: {  	v54 =	vor.u32 v14, v48;
	_ =	sdelay $0x3  }
0x42d: {  	[tilespmem:v53+s23+$0x0] =	vst.idx.msk $0xffff, v47  }
0x42e: {  	v55 =	vor.u32 v15, v46;
	v47 =	vld.idx.msk [tilespmem:v54+s2+$0x0], $0xffff  }
0x42f: {  	v37 =	vor.u32 v16, v48;
	_ =	sdelay $0x3  }
0x430: {  	[tilespmem:v55+s23+$0x0] =	vst.idx.msk $0xffff, v47  }
0x431: {  	v38 =	vor.u32 v17, v46;
	v47 =	vld.idx.msk [tilespmem:v37+s2+$0x0], $0xffff  }
0x432: {  	v40 =	vor.u32 v18, v48;
	_ =	sdelay $0x3  }
0x433: {  	[tilespmem:v38+s23+$0x0] =	vst.idx.msk $0xffff, v47  }
0x434: {  	v41 =	vor.u32 v19, v46;
	v47 =	vld.idx.msk [tilespmem:v40+s2+$0x0], $0xffff  }
0x435: {  	v42 =	vor.u32 v20, v48;
	_ =	sdelay $0x3  }
0x436: {  	[tilespmem:v41+s23+$0x0] =	vst.idx.msk $0xffff, v47  }
0x437: {  	v43 =	vor.u32 v21, v46;
	v47 =	vld.idx.msk [tilespmem:v42+s2+$0x0], $0xffff  }
0x438: {  	v44 =	vor.u32 v22, v48;
	_ =	sdelay $0x3  }
0x439: {  	[tilespmem:v43+s23+$0x0] =	vst.idx.msk $0xffff, v47  }
0x43a: {  	v45 =	vor.u32 v23, v46;
	v47 =	vld.idx.msk [tilespmem:v44+s2+$0x0], $0xffff  }
0x43b: {  	v52 =	vor.u32 v24, v48;
	_ =	sdelay $0x3  }
0x43c: {  	[tilespmem:v45+s23+$0x0] =	vst.idx.msk $0xffff, v47  }
0x43d: {  	v53 =	vor.u32 v25, v46;
	v47 =	vld.idx.msk [tilespmem:v52+s2+$0x0], $0xffff  }
0x43e: {  	v54 =	vor.u32 v26, v48;
	_ =	sdelay $0x3  }
0x43f: {  	[tilespmem:v53+s23+$0x0] =	vst.idx.msk $0xffff, v47  }
0x440: {  	v55 =	vor.u32 v27, v46;
	v47 =	vld.idx.msk [tilespmem:v54+s2+$0x0], $0xffff  }
0x441: {  	v37 =	vor.u32 v28, v48;
	_ =	sdelay $0x3  }
0x442: {  	[tilespmem:v55+s23+$0x0] =	vst.idx.msk $0xffff, v47  }
0x443: {  	v38 =	vor.u32 v29, v46;
	v47 =	vld.idx.msk [tilespmem:v37+s2+$0x0], $0xffff  }
0x444: {  	v48 =	vor.u32 v30, v48  }
0x445: {  	s30 =	sadd.s32 $0x1, s5  }
0x446: {  	v40 =	vmov s30  }
0x447: {  	v50 =	vshll.u32 v40, $0x7;
	v41 =	vshll.u32 v40, $0x8  }
0x448: {  	v42 =	vand.u32 $0x1800, v41;
	v43 =	vand.u32 $0x380, v50;
	[tilespmem:v38+s23+$0x0] =	vst.idx.msk $0xffff, v47  }
0x449: {  	v46 =	vor.u32 v31, v46;
	v47 =	vor.u32 v43, v42;
	v48 =	vld.idx.msk [tilespmem:v48+s2+$0x0], $0xffff  }
0x44a: {  	v49 =	vor.u32 v0, v47;
	_ =	sdelay $0x2  }
0x44b: {  	v44 =	vadd.s32 s30, v0  }
0x44c: {  	[tilespmem:v46+s23+$0x0] =	vst.idx.msk $0xffff, v48;
	v46 =	vand.u32 $0x1F, v44  }
0x44d: {  	v48 =	vld.idx.msk [tilespmem:v49+s2+$0x0], $0xffff;
	v45 =	vor.u32 v1, v46  }
0x44e: {  	v52 =	vor.u32 v2, v47;
	_ =	sdelay $0x3  }
0x44f: {  	[tilespmem:v45+s23+$0x0] =	vst.idx.msk $0xffff, v48  }
0x450: {  	v53 =	vor.u32 v3, v46;
	v48 =	vld.idx.msk [tilespmem:v52+s2+$0x0], $0xffff  }
0x451: {  	v54 =	vor.u32 v4, v47;
	_ =	sdelay $0x3  }
0x452: {  	[tilespmem:v53+s23+$0x0] =	vst.idx.msk $0xffff, v48  }
0x453: {  	v55 =	vor.u32 v5, v46;
	v48 =	vld.idx.msk [tilespmem:v54+s2+$0x0], $0xffff  }
0x454: {  	v37 =	vor.u32 v6, v47;
	_ =	sdelay $0x3  }
0x455: {  	[tilespmem:v55+s23+$0x0] =	vst.idx.msk $0xffff, v48  }
0x456: {  	v38 =	vor.u32 v7, v46;
	v48 =	vld.idx.msk [tilespmem:v37+s2+$0x0], $0xffff  }
0x457: {  	v40 =	vor.u32 v8, v47;
	_ =	sdelay $0x3  }
0x458: {  	[tilespmem:v38+s23+$0x0] =	vst.idx.msk $0xffff, v48  }
0x459: {  	v41 =	vor.u32 v9, v46;
	v48 =	vld.idx.msk [tilespmem:v40+s2+$0x0], $0xffff  }
0x45a: {  	v42 =	vor.u32 v10, v47;
	_ =	sdelay $0x3  }
0x45b: {  	[tilespmem:v41+s23+$0x0] =	vst.idx.msk $0xffff, v48  }
0x45c: {  	v43 =	vor.u32 v11, v46;
	v48 =	vld.idx.msk [tilespmem:v42+s2+$0x0], $0xffff  }
0x45d: {  	v44 =	vor.u32 v12, v47;
	_ =	sdelay $0x3  }
0x45e: {  	[tilespmem:v43+s23+$0x0] =	vst.idx.msk $0xffff, v48  }
0x45f: {  	v45 =	vor.u32 v13, v46;
	v48 =	vld.idx.msk [tilespmem:v44+s2+$0x0], $0xffff  }
0x460: {  	v52 =	vor.u32 v14, v47;
	_ =	sdelay $0x3  }
0x461: {  	[tilespmem:v45+s23+$0x0] =	vst.idx.msk $0xffff, v48  }
0x462: {  	v53 =	vor.u32 v15, v46;
	v48 =	vld.idx.msk [tilespmem:v52+s2+$0x0], $0xffff  }
0x463: {  	v54 =	vor.u32 v16, v47;
	_ =	sdelay $0x3  }
0x464: {  	[tilespmem:v53+s23+$0x0] =	vst.idx.msk $0xffff, v48  }
0x465: {  	v55 =	vor.u32 v17, v46;
	v48 =	vld.idx.msk [tilespmem:v54+s2+$0x0], $0xffff  }
0x466: {  	v37 =	vor.u32 v18, v47;
	_ =	sdelay $0x3  }
0x467: {  	[tilespmem:v55+s23+$0x0] =	vst.idx.msk $0xffff, v48  }
0x468: {  	v38 =	vor.u32 v19, v46;
	v48 =	vld.idx.msk [tilespmem:v37+s2+$0x0], $0xffff  }
0x469: {  	v40 =	vor.u32 v20, v47;
	_ =	sdelay $0x3  }
0x46a: {  	[tilespmem:v38+s23+$0x0] =	vst.idx.msk $0xffff, v48  }
0x46b: {  	v41 =	vor.u32 v21, v46;
	v48 =	vld.idx.msk [tilespmem:v40+s2+$0x0], $0xffff  }
0x46c: {  	v42 =	vor.u32 v22, v47;
	_ =	sdelay $0x3  }
0x46d: {  	[tilespmem:v41+s23+$0x0] =	vst.idx.msk $0xffff, v48  }
0x46e: {  	v43 =	vor.u32 v23, v46;
	v48 =	vld.idx.msk [tilespmem:v42+s2+$0x0], $0xffff  }
0x46f: {  	v44 =	vor.u32 v24, v47;
	_ =	sdelay $0x3  }
0x470: {  	[tilespmem:v43+s23+$0x0] =	vst.idx.msk $0xffff, v48  }
0x471: {  	v45 =	vor.u32 v25, v46;
	v48 =	vld.idx.msk [tilespmem:v44+s2+$0x0], $0xffff  }
0x472: {  	v52 =	vor.u32 v26, v47;
	_ =	sdelay $0x3  }
0x473: {  	[tilespmem:v45+s23+$0x0] =	vst.idx.msk $0xffff, v48  }
0x474: {  	v53 =	vor.u32 v27, v46;
	v48 =	vld.idx.msk [tilespmem:v52+s2+$0x0], $0xffff  }
0x475: {  	v54 =	vor.u32 v28, v47;
	_ =	sdelay $0x3  }
0x476: {  	[tilespmem:v53+s23+$0x0] =	vst.idx.msk $0xffff, v48  }
0x477: {  	v55 =	vor.u32 v29, v46;
	v48 =	vld.idx.msk [tilespmem:v54+s2+$0x0], $0xffff  }
0x478: {  	v47 =	vor.u32 v30, v47;
	_ =	sdelay $0x3  }
0x479: {  	[tilespmem:v55+s23+$0x0] =	vst.idx.msk $0xffff, v48  }
0x47a: {  	v46 =	vor.u32 v31, v46;
	v47 =	vld.idx.msk [tilespmem:v47+s2+$0x0], $0xffff;
	_ =	sdelay $0x4  }
0x47b: {  	s0 =	rddreg [dreg:$0xa];
	[tilespmem:v46+s23+$0x0] =	vst.idx.msk $0xffff, v47  }
0x47c: {  	[hbm4b:s0+s2] =	stream.linear.scatter [tilespmem:s23], [sflag:$0xA], $0x2000, $0x38;
	[tilespmem:$0x1CC00] =	vst v63  }
0x47d: {  	_ =	swait.ge [sflag:s11], $0x2000  }
0x47e: {  	[sflag:s11] =	ssyncset.done $0x0  }
0x47f: {  	[sflag:s11] =	ssyncadd.s32 $0xFFFFE000  }
.LBB2_16:
.Ltmp11:
0x480: {  	(pc) =	sbr.rel @p1 .LBB2_20-.Ltmp11, $1  }
0x481: {  	_ =	sdelay $0x3  }
0x482: {  	s5 =	simm.s32 $0x0  }
0x483: {  	v46 =	vmov s5  }
0x484: {  	v46 =	vshll.u32 v46, $0x7  }
0x485: {  	s0 =	rddreg [dreg:$0xb];
	v47 =	vor.u32 v0, v46  }
0x486: {  	[tilespmem:s1], [sflag:$0xA] =	stream.strided.gather [hbm4b:s0+s31], $0x1000, s19, s31, $0x38;
	[tilespmem:$0x1CC00] =	vst v63  }
0x487: {  	_ =	swait.ge [sflag:s11], $0x1000  }
0x488: {  	v48 =	vadd.s32 s5, v0;
	[sflag:s11] =	ssyncset.done $0x0  }
0x489: {  	v48 =	vand.u32 $0x1F, v48;
	[sflag:s11] =	ssyncadd.s32 $0xFFFFF000  }
0x48a: {  	v49 =	vor.u32 v1, v48;
	v47 =	vld.idx.msk [tilespmem:v47+s1+$0x0], $0xffff  }
0x48b: {  	v50 =	vor.u32 v2, v46;
	_ =	sdelay $0x3  }
0x48c: {  	[tilespmem:v49+s23+$0x0] =	vst.idx.msk $0xffff, v47  }
0x48d: {  	v38 =	vor.u32 v3, v48;
	v47 =	vld.idx.msk [tilespmem:v50+s1+$0x0], $0xffff  }
0x48e: {  	v40 =	vor.u32 v4, v46;
	_ =	sdelay $0x3  }
0x48f: {  	[tilespmem:v38+s23+$0x0] =	vst.idx.msk $0xffff, v47  }
0x490: {  	v41 =	vor.u32 v5, v48;
	v47 =	vld.idx.msk [tilespmem:v40+s1+$0x0], $0xffff  }
0x491: {  	v46 =	vor.u32 v6, v46;
	_ =	sdelay $0x2  }
0x492: {  	s30 =	simm.s32 $0x1  }
0x493: {  	v42 =	vmov s30;
	[tilespmem:v41+s23+$0x0] =	vst.idx.msk $0xffff, v47  }
0x494: {  	v48 =	vor.u32 v7, v48;
	v47 =	vshll.u32 v42, $0x7;
	v46 =	vld.idx.msk [tilespmem:v46+s1+$0x0], $0xffff  }
0x495: {  	v43 =	vor.u32 v0, v47;
	_ =	sdelay $0x2  }
0x496: {  	v44 =	vadd.s32 s30, v0  }
0x497: {  	[tilespmem:v48+s23+$0x0] =	vst.idx.msk $0xffff, v46;
	v46 =	vand.u32 $0x1F, v44  }
0x498: {  	v48 =	vld.idx.msk [tilespmem:v43+s1+$0x0], $0xffff;
	v45 =	vor.u32 v1, v46  }
0x499: {  	v52 =	vor.u32 v2, v47;
	_ =	sdelay $0x3  }
0x49a: {  	[tilespmem:v45+s23+$0x0] =	vst.idx.msk $0xffff, v48  }
0x49b: {  	v53 =	vor.u32 v3, v46;
	v48 =	vld.idx.msk [tilespmem:v52+s1+$0x0], $0xffff  }
0x49c: {  	v54 =	vor.u32 v4, v47;
	_ =	sdelay $0x3  }
0x49d: {  	[tilespmem:v53+s23+$0x0] =	vst.idx.msk $0xffff, v48  }
0x49e: {  	v55 =	vor.u32 v5, v46;
	v48 =	vld.idx.msk [tilespmem:v54+s1+$0x0], $0xffff  }
0x49f: {  	v47 =	vor.u32 v6, v47;
	_ =	sdelay $0x3  }
0x4a0: {  	s5 =	simm.s32 $0x2;
	[tilespmem:v55+s23+$0x0] =	vst.idx.msk $0xffff, v48  }
0x4a1: {  	s8 =	simm.s32 $0x4;
	v48 =	vmov s5;
	v47 =	vld.idx.msk [tilespmem:v47+s1+$0x0], $0xffff  }
.LBB2_18:
0x4a2: {  	p2 =	sne.s32 s8, $0x1E;
	v48 =	vshll.u32 v48, $0x7;
	v46 =	vor.u32 v7, v46  }
0x4a3: {  	v49 =	vor.u32 v0, v48;
	_ =	sdelay $0x3  }
0x4a4: {  	v50 =	vadd.s32 s5, v0;
	[tilespmem:v46+s23+$0x0] =	vst.idx.msk $0xffff, v47  }
0x4a5: {  	v46 =	vand.u32 $0x1F, v50;
	v47 =	vld.idx.msk [tilespmem:v49+s1+$0x0], $0xffff  }
0x4a6: {  	v49 =	vor.u32 v1, v46  }
0x4a7: {  	v50 =	vor.u32 v2, v48;
	_ =	sdelay $0x3  }
0x4a8: {  	[tilespmem:v49+s23+$0x0] =	vst.idx.msk $0xffff, v47  }
0x4a9: {  	v47 =	vld.idx.msk [tilespmem:v50+s1+$0x0], $0xffff  }
0x4aa: {  	v49 =	vor.u32 v3, v46  }
0x4ab: {  	v50 =	vor.u32 v4, v48;
	_ =	sdelay $0x3  }
0x4ac: {  	[tilespmem:v49+s23+$0x0] =	vst.idx.msk $0xffff, v47  }
0x4ad: {  	v47 =	vld.idx.msk [tilespmem:v50+s1+$0x0], $0xffff  }
0x4ae: {  	v49 =	vor.u32 v5, v46  }
0x4af: {  	v48 =	vor.u32 v6, v48;
	_ =	sdelay $0x3  }
0x4b0: {  	s9 =	sadd.s32 $0x1, s5;
	s5 =	smov.u32 s8;
	[tilespmem:v49+s23+$0x0] =	vst.idx.msk $0xffff, v47  }
0x4b1: {  	v47 =	vld.idx.msk [tilespmem:v48+s1+$0x0], $0xffff;
	v48 =	vmov s9  }
0x4b2: {  	v46 =	vor.u32 v7, v46;
	v48 =	vshll.u32 v48, $0x7  }
0x4b3: {  	v49 =	vor.u32 v0, v48;
	_ =	sdelay $0x3  }
0x4b4: {  	[tilespmem:v46+s23+$0x0] =	vst.idx.msk $0xffff, v47;
	v46 =	vadd.s32 s9, v0  }
0x4b5: {  	v46 =	vand.u32 $0x1F, v46;
	v47 =	vld.idx.msk [tilespmem:v49+s1+$0x0], $0xffff  }
0x4b6: {  	v49 =	vor.u32 v1, v46  }
0x4b7: {  	v50 =	vor.u32 v2, v48;
	_ =	sdelay $0x3  }
0x4b8: {  	[tilespmem:v49+s23+$0x0] =	vst.idx.msk $0xffff, v47  }
0x4b9: {  	v47 =	vld.idx.msk [tilespmem:v50+s1+$0x0], $0xffff  }
0x4ba: {  	v49 =	vor.u32 v3, v46  }
0x4bb: {  	v50 =	vor.u32 v4, v48;
	_ =	sdelay $0x3  }
0x4bc: {  	[tilespmem:v49+s23+$0x0] =	vst.idx.msk $0xffff, v47  }
0x4bd: {  	v47 =	vld.idx.msk [tilespmem:v50+s1+$0x0], $0xffff  }
0x4be: {  	v49 =	vor.u32 v5, v46  }
0x4bf: {  	v50 =	vor.u32 v6, v48  }
.Ltmp12:
0x4c0: {  	(pc) =	sbr.rel @p2 .LBB2_18-.Ltmp12, $3  }
0x4c1: {  	_ =	sdelay $0x1  }
0x4c2: {  	[tilespmem:v49+s23+$0x0] =	vst.idx.msk $0xffff, v47  }
0x4c3: {  	s8 =	sadd.s32 $0x2, s8;
	v48 =	vmov s5;
	v47 =	vld.idx.msk [tilespmem:v50+s1+$0x0], $0xffff  }
0x4c4: {  	v48 =	vshll.u32 v48, $0x7;
	v46 =	vor.u32 v7, v46  }
0x4c5: {  	v49 =	vor.u32 v0, v48;
	_ =	sdelay $0x2  }
0x4c6: {  	v50 =	vadd.s32 s5, v0  }
0x4c7: {  	v52 =	vand.u32 $0x1F, v50;
	[tilespmem:v46+s23+$0x0] =	vst.idx.msk $0xffff, v47  }
0x4c8: {  	v53 =	vor.u32 v1, v52;
	v47 =	vld.idx.msk [tilespmem:v49+s1+$0x0], $0xffff  }
0x4c9: {  	v54 =	vor.u32 v2, v48;
	_ =	sdelay $0x3  }
0x4ca: {  	[tilespmem:v53+s23+$0x0] =	vst.idx.msk $0xffff, v47  }
0x4cb: {  	v55 =	vor.u32 v3, v52;
	v47 =	vld.idx.msk [tilespmem:v54+s1+$0x0], $0xffff  }
0x4cc: {  	v37 =	vor.u32 v4, v48;
	_ =	sdelay $0x3  }
0x4cd: {  	[tilespmem:v55+s23+$0x0] =	vst.idx.msk $0xffff, v47  }
0x4ce: {  	v38 =	vor.u32 v5, v52;
	v47 =	vld.idx.msk [tilespmem:v37+s1+$0x0], $0xffff  }
0x4cf: {  	v48 =	vor.u32 v6, v48;
	_ =	sdelay $0x2  }
0x4d0: {  	s30 =	sadd.s32 $0x1, s5  }
0x4d1: {  	v40 =	vmov s30;
	[tilespmem:v38+s23+$0x0] =	vst.idx.msk $0xffff, v47  }
0x4d2: {  	v46 =	vor.u32 v7, v52;
	v47 =	vshll.u32 v40, $0x7;
	v48 =	vld.idx.msk [tilespmem:v48+s1+$0x0], $0xffff  }
0x4d3: {  	v41 =	vor.u32 v0, v47;
	_ =	sdelay $0x2  }
0x4d4: {  	v42 =	vadd.s32 s30, v0  }
0x4d5: {  	v43 =	vand.u32 $0x1F, v42;
	[tilespmem:v46+s23+$0x0] =	vst.idx.msk $0xffff, v48  }
0x4d6: {  	v45 =	vor.u32 v1, v43;
	v48 =	vld.idx.msk [tilespmem:v41+s1+$0x0], $0xffff  }
0x4d7: {  	v52 =	vor.u32 v2, v47;
	_ =	sdelay $0x3  }
0x4d8: {  	[tilespmem:v45+s23+$0x0] =	vst.idx.msk $0xffff, v48  }
0x4d9: {  	v53 =	vor.u32 v3, v43;
	v48 =	vld.idx.msk [tilespmem:v52+s1+$0x0], $0xffff  }
0x4da: {  	v54 =	vor.u32 v4, v47;
	_ =	sdelay $0x3  }
0x4db: {  	[tilespmem:v53+s23+$0x0] =	vst.idx.msk $0xffff, v48  }
0x4dc: {  	v55 =	vor.u32 v5, v43;
	v48 =	vld.idx.msk [tilespmem:v54+s1+$0x0], $0xffff  }
0x4dd: {  	v47 =	vor.u32 v6, v47;
	_ =	sdelay $0x3  }
0x4de: {  	[tilespmem:v55+s23+$0x0] =	vst.idx.msk $0xffff, v48  }
0x4df: {  	v46 =	vor.u32 v7, v43;
	v47 =	vld.idx.msk [tilespmem:v47+s1+$0x0], $0xffff;
	_ =	sdelay $0x4  }
0x4e0: {  	s0 =	rddreg [dreg:$0xc];
	[tilespmem:v46+s23+$0x0] =	vst.idx.msk $0xffff, v47  }
0x4e1: {  	[hbm4b:s0+s2] =	stream.linear.scatter [tilespmem:s23], [sflag:$0xA], $0x800, $0x38;
	[tilespmem:$0x1CC00] =	vst v63  }
0x4e2: {  	_ =	swait.ge [sflag:s11], $0x800  }
0x4e3: {  	[sflag:s11] =	ssyncset.done $0x0  }
0x4e4: {  	[sflag:s11] =	ssyncadd.s32 $0xFFFFF800  }
.LBB2_20:
0x4e5: {  	[bflag:$0x0] =	sbarrier.arrive $0xFFFF  }
0x4e6: {  	s0 =	simm.s32 $0x100000;
	_ =	strace $0x80000048  }
0x4e7: {  	s5 =	simm.s32 $0x0;
	[smem:s0], [sflag:$0x0] =	smem.add.s32 $0x0  }
0x4e8: {  	_ =	swait.done [sflag:s5]  }
0x4e9: {  	s8 =	ssyncread [sflag:$0x0];
	_ =	sdelay $0x1  }
0x4ea: {  	s9 =	stileid.u32;
	s30 =	rddreg [dreg:$0xd]  }
0x4eb: {  	s9 =	sshll.u32 s9, $0x6;
	s19 =	rddreg [dreg:$0x10];
	s8 =	sadd.s32 s30, s8  }
0x4ec: {  	s9 =	sor.u32 s19, s9;
	s8 =	sshll.u32 s8, $0x11  }
0x4ed: {  	[sflag:s5] =	ssyncset.s32 $0x0;
	s8 =	sor.u32 s8, s9  }
0x4ee: {  	[sflag:s5] =	ssyncset.done $0x0;
	s8 =	sor.u32 $0x1C09, s8  }
0x4ef: {  	s20 =	simm.s32 $0x9;
	[sflag:s8] =	ssyncadd.remote.s32 $0x1  }
0x4f0: {  	_ =	swait.ge [sflag:s20], $0x1  }
0x4f1: {  	[sflag:s20] =	ssyncset.done $0x0  }
0x4f2: {  	[sflag:s20] =	ssyncadd.s32 $0xFFFFFFFF  }
0x4f3: {  	_ =	strace $0x90000048  }
0x4f4: {  	[bflag:$0x0] =	sbarrier.arrive $0xFFFF  }
0x4f5: {  	s30 =	simm.s32 $0x8000;
	s29 =	rddreg [dreg:$0xe]  }
0x4f6: {  	[tilespmem:s30], [sflag:$0xA] =	stream.linear.gather [hbm4b:s29+s5], $0x3400, $0x38;
	[tilespmem:$0x1CC00] =	vst v63  }
0x4f7: {  	_ =	swait.ge [sflag:s11], $0x3400  }
0x4f8: {  	[sflag:s11] =	ssyncset.done $0x0  }
0x4f9: {  	s5 =	simm.s32 $0x0;
	[sflag:s11] =	ssyncadd.s32 $0xFFFFCC00  }
0x4fa: {  	v48 =	vld [tilespmem:s5+$0x8000];
	_ =	sdelay $0x4  }
0x4fb: {  	s9 =	simm.s32 $0x40;
	s8 =	simm.s32 $0x80;
	v47 =	vshll.u32 v48, $0x5;
	v46 =	vand.u32 $0xF, v48;
	v48 =	vshra.s32 v48, $0x2  }
.LBB2_21:
0x4fc: {  	p2 =	sne.s32 s8, $0xCFC0;
	s11 =	sshra.s32 s9, $0x2;
	v47 =	vand.u32 $0x60, v47;
	[tilespmem:s5+$0x8000] =	vst v48;
	s9 =	smov.u32 s8  }
0x4fd: {  	v48 =	vld [tilespmem:s11+$0x8000];
	[tilespmem:s5+$0xB400] =	vst v47  }
.Ltmp13:
0x4fe: {  	[tilespmem:s5+$0xE800] =	vst v46;
	s5 =	smov.u32 s11;
	(pc) =	sbr.rel @p2 .LBB2_21-.Ltmp13, $2  }
0x4ff: {  	_ =	sdelay $0x2  }
0x500: {  	s8 =	sadd.s32 $0x40, s8;
	v47 =	vshll.u32 v48, $0x5;
	v46 =	vand.u32 $0xF, v48;
	v48 =	vshra.s32 v48, $0x2  }
0x501: {  	s8 =	sshra.s32 s9, $0x2;
	[tilespmem:s5+$0x8000] =	vst v48  }
0x502: {  	v48 =	vld [tilespmem:s8+$0x8000];
	_ =	sdelay $0x2  }
0x503: {  	v47 =	vand.u32 $0x60, v47  }
0x504: {  	[tilespmem:s5+$0xB400] =	vst v47  }
0x505: {  	[tilespmem:s5+$0xE800] =	vst v46;
	v54 =	vshra.s32 v48, $0x2  }
0x506: {  	v53 =	vshll.u32 v48, $0x5;
	v55 =	vand.u32 $0xF, v48;
	[tilespmem:s8+$0x8000] =	vst v54  }
0x507: {  	v46 =	vand.u32 $0x60, v53;
	[tilespmem:s8+$0xE800] =	vst v55  }
0x508: {  	s29 =	simm.s32 $0x80;
	s0 =	simm.s32 $0x8000;
	s20 =	simm.s32 $0x8080;
	[tilespmem:s8+$0xB400] =	vst v46  }
0x509: {  	[tilespmem:s12], [sflag:$0x5] =	stream.indirect.gather [hbm4b:s4+s29], $0x80, s0, s29, $0xb8;
	[tilespmem:$0x1CC00] =	vst v63  }
0x50a: {  	s30 =	simm.s32 $0x0;
	s11 =	simm.s32 $0x0;
	s5 =	simm.s32 $0x0  }
0x50b: {  	[tilespmem:s13], [sflag:$0x6] =	stream.indirect.gather [hbm4b:s4+s29], $0x80, s20, s29, $0xb8;
	[tilespmem:$0x1CC00] =	vst v63  }
.LBB2_23:
0x50c: {  	_ =	swait.ge [sflag:s3], $0x4000;
	s8 =	sadd.s32 $0x0, s5  }
0x50d: {  	p2 =	seq.s32 s11, $0x0;
	[sflag:s3] =	ssyncset.done $0x0;
	v46 =	vor.u32 s8, v57  }
0x50e: {  	s8 =	simm.s32 @!p2 $0x7;
	[sflag:s3] =	ssyncadd.s32 $0xFFFFC000  }
0x50f: {  	_ =	swait.ge @!p2 [sflag:s8], $0x1000  }
0x510: {  	[sflag:s8] =	ssyncset.done @!p2 $0x0  }
0x511: {  	[sflag:s8] =	ssyncadd.s32 @!p2 $0xFFFFF000  }
0x512: {  	v50 =	vld.idx.msk [tilespmem:v46+s14+$0x0], $0xffff;
	_ =	sdelay $0x1  }
0x513: {  	v51 =	vld.idx.msk [tilespmem:v46+s6+$0x0], $0xffff;
	_ =	sdelay $0x2  }
0x514: {  	v37 =	vadd.s32 v58, v50  }
0x515: {  	v47 =	vmov s30;
	v46 =	vand.u32 $0x1F, v37  }
0x516: {  	v47 =	vshll.u32 v47, $0x7;
	v46 =	vadd.s32 v51, v46  }
0x517: {  	v52 =	vor.u32 v59, v47;
	v48 =	vand.u32 $0xFFFFFF80, v46  }
0x518: {  	v46 =	vand.u32 $0x7F, v46;
	v47 =	vadd.s32 v52, v48  }
0x519: {  	v46 =	vor.u32 v46, v47  }
0x51a: {  	v38 =	vadd.s32 v61, v50  }
0x51b: {  	v47 =	vand.u32 $0x1F, v38  }
0x51c: {  	v47 =	vadd.s32 v51, v47  }
0x51d: {  	v40 =	vand.u32 $0xFFFFFF80, v47  }
0x51e: {  	v49 =	vor.u32 s30, v60;
	v47 =	vand.u32 $0x7F, v47;
	v48 =	vadd.s32 v52, v40;
	v46 =	vld.idx.msk [tilespmem:v46+s12+$0x0], $0xffff  }
0x51f: {  	v47 =	vor.u32 v47, v48  }
0x520: {  	v41 =	vadd.s32 v62, v50  }
0x521: {  	v48 =	vand.u32 $0x1F, v41  }
0x522: {  	v48 =	vadd.s32 v51, v48  }
0x523: {  	v53 =	vand.u32 $0xFFFFFF80, v48;
	[tilespmem:v49+s15+$0x0] =	vst.idx.msk $0xffff, v46  }
0x524: {  	v43 =	vor.u32 s30, v63;
	v48 =	vand.u32 $0x7F, v48;
	v42 =	vadd.s32 v52, v53;
	v47 =	vld.idx.msk [tilespmem:v47+s12+$0x0], $0xffff  }
0x525: {  	v46 =	vor.u32 v48, v42  }
0x526: {  	v55 =	vadd.s32 v39, v50  }
0x527: {  	v48 =	vand.u32 $0x1F, v55  }
0x528: {  	v48 =	vadd.s32 v51, v48  }
0x529: {  	v37 =	vand.u32 $0xFFFFFF80, v48;
	[tilespmem:v43+s15+$0x0] =	vst.idx.msk $0xffff, v47  }
0x52a: {  	v40 =	vor.u32 s30, v32;
	v48 =	vand.u32 $0x7F, v48;
	v38 =	vadd.s32 v52, v37;
	v49 =	vld.idx.msk [tilespmem:v46+s12+$0x0], $0xffff  }
0x52b: {  	v47 =	vor.u32 v48, v38;
	v46 =	vor.u32 $0x10, v58  }
0x52c: {  	v41 =	vadd.s32 v46, v50  }
0x52d: {  	v48 =	vand.u32 $0x1F, v41  }
0x52e: {  	v48 =	vadd.s32 v51, v48  }
0x52f: {  	v54 =	vand.u32 $0xFFFFFF80, v48;
	[tilespmem:v40+s15+$0x0] =	vst.idx.msk $0xffff, v49  }
0x530: {  	v43 =	vor.u32 s30, v33;
	v48 =	vand.u32 $0x7F, v48;
	v42 =	vadd.s32 v52, v54;
	v53 =	vld.idx.msk [tilespmem:v47+s12+$0x0], $0xffff  }
0x531: {  	v47 =	vor.u32 $0x14, v58;
	v48 =	vor.u32 v48, v42  }
0x532: {  	v44 =	vadd.s32 v47, v50  }
0x533: {  	v49 =	vand.u32 $0x1F, v44  }
0x534: {  	v49 =	vadd.s32 v51, v49  }
0x535: {  	v55 =	vand.u32 $0xFFFFFF80, v49;
	[tilespmem:v43+s15+$0x0] =	vst.idx.msk $0xffff, v53  }
0x536: {  	v37 =	vor.u32 s30, v56;
	v49 =	vand.u32 $0x7F, v49;
	v45 =	vadd.s32 v52, v55;
	v54 =	vld.idx.msk [tilespmem:v48+s12+$0x0], $0xffff  }
0x537: {  	v48 =	vor.u32 $0x18, v58;
	v49 =	vor.u32 v49, v45  }
0x538: {  	v38 =	vadd.s32 v48, v50  }
0x539: {  	v53 =	vand.u32 $0x1F, v38  }
0x53a: {  	v53 =	vadd.s32 v51, v53  }
0x53b: {  	v40 =	vand.u32 $0xFFFFFF80, v53;
	[tilespmem:v37+s15+$0x0] =	vst.idx.msk $0xffff, v54  }
0x53c: {  	v43 =	vor.u32 s30, v34;
	v53 =	vand.u32 $0x7F, v53;
	v41 =	vadd.s32 v52, v40;
	v55 =	vld.idx.msk [tilespmem:v49+s12+$0x0], $0xffff  }
0x53d: {  	v49 =	vor.u32 $0x1C, v0;
	v53 =	vor.u32 v53, v41  }
0x53e: {  	v50 =	vadd.s32 v49, v50  }
0x53f: {  	v50 =	vand.u32 $0x1F, v50  }
0x540: {  	v50 =	vadd.s32 v51, v50  }
0x541: {  	v51 =	vand.u32 $0xFFFFFF80, v50;
	[tilespmem:v43+s15+$0x0] =	vst.idx.msk $0xffff, v55  }
0x542: {  	v44 =	vmovc v56;
	v56 =	vor.u32 s30, v35;
	v50 =	vand.u32 $0x7F, v50;
	v51 =	vadd.s32 v52, v51;
	v45 =	vld.idx.msk [tilespmem:v53+s12+$0x0], $0xffff  }
0x543: {  	v50 =	vor.u32 v50, v51;
	_ =	sdelay $0x3  }
0x544: {  	[tilespmem:v56+s15+$0x0] =	vst.idx.msk $0xffff, v45  }
0x545: {  	s9 =	sadd.s32 $0x4, s5;
	v8 =	vmovc v35;
	v9 =	vmov v36;
	v42 =	vmov v39;
	v52 =	vor.u32 s30, v36;
	v50 =	vld.idx.msk [tilespmem:v50+s12+$0x0], $0xffff  }
0x546: {  	s19 =	simm.s32 $0x4;
	s20 =	simm.s32 $0x8;
	s8 =	sshll.u32 s11, $0x1;
	v39 =	vmovc v63;
	v41 =	vmovc v32;
	v43 =	vmov v33;
	v51 =	vor.u32 s9, v57;
	v45 =	vmov v34  }
.LBB2_24:
0x547: {  	_ =	sdelay $0x1  }
0x548: {  	p3 =	sne.s32 s20, $0x7C;
	s9 =	smov.u32 s20;
	s20 =	sadd.s32 $0x4, s20  }
0x549: {  	[tilespmem:v52+s15+$0x0] =	vst.idx.msk $0xffff, v50  }
0x54a: {  	v50 =	vld.idx.msk [tilespmem:v51+s14+$0x0], $0xffff  }
0x54b: {  	v51 =	vld.idx.msk [tilespmem:v51+s6+$0x0], $0xffff;
	_ =	sdelay $0x2  }
0x54c: {  	v53 =	vor.u32 s19, v60;
	v52 =	vmov s19;
	_ =	sdelay $0x1  }
0x54d: {  	v54 =	vadd.s32 v58, v50;
	v55 =	vadd.s32 v61, v50;
	v56 =	vadd.s32 v62, v50  }
0x54e: {  	v54 =	vand.u32 $0x1F, v54;
	v55 =	vand.u32 $0x1F, v55;
	v56 =	vand.u32 $0x1F, v56  }
0x54f: {  	v52 =	vshll.u32 v52, $0x7;
	v54 =	vadd.s32 v51, v54;
	v55 =	vadd.s32 v51, v55  }
0x550: {  	v33 =	vmovc v57;
	v35 =	vmovc v58;
	v52 =	vor.u32 v59, v52;
	v57 =	vand.u32 $0xFFFFFF80, v54;
	v54 =	vand.u32 $0x7F, v54  }
0x551: {  	v36 =	vmovc v59;
	v58 =	vadd.s32 v42, v50;
	v59 =	vadd.s32 v47, v50;
	v57 =	vadd.s32 v52, v57  }
0x552: {  	v54 =	vor.u32 v54, v57;
	v57 =	vand.u32 $0x1F, v58;
	v58 =	vadd.s32 v46, v50  }
0x553: {  	v37 =	vmovc v60;
	v59 =	vand.u32 $0x1F, v59;
	v60 =	vand.u32 $0xFFFFFF80, v55;
	v58 =	vand.u32 $0x1F, v58  }
0x554: {  	v56 =	vadd.s32 v51, v56;
	v60 =	vadd.s32 v52, v60;
	v57 =	vadd.s32 v51, v57  }
0x555: {  	v38 =	vmovc v61;
	v40 =	vmovc v62;
	v61 =	vand.u32 $0xFFFFFF80, v56;
	v62 =	vand.u32 $0xFFFFFF80, v57;
	v58 =	vadd.s32 v51, v58  }
0x556: {  	v63 =	vadd.s32 v48, v50;
	v61 =	vadd.s32 v52, v61;
	v62 =	vadd.s32 v52, v62  }
0x557: {  	v63 =	vand.u32 $0x1F, v63;
	v55 =	vand.u32 $0x7F, v55;
	v50 =	vadd.s32 v49, v50;
	v54 =	vld.idx.msk [tilespmem:v54+s12+$0x0], $0xffff  }
0x558: {  	v55 =	vor.u32 v55, v60;
	v50 =	vand.u32 $0x1F, v50;
	v60 =	vand.u32 $0xFFFFFF80, v58  }
0x559: {  	v59 =	vadd.s32 v51, v59;
	v63 =	vadd.s32 v51, v63;
	v60 =	vadd.s32 v52, v60  }
0x55a: {  	v32 =	vand.u32 $0xFFFFFF80, v59;
	v34 =	vand.u32 $0xFFFFFF80, v63;
	v50 =	vadd.s32 v51, v50  }
0x55b: {  	v32 =	vadd.s32 v52, v32;
	v34 =	vadd.s32 v52, v34;
	v51 =	vand.u32 $0xFFFFFF80, v50  }
0x55c: {  	v51 =	vadd.s32 v52, v51  }
0x55d: {  	[tilespmem:v53+s15+$0x0] =	vst.idx.msk $0xffff, v54  }
0x55e: {  	v53 =	vor.u32 s19, v39;
	v54 =	vand.u32 $0x7F, v56;
	v52 =	vld.idx.msk [tilespmem:v55+s12+$0x0], $0xffff  }
0x55f: {  	v54 =	vor.u32 v54, v61;
	v61 =	vmov v38;
	_ =	sdelay $0x4  }
0x560: {  	[tilespmem:v53+s15+$0x0] =	vst.idx.msk $0xffff, v52  }
0x561: {  	v53 =	vor.u32 s19, v41;
	v52 =	vld.idx.msk [tilespmem:v54+s12+$0x0], $0xffff;
	v54 =	vand.u32 $0x7F, v57;
	v57 =	vmov v33  }
0x562: {  	v54 =	vor.u32 v54, v62;
	v62 =	vmov v40;
	_ =	sdelay $0x4  }
0x563: {  	[tilespmem:v53+s15+$0x0] =	vst.idx.msk $0xffff, v52  }
0x564: {  	v53 =	vor.u32 s19, v43;
	v52 =	vld.idx.msk [tilespmem:v54+s12+$0x0], $0xffff;
	v54 =	vand.u32 $0x7F, v58;
	v58 =	vmov v35  }
0x565: {  	v54 =	vor.u32 v54, v60;
	v60 =	vmov v37;
	_ =	sdelay $0x4  }
0x566: {  	[tilespmem:v53+s15+$0x0] =	vst.idx.msk $0xffff, v52  }
0x567: {  	v53 =	vor.u32 s19, v44;
	v52 =	vld.idx.msk [tilespmem:v54+s12+$0x0], $0xffff;
	v54 =	vand.u32 $0x7F, v59;
	v59 =	vmov v36  }
0x568: {  	v32 =	vor.u32 v54, v32;
	_ =	sdelay $0x4  }
0x569: {  	[tilespmem:v53+s15+$0x0] =	vst.idx.msk $0xffff, v52  }
0x56a: {  	v52 =	vor.u32 s19, v45;
	v53 =	vand.u32 $0x7F, v63;
	v32 =	vld.idx.msk [tilespmem:v32+s12+$0x0], $0xffff  }
0x56b: {  	v34 =	vor.u32 v53, v34;
	_ =	sdelay $0x4  }
0x56c: {  	[tilespmem:v52+s15+$0x0] =	vst.idx.msk $0xffff, v32  }
0x56d: {  	v50 =	vand.u32 $0x7F, v50;
	v32 =	vld.idx.msk [tilespmem:v34+s12+$0x0], $0xffff;
	v34 =	vor.u32 s19, v8  }
0x56e: {  	v50 =	vor.u32 v50, v51;
	_ =	sdelay $0x2  }
.Ltmp14:
0x56f: {  	(pc) =	sbr.rel @p3 .LBB2_24-.Ltmp14, $4  }
0x570: {  	_ = 	snop  }
0x571: {  	[tilespmem:v34+s15+$0x0] =	vst.idx.msk $0xffff, v32  }
0x572: {  	s0 =	sadd.s32 s9, s5;
	v52 =	vor.u32 s19, v9;
	s19 =	smov.u32 s9;
	v50 =	vld.idx.msk [tilespmem:v50+s12+$0x0], $0xffff  }
0x573: {  	v51 =	vor.u32 s0, v33  }
0x574: {  	_ =	sdelay $0x3  }
0x575: {  	[tilespmem:v52+s15+$0x0] =	vst.idx.msk $0xffff, v50  }
0x576: {  	v32 =	vld.idx.msk [tilespmem:v51+s14+$0x0], $0xffff;
	_ =	sdelay $0x1  }
0x577: {  	v34 =	vld.idx.msk [tilespmem:v51+s6+$0x0], $0xffff;
	_ =	sdelay $0x2  }
0x578: {  	v54 =	vadd.s32 v58, v32  }
0x579: {  	v55 =	vmov s19;
	v50 =	vand.u32 $0x1F, v54  }
0x57a: {  	v51 =	vshll.u32 v55, $0x7;
	v50 =	vadd.s32 v34, v50  }
0x57b: {  	v51 =	vor.u32 v59, v51;
	v56 =	vand.u32 $0xFFFFFF80, v50  }
0x57c: {  	v50 =	vand.u32 $0x7F, v50;
	v52 =	vadd.s32 v51, v56  }
0x57d: {  	v50 =	vor.u32 v50, v52  }
0x57e: {  	v63 =	vadd.s32 v61, v32  }
0x57f: {  	v52 =	vand.u32 $0x1F, v63  }
0x580: {  	v52 =	vadd.s32 v34, v52  }
0x581: {  	v53 =	vand.u32 $0xFFFFFF80, v52  }
0x582: {  	v54 =	vor.u32 s19, v60;
	v52 =	vand.u32 $0x7F, v52;
	v53 =	vadd.s32 v51, v53;
	v50 =	vld.idx.msk [tilespmem:v50+s12+$0x0], $0xffff  }
0x583: {  	v52 =	vor.u32 v52, v53  }
0x584: {  	v56 =	vadd.s32 v62, v32  }
0x585: {  	v53 =	vand.u32 $0x1F, v56  }
0x586: {  	v53 =	vadd.s32 v34, v53  }
0x587: {  	v55 =	vand.u32 $0xFFFFFF80, v53;
	[tilespmem:v54+s15+$0x0] =	vst.idx.msk $0xffff, v50  }
0x588: {  	v53 =	vand.u32 $0x7F, v53;
	v63 =	vadd.s32 v51, v55;
	v54 =	vor.u32 s19, v39;
	v52 =	vld.idx.msk [tilespmem:v52+s12+$0x0], $0xffff  }
0x589: {  	v50 =	vor.u32 v53, v63  }
0x58a: {  	v56 =	vadd.s32 v42, v32  }
0x58b: {  	v53 =	vand.u32 $0x1F, v56  }
0x58c: {  	v53 =	vadd.s32 v34, v53  }
0x58d: {  	v63 =	vand.u32 $0xFFFFFF80, v53;
	[tilespmem:v54+s15+$0x0] =	vst.idx.msk $0xffff, v52  }
0x58e: {  	v53 =	vand.u32 $0x7F, v53;
	v63 =	vadd.s32 v51, v63;
	v54 =	vor.u32 s19, v41;
	v50 =	vld.idx.msk [tilespmem:v50+s12+$0x0], $0xffff  }
0x58f: {  	v52 =	vor.u32 v53, v63  }
0x590: {  	v56 =	vadd.s32 v46, v32  }
0x591: {  	v53 =	vand.u32 $0x1F, v56  }
0x592: {  	v53 =	vadd.s32 v34, v53  }
0x593: {  	v63 =	vand.u32 $0xFFFFFF80, v53;
	[tilespmem:v54+s15+$0x0] =	vst.idx.msk $0xffff, v50  }
0x594: {  	v53 =	vand.u32 $0x7F, v53;
	v63 =	vadd.s32 v51, v63;
	v54 =	vor.u32 s19, v43;
	v52 =	vld.idx.msk [tilespmem:v52+s12+$0x0], $0xffff  }
0x595: {  	v50 =	vor.u32 v53, v63  }
0x596: {  	v56 =	vadd.s32 v47, v32  }
0x597: {  	v53 =	vand.u32 $0x1F, v56  }
0x598: {  	v53 =	vadd.s32 v34, v53  }
0x599: {  	v63 =	vand.u32 $0xFFFFFF80, v53;
	[tilespmem:v54+s15+$0x0] =	vst.idx.msk $0xffff, v52  }
0x59a: {  	v53 =	vand.u32 $0x7F, v53;
	v63 =	vadd.s32 v51, v63;
	v54 =	vor.u32 s19, v44;
	v50 =	vld.idx.msk [tilespmem:v50+s12+$0x0], $0xffff  }
0x59b: {  	v52 =	vor.u32 v53, v63  }
0x59c: {  	v56 =	vadd.s32 v48, v32  }
0x59d: {  	v53 =	vand.u32 $0x1F, v56  }
0x59e: {  	v53 =	vadd.s32 v34, v53  }
0x59f: {  	v63 =	vand.u32 $0xFFFFFF80, v53;
	[tilespmem:v54+s15+$0x0] =	vst.idx.msk $0xffff, v50  }
0x5a0: {  	v53 =	vand.u32 $0x7F, v53;
	v50 =	vadd.s32 v51, v63;
	v63 =	vor.u32 s19, v45;
	v52 =	vld.idx.msk [tilespmem:v52+s12+$0x0], $0xffff  }
0x5a1: {  	v50 =	vor.u32 v53, v50  }
0x5a2: {  	v32 =	vadd.s32 v49, v32  }
0x5a3: {  	v32 =	vand.u32 $0x1F, v32  }
0x5a4: {  	v32 =	vadd.s32 v34, v32  }
0x5a5: {  	v34 =	vand.u32 $0xFFFFFF80, v32;
	[tilespmem:v63+s15+$0x0] =	vst.idx.msk $0xffff, v52  }
0x5a6: {  	v32 =	vand.u32 $0x7F, v32;
	v34 =	vadd.s32 v51, v34;
	v63 =	vor.u32 s19, v8;
	v50 =	vld.idx.msk [tilespmem:v50+s12+$0x0], $0xffff  }
0x5a7: {  	v32 =	vor.u32 v32, v34;
	_ =	sdelay $0x3  }
0x5a8: {  	[tilespmem:v63+s15+$0x0] =	vst.idx.msk $0xffff, v50  }
0x5a9: {  	v53 =	vor.u32 s19, v9;
	v32 =	vld.idx.msk [tilespmem:v32+s12+$0x0], $0xffff;
	_ =	sdelay $0x2  }
0x5aa: {  	s0 =	sadd.s32 s16, s8  }
0x5ab: {  	s9 =	rddreg [dreg:$0x2];
	s0 =	sshll.u32 s0, $0x7  }
0x5ac: {  	p3 =	seq.s32 s11, $0x33;
	s0 =	sadd.s32 s9, s0;
	[tilespmem:v53+s15+$0x0] =	vst.idx.msk $0xffff, v32  }
0x5ad: {  	[hbm4b:s0+s31] =	stream.strided.scatter [tilespmem:s15], [sflag:$0x7], $0x1000, s10, s31, $0x38;
	[tilespmem:$0x1CC00] =	vst v63  }
0x5ae: {  	s0 =	sshll.u32 @!p3 s11, $0x8  }
0x5af: {  	s0 =	sand.u32 @!p3 $0x3FFFFF00, s0  }
0x5b0: {  	s9 =	simm.s32 @!p3 $0x80;
	s19 =	simm.s32 @!p3 $0x11C00;
	s0 =	sadd.s32 @!p3 $0x8100, s0  }
0x5b1: {  	[tilespmem:s19], [sflag:$0x5] =	stream.indirect.gather @!p3 [hbm4b:s4+s9], $0x80, s0, s9, $0xb8;
	[tilespmem:$0x1CC00] =	vst v63  }
0x5b2: {  	s20 =	sadd.s32 $0x0, s29;
	_ =	swait.ge [sflag:s17], $0x4000  }
0x5b3: {  	v54 =	vor.u32 s20, v57;
	[sflag:s17] =	ssyncset.done $0x0  }
0x5b4: {  	s0 =	simm.s32 @!p2 $0x8;
	[sflag:s17] =	ssyncadd.s32 $0xFFFFC000  }
0x5b5: {  	_ =	swait.ge @!p2 [sflag:s0], $0x1000  }
0x5b6: {  	[sflag:s0] =	ssyncset.done @!p2 $0x0  }
0x5b7: {  	[sflag:s0] =	ssyncadd.s32 @!p2 $0xFFFFF000  }
0x5b8: {  	v34 =	vld.idx.msk [tilespmem:v54+s14+$0x0], $0xffff;
	_ =	sdelay $0x1  }
0x5b9: {  	v32 =	vld.idx.msk [tilespmem:v54+s6+$0x0], $0xffff;
	_ =	sdelay $0x2  }
0x5ba: {  	s9 =	simm.s32 $0x0;
	v55 =	vadd.s32 v58, v34  }
0x5bb: {  	v56 =	vmov s9;
	v50 =	vand.u32 $0x1F, v55  }
0x5bc: {  	v51 =	vshll.u32 v56, $0x7;
	v50 =	vadd.s32 v32, v50  }
0x5bd: {  	v51 =	vor.u32 v59, v51;
	v63 =	vand.u32 $0xFFFFFF80, v50  }
0x5be: {  	v50 =	vand.u32 $0x7F, v50;
	v52 =	vadd.s32 v51, v63  }
0x5bf: {  	v50 =	vor.u32 v50, v52  }
0x5c0: {  	v56 =	vadd.s32 v61, v34  }
0x5c1: {  	v52 =	vand.u32 $0x1F, v56  }
0x5c2: {  	v52 =	vadd.s32 v32, v52  }
0x5c3: {  	v63 =	vand.u32 $0xFFFFFF80, v52  }
0x5c4: {  	v54 =	vor.u32 s9, v60;
	v52 =	vand.u32 $0x7F, v52;
	v53 =	vadd.s32 v51, v63;
	v50 =	vld.idx.msk [tilespmem:v50+s13+$0x0], $0xffff  }
0x5c5: {  	v52 =	vor.u32 v52, v53  }
0x5c6: {  	v56 =	vadd.s32 v62, v34  }
0x5c7: {  	v53 =	vand.u32 $0x1F, v56  }
0x5c8: {  	v53 =	vadd.s32 v32, v53  }
0x5c9: {  	v63 =	vand.u32 $0xFFFFFF80, v53;
	[tilespmem:v54+s25+$0x0] =	vst.idx.msk $0xffff, v50  }
0x5ca: {  	v53 =	vand.u32 $0x7F, v53;
	v63 =	vadd.s32 v51, v63;
	v54 =	vor.u32 s9, v39;
	v52 =	vld.idx.msk [tilespmem:v52+s13+$0x0], $0xffff  }
0x5cb: {  	v50 =	vor.u32 v53, v63  }
0x5cc: {  	v56 =	vadd.s32 v42, v34  }
0x5cd: {  	v53 =	vand.u32 $0x1F, v56  }
0x5ce: {  	v53 =	vadd.s32 v32, v53  }
0x5cf: {  	v63 =	vand.u32 $0xFFFFFF80, v53;
	[tilespmem:v54+s25+$0x0] =	vst.idx.msk $0xffff, v52  }
0x5d0: {  	v53 =	vand.u32 $0x7F, v53;
	v63 =	vadd.s32 v51, v63;
	v54 =	vor.u32 s9, v41;
	v50 =	vld.idx.msk [tilespmem:v50+s13+$0x0], $0xffff  }
0x5d1: {  	v52 =	vor.u32 v53, v63  }
0x5d2: {  	v56 =	vadd.s32 v46, v34  }
0x5d3: {  	v53 =	vand.u32 $0x1F, v56  }
0x5d4: {  	v53 =	vadd.s32 v32, v53  }
0x5d5: {  	v63 =	vand.u32 $0xFFFFFF80, v53;
	[tilespmem:v54+s25+$0x0] =	vst.idx.msk $0xffff, v50  }
0x5d6: {  	v53 =	vand.u32 $0x7F, v53;
	v63 =	vadd.s32 v51, v63;
	v54 =	vor.u32 s9, v43;
	v52 =	vld.idx.msk [tilespmem:v52+s13+$0x0], $0xffff  }
0x5d7: {  	v50 =	vor.u32 v53, v63  }
0x5d8: {  	v56 =	vadd.s32 v47, v34  }
0x5d9: {  	v53 =	vand.u32 $0x1F, v56  }
0x5da: {  	v53 =	vadd.s32 v32, v53  }
0x5db: {  	v63 =	vand.u32 $0xFFFFFF80, v53;
	[tilespmem:v54+s25+$0x0] =	vst.idx.msk $0xffff, v52  }
0x5dc: {  	v53 =	vand.u32 $0x7F, v53;
	v63 =	vadd.s32 v51, v63;
	v54 =	vor.u32 s9, v44;
	v50 =	vld.idx.msk [tilespmem:v50+s13+$0x0], $0xffff  }
0x5dd: {  	v52 =	vor.u32 v53, v63  }
0x5de: {  	v56 =	vadd.s32 v48, v34  }
0x5df: {  	v53 =	vand.u32 $0x1F, v56  }
0x5e0: {  	v53 =	vadd.s32 v32, v53  }
0x5e1: {  	v63 =	vand.u32 $0xFFFFFF80, v53;
	[tilespmem:v54+s25+$0x0] =	vst.idx.msk $0xffff, v50  }
0x5e2: {  	v53 =	vand.u32 $0x7F, v53;
	v50 =	vadd.s32 v51, v63;
	v63 =	vor.u32 s9, v45;
	v52 =	vld.idx.msk [tilespmem:v52+s13+$0x0], $0xffff  }
0x5e3: {  	v50 =	vor.u32 v53, v50  }
0x5e4: {  	v34 =	vadd.s32 v49, v34  }
0x5e5: {  	v34 =	vand.u32 $0x1F, v34  }
0x5e6: {  	v32 =	vadd.s32 v32, v34  }
0x5e7: {  	v34 =	vand.u32 $0xFFFFFF80, v32;
	[tilespmem:v63+s25+$0x0] =	vst.idx.msk $0xffff, v52  }
0x5e8: {  	v32 =	vand.u32 $0x7F, v32;
	v34 =	vadd.s32 v51, v34;
	v63 =	vor.u32 s9, v8;
	v50 =	vld.idx.msk [tilespmem:v50+s13+$0x0], $0xffff  }
0x5e9: {  	v32 =	vor.u32 v32, v34;
	_ =	sdelay $0x3  }
0x5ea: {  	[tilespmem:v63+s25+$0x0] =	vst.idx.msk $0xffff, v50  }
0x5eb: {  	s0 =	sadd.s32 $0x4, s29;
	v52 =	vor.u32 s9, v9;
	v50 =	vld.idx.msk [tilespmem:v32+s13+$0x0], $0xffff  }
0x5ec: {  	s8 =	sor.u32 $0x1, s8;
	s20 =	simm.s32 $0x8;
	s19 =	simm.s32 $0x4;
	v56 =	vmovc v44;
	v51 =	vor.u32 s0, v57;
	v63 =	vmov v39;
	v39 =	vmov v42  }
.LBB2_26:
0x5ed: {  	_ =	sdelay $0x1  }
0x5ee: {  	p2 =	sne.s32 s20, $0x7C;
	s9 =	smov.u32 s20;
	s20 =	sadd.s32 $0x4, s20  }
0x5ef: {  	[tilespmem:v52+s25+$0x0] =	vst.idx.msk $0xffff, v50  }
0x5f0: {  	v32 =	vld.idx.msk [tilespmem:v51+s14+$0x0], $0xffff;
	_ =	sdelay $0x1  }
0x5f1: {  	v34 =	vld.idx.msk [tilespmem:v51+s6+$0x0], $0xffff  }
0x5f2: {  	v50 =	vmov s19  }
0x5f3: {  	v50 =	vshll.u32 v50, $0x7  }
0x5f4: {  	v51 =	vor.u32 s19, v60;
	v50 =	vor.u32 v59, v50;
	v52 =	vadd.s32 v58, v32  }
0x5f5: {  	v44 =	vmovc v56;
	v53 =	vadd.s32 v61, v32;
	v54 =	vadd.s32 v62, v32;
	v56 =	vadd.s32 v39, v32  }
0x5f6: {  	v57 =	vadd.s32 v47, v32;
	v61 =	vadd.s32 v48, v32;
	v52 =	vand.u32 $0x1F, v52  }
0x5f7: {  	v53 =	vand.u32 $0x1F, v53;
	v54 =	vand.u32 $0x1F, v54;
	v57 =	vand.u32 $0x1F, v57  }
0x5f8: {  	v61 =	vand.u32 $0x1F, v61;
	v52 =	vadd.s32 v34, v52;
	v53 =	vadd.s32 v34, v53  }
0x5f9: {  	v54 =	vadd.s32 v34, v54;
	v55 =	vand.u32 $0xFFFFFF80, v52;
	v52 =	vand.u32 $0x7F, v52  }
0x5fa: {  	v42 =	vmovc v39;
	v57 =	vadd.s32 v34, v57;
	v61 =	vadd.s32 v34, v61;
	v55 =	vadd.s32 v50, v55  }
0x5fb: {  	v52 =	vor.u32 v52, v55;
	v55 =	vand.u32 $0x1F, v56;
	v56 =	vadd.s32 v46, v32  }
0x5fc: {  	v58 =	vand.u32 $0xFFFFFF80, v53;
	v59 =	vand.u32 $0xFFFFFF80, v54;
	v56 =	vand.u32 $0x1F, v56  }
0x5fd: {  	v53 =	vand.u32 $0x7F, v53;
	v58 =	vadd.s32 v50, v58;
	v55 =	vadd.s32 v34, v55  }
0x5fe: {  	v39 =	vmovc v63;
	v62 =	vand.u32 $0xFFFFFF80, v57;
	v63 =	vand.u32 $0xFFFFFF80, v61;
	v60 =	vand.u32 $0xFFFFFF80, v55  }
0x5ff: {  	v59 =	vadd.s32 v50, v59;
	v32 =	vadd.s32 v49, v32;
	v60 =	vadd.s32 v50, v60  }
0x600: {  	v53 =	vor.u32 v53, v58;
	v32 =	vand.u32 $0x1F, v32;
	v56 =	vadd.s32 v34, v56;
	v52 =	vld.idx.msk [tilespmem:v52+s13+$0x0], $0xffff  }
0x601: {  	v32 =	vadd.s32 v34, v32;
	v34 =	vadd.s32 v50, v62;
	v58 =	vand.u32 $0xFFFFFF80, v56  }
0x602: {  	v62 =	vadd.s32 v50, v63;
	v63 =	vand.u32 $0xFFFFFF80, v32;
	v58 =	vadd.s32 v50, v58;
	_ =	sdelay $0x2  }
0x603: {  	v50 =	vadd.s32 v50, v63;
	v63 =	vmov v39  }
0x604: {  	[tilespmem:v51+s25+$0x0] =	vst.idx.msk $0xffff, v52  }
0x605: {  	v52 =	vor.u32 s19, v39;
	v51 =	vld.idx.msk [tilespmem:v53+s13+$0x0], $0xffff;
	v53 =	vand.u32 $0x7F, v54  }
0x606: {  	v53 =	vor.u32 v53, v59;
	v59 =	vmov v36;
	_ =	sdelay $0x4  }
0x607: {  	[tilespmem:v52+s25+$0x0] =	vst.idx.msk $0xffff, v51  }
0x608: {  	v52 =	vor.u32 s19, v41;
	v51 =	vld.idx.msk [tilespmem:v53+s13+$0x0], $0xffff;
	v53 =	vand.u32 $0x7F, v55  }
0x609: {  	v53 =	vor.u32 v53, v60;
	v60 =	vmov v37;
	_ =	sdelay $0x4  }
0x60a: {  	[tilespmem:v52+s25+$0x0] =	vst.idx.msk $0xffff, v51  }
0x60b: {  	v39 =	vmovc v42;
	v52 =	vor.u32 s19, v43;
	v51 =	vld.idx.msk [tilespmem:v53+s13+$0x0], $0xffff;
	v53 =	vand.u32 $0x7F, v56;
	v56 =	vmov v44  }
0x60c: {  	v53 =	vor.u32 v53, v58;
	v58 =	vmov v35;
	_ =	sdelay $0x4  }
0x60d: {  	[tilespmem:v52+s25+$0x0] =	vst.idx.msk $0xffff, v51  }
0x60e: {  	v52 =	vor.u32 s19, v44;
	v51 =	vld.idx.msk [tilespmem:v53+s13+$0x0], $0xffff;
	v53 =	vand.u32 $0x7F, v57  }
0x60f: {  	v34 =	vor.u32 v53, v34;
	_ =	sdelay $0x4  }
0x610: {  	[tilespmem:v52+s25+$0x0] =	vst.idx.msk $0xffff, v51  }
0x611: {  	v51 =	vor.u32 s19, v45;
	v52 =	vand.u32 $0x7F, v61;
	v61 =	vmov v38;
	v34 =	vld.idx.msk [tilespmem:v34+s13+$0x0], $0xffff  }
0x612: {  	v52 =	vor.u32 v52, v62;
	v62 =	vmov v40;
	_ =	sdelay $0x4  }
0x613: {  	[tilespmem:v51+s25+$0x0] =	vst.idx.msk $0xffff, v34  }
0x614: {  	v32 =	vand.u32 $0x7F, v32;
	v51 =	vor.u32 s19, v8;
	v34 =	vld.idx.msk [tilespmem:v52+s13+$0x0], $0xffff  }
0x615: {  	v32 =	vor.u32 v32, v50;
	_ =	sdelay $0x2  }
.Ltmp15:
0x616: {  	(pc) =	sbr.rel @p2 .LBB2_26-.Ltmp15, $4  }
0x617: {  	_ = 	snop  }
0x618: {  	[tilespmem:v51+s25+$0x0] =	vst.idx.msk $0xffff, v34  }
0x619: {  	s0 =	sadd.s32 s9, s29;
	v52 =	vor.u32 s19, v9;
	s19 =	smov.u32 s9;
	v50 =	vld.idx.msk [tilespmem:v32+s13+$0x0], $0xffff  }
0x61a: {  	v51 =	vor.u32 s0, v33  }
0x61b: {  	_ =	sdelay $0x3  }
0x61c: {  	[tilespmem:v52+s25+$0x0] =	vst.idx.msk $0xffff, v50  }
0x61d: {  	v32 =	vld.idx.msk [tilespmem:v51+s14+$0x0], $0xffff;
	_ =	sdelay $0x1  }
0x61e: {  	v34 =	vld.idx.msk [tilespmem:v51+s6+$0x0], $0xffff;
	_ =	sdelay $0x2  }
0x61f: {  	v55 =	vadd.s32 v58, v32  }
0x620: {  	v57 =	vmov v33;
	v33 =	vmov s19;
	v50 =	vand.u32 $0x1F, v55  }
0x621: {  	v51 =	vshll.u32 v33, $0x7;
	v50 =	vadd.s32 v34, v50  }
0x622: {  	v51 =	vor.u32 v59, v51;
	v35 =	vand.u32 $0xFFFFFF80, v50  }
0x623: {  	v50 =	vand.u32 $0x7F, v50;
	v52 =	vadd.s32 v51, v35  }
0x624: {  	v50 =	vor.u32 v50, v52  }
0x625: {  	v36 =	vadd.s32 v61, v32  }
0x626: {  	v52 =	vand.u32 $0x1F, v36  }
0x627: {  	v52 =	vadd.s32 v34, v52  }
0x628: {  	v53 =	vand.u32 $0xFFFFFF80, v52  }
0x629: {  	v54 =	vor.u32 s19, v60;
	v52 =	vand.u32 $0x7F, v52;
	v53 =	vadd.s32 v51, v53;
	v50 =	vld.idx.msk [tilespmem:v50+s13+$0x0], $0xffff  }
0x62a: {  	v52 =	vor.u32 v52, v53  }
0x62b: {  	v37 =	vadd.s32 v62, v32  }
0x62c: {  	v53 =	vand.u32 $0x1F, v37  }
0x62d: {  	v53 =	vadd.s32 v34, v53  }
0x62e: {  	v55 =	vand.u32 $0xFFFFFF80, v53;
	[tilespmem:v54+s25+$0x0] =	vst.idx.msk $0xffff, v50  }
0x62f: {  	v40 =	vor.u32 s19, v63;
	v53 =	vand.u32 $0x7F, v53;
	v38 =	vadd.s32 v51, v55;
	v52 =	vld.idx.msk [tilespmem:v52+s13+$0x0], $0xffff  }
0x630: {  	v50 =	vor.u32 v53, v38  }
0x631: {  	v42 =	vadd.s32 v39, v32  }
0x632: {  	v53 =	vand.u32 $0x1F, v42  }
0x633: {  	v53 =	vadd.s32 v34, v53  }
0x634: {  	v44 =	vand.u32 $0xFFFFFF80, v53;
	[tilespmem:v40+s25+$0x0] =	vst.idx.msk $0xffff, v52  }
0x635: {  	v35 =	vor.u32 s19, v41;
	v53 =	vand.u32 $0x7F, v53;
	v33 =	vadd.s32 v51, v44;
	v50 =	vld.idx.msk [tilespmem:v50+s13+$0x0], $0xffff  }
0x636: {  	v52 =	vor.u32 v53, v33  }
0x637: {  	v46 =	vadd.s32 v46, v32  }
0x638: {  	v46 =	vand.u32 $0x1F, v46  }
0x639: {  	v46 =	vadd.s32 v34, v46  }
0x63a: {  	v36 =	vand.u32 $0xFFFFFF80, v46;
	[tilespmem:v35+s25+$0x0] =	vst.idx.msk $0xffff, v50  }
0x63b: {  	v46 =	vand.u32 $0x7F, v46;
	v37 =	vadd.s32 v51, v36;
	v38 =	vor.u32 s19, v43;
	v52 =	vld.idx.msk [tilespmem:v52+s13+$0x0], $0xffff  }
0x63c: {  	v46 =	vor.u32 v46, v37  }
0x63d: {  	v47 =	vadd.s32 v47, v32  }
0x63e: {  	v47 =	vand.u32 $0x1F, v47  }
0x63f: {  	v47 =	vadd.s32 v34, v47  }
0x640: {  	v40 =	vand.u32 $0xFFFFFF80, v47;
	[tilespmem:v38+s25+$0x0] =	vst.idx.msk $0xffff, v52  }
0x641: {  	v42 =	vor.u32 s19, v56;
	v47 =	vand.u32 $0x7F, v47;
	v50 =	vadd.s32 v51, v40;
	v46 =	vld.idx.msk [tilespmem:v46+s13+$0x0], $0xffff  }
0x642: {  	v47 =	vor.u32 v47, v50  }
0x643: {  	v48 =	vadd.s32 v48, v32  }
0x644: {  	v48 =	vand.u32 $0x1F, v48  }
0x645: {  	v48 =	vadd.s32 v34, v48  }
0x646: {  	v44 =	vand.u32 $0xFFFFFF80, v48;
	[tilespmem:v42+s25+$0x0] =	vst.idx.msk $0xffff, v46  }
0x647: {  	v48 =	vand.u32 $0x7F, v48;
	v53 =	vor.u32 s19, v45;
	v52 =	vadd.s32 v51, v44;
	v47 =	vld.idx.msk [tilespmem:v47+s13+$0x0], $0xffff  }
0x648: {  	v46 =	vor.u32 v48, v52  }
0x649: {  	v32 =	vadd.s32 v49, v32  }
0x64a: {  	v32 =	vand.u32 $0x1F, v32  }
0x64b: {  	v32 =	vadd.s32 v34, v32  }
0x64c: {  	v34 =	vand.u32 $0xFFFFFF80, v32;
	[tilespmem:v53+s25+$0x0] =	vst.idx.msk $0xffff, v47  }
0x64d: {  	v54 =	vor.u32 s19, v8;
	v32 =	vand.u32 $0x7F, v32;
	v34 =	vadd.s32 v51, v34;
	v46 =	vld.idx.msk [tilespmem:v46+s13+$0x0], $0xffff  }
0x64e: {  	v32 =	vor.u32 v32, v34;
	_ =	sdelay $0x3  }
0x64f: {  	[tilespmem:v54+s25+$0x0] =	vst.idx.msk $0xffff, v46  }
0x650: {  	v55 =	vor.u32 s19, v9;
	v32 =	vld.idx.msk [tilespmem:v32+s13+$0x0], $0xffff;
	_ =	sdelay $0x1  }
.Ltmp16:
0x651: {  	s0 =	sadd.s32 s16, s8;
	(pc) =	sbr.rel @p3 .LBB2_29-.Ltmp16, $4  }
0x652: {  	s0 =	sshll.u32 s0, $0x7  }
0x653: {  	s20 =	rddreg [dreg:$0x2];
	s0 =	sand.u32 $0x1FFFFF80, s0  }
0x654: {  	s0 =	sadd.s32 s20, s0;
	[tilespmem:v55+s25+$0x0] =	vst.idx.msk $0xffff, v32  }
0x655: {  	v36 =	vmovc v9;
	v34 =	vmovc v45;
	v33 =	vmov v43;
	v35 =	vmov v8;
	v32 =	vmov v41;
	[hbm4b:s0+s31] =	stream.strided.scatter [tilespmem:s25], [sflag:$0x8], $0x1000, s10, s31, $0x38;
	[tilespmem:$0x1CC00] =	vst v63  }
.Ltmp17:
0x656: {  	(pc) =	sbr.rel .LBB2_23-.Ltmp17, $4  }
0x657: {  	s0 =	sshll.u32 s11, $0x8  }
0x658: {  	s8 =	simm.s32 $0x80;
	s11 =	sadd.s32 $0x1, s11;
	s0 =	sand.u32 $0x3FFFFF00, s0  }
0x659: {  	s5 =	sadd.s32 $0x100, s5;
	s29 =	sadd.s32 $0x100, s29;
	s0 =	sadd.s32 $0x8180, s0  }
0x65a: {  	[tilespmem:s13], [sflag:$0x6] =	stream.indirect.gather [hbm4b:s4+s8], $0x80, s0, s8, $0xb8;
	[tilespmem:$0x1CC00] =	vst v63  }
.LBB2_30:
0x65b: {  	_ =	sfence.sel $0x180000  }
0x65c: {  	[bflag:$0x0] =	sbarrier.arrive $0xFFFF  }
0x65d: {  	_ =	strace $0x90000047  }
0x65e: {  	[bflag:$0x2] =	sbarrier.arrive $0xFFFF  }
0x65f: {  	s0 =	rddreg [dreg:$0x4]  }
0x660: {  	s0 =	sadd.s32 @!p0 $0x100000, s0  }
0x661: {  	[sflag:s0] =	ssyncadd.tile.s32 @!p0 $0x1;
	_ =	shalt  }
.Lfunc_end2:
_tile_overlayer_lowered:
.L_overlay_start_2:
0x662: {  	(tag) =	ssettag $0x2  }
0x663: {  	s0 =	rddreg [dreg:$0x0];
	s2 =	stileid.u32  }
0x664: {  	s1 =	rddreg [dreg:$0x1];
	p0 =	sne.s32 s2, $0x0  }
0x665: {  	s3 =	rddreg [dreg:$0x2];
	[bflag:$0x3] =	sbarrier.arrive $0xFFFF;
	s2 =	simm.s32 @!p0 $0x1C0A  }
0x666: {  	[timem:s3], [sflag:s2] =	dma.local @!p0 [hbm:s0], s1  }
0x667: {  	s0 =	simm.s32 @!p0 $0xA  }
0x668: {  	_ =	swait.ge @!p0 [sflag:s0], s1  }
0x669: {  	s1 =	ssub.s32 @!p0 $0x0, s1;
	[sflag:s0] =	ssyncset.done @!p0 $0x0  }
0x66a: {  	[sflag:s0] =	ssyncadd.s32 @!p0 s1  }
0x66b: {  	[bflag:$0x3] =	sbarrier.arrive $0xFFFF  }
0x66c: {  	_ =	shalt  }

</sc_bundles>
